<compile_context>
chip_gen: v7x
topology: tpu7x:2x2x1
jax: 0.10.2.dev20260603
libtpu: 0.0.44.dev20260713+nightly
codegen_flags: <defaults>
</compile_context>

<pallas_src>
import functools

import jax
import jax.numpy as jnp
from jax import lax
from jax.experimental import pallas as pl
from jax.experimental.pallas import tpu as pltpu
from jax.experimental.pallas import tpu_sc as plsc


def kernel(U, V, pos_u_idxs, pos_v_idxs, neg_v_idxs):
    B = pos_u_idxs.shape[0]
    K = neg_v_idxs.shape[1]
    D = U.shape[1]
    L = 16
    RW = 2 * D
    NC, NS = 2, 16
    NW = NC * NS
    BPW = B // NW
    C = 16
    NCHUNK = BPW // C
    KP = 24
    NBUF = 2

    W = jnp.concatenate([U, V], axis=1)
    neg_flat = neg_v_idxs.reshape(B * K)

    mesh = plsc.VectorSubcoreMesh(
        core_axis_name="c", subcore_axis_name="s",
        num_cores=NC, num_subcores=NS)

    @functools.partial(
        pl.kernel,
        out_type=jax.ShapeDtypeStruct((NW, KP, BPW), jnp.float32),
        mesh=mesh,
        scratch_types=[
            pltpu.VMEM((BPW,), jnp.int32),
            pltpu.VMEM((BPW,), jnp.int32),
            pltpu.VMEM((BPW * K,), jnp.int32),
            pltpu.VMEM((NBUF, C, RW), jnp.float32),
            pltpu.VMEM((NBUF, C, RW), jnp.float32),
            pltpu.VMEM((NBUF, C * K, RW), jnp.float32),
            pltpu.VMEM((KP, BPW), jnp.float32),
            pltpu.SemaphoreType.DMA,
            pltpu.SemaphoreType.DMA,
        ],
        compiler_params=pltpu.CompilerParams(
            needs_layout_passes=False, use_tc_tiling_on_sc=True),
    )
    def sc_scores(w_hbm, pu_hbm, pv_hbm, nv_hbm, out_hbm,
                  iu, ipv, inv, rows_u, rows_pv, rows_nv, scores, sem, sem2):
        wid = lax.axis_index("s") * NC + lax.axis_index("c")
        gbase = wid * BPW
        eye = lax.iota(jnp.int32, L)

        c1 = pltpu.async_copy(pu_hbm.at[pl.ds(gbase, BPW)], iu, sem2)
        c2 = pltpu.async_copy(pv_hbm.at[pl.ds(gbase, BPW)], ipv, sem2)
        c3 = pltpu.async_copy(nv_hbm.at[pl.ds(gbase * K, BPW * K)], inv, sem2)
        c1.wait()
        c2.wait()
        c3.wait()

        def fire(cj):
            lb = cj * C
            bb = lax.rem(cj, NBUF)
            pltpu.async_copy(w_hbm.at[iu.at[pl.ds(lb, C)]],
                             rows_u.at[bb], sem)
            pltpu.async_copy(w_hbm.at[ipv.at[pl.ds(lb, C)]],
                             rows_pv.at[bb], sem)
            pltpu.async_copy(w_hbm.at[inv.at[pl.ds(lb * K, C * K)]],
                             rows_nv.at[bb], sem)

        def drain(cj):
            lb = cj * C
            bb = lax.rem(cj, NBUF)
            pltpu.make_async_copy(w_hbm.at[iu.at[pl.ds(lb, C)]],
                                  rows_u.at[bb], sem).wait()
            pltpu.make_async_copy(w_hbm.at[ipv.at[pl.ds(lb, C)]],
                                  rows_pv.at[bb], sem).wait()
            pltpu.make_async_copy(w_hbm.at[inv.at[pl.ds(lb * K, C * K)]],
                                  rows_nv.at[bb], sem).wait()

        fire(0)

        def chunk_body(ci, carry):
            lb = ci * C
            bb = lax.rem(ci, NBUF)
            drain(ci)

            @pl.when(ci + 1 < NCHUNK)
            def _():
                fire(ci + 1)

            bbv = jnp.broadcast_to(bb, (L,)).astype(jnp.int32)
            nrow = [eye * K + t for t in range(K)]

            def make_pass(klist, with_pos):
                def dbody(d, accs):
                    du = jnp.broadcast_to(d, (L,)).astype(jnp.int32)
                    dv = du + D
                    ud = plsc.load_gather(rows_u, [bbv, eye, du])
                    new = []
                    i = 0
                    if with_pos:
                        pvd = plsc.load_gather(rows_pv, [bbv, eye, dv])
                        new.append(accs[0] + ud * pvd)
                        i = 1
                    for t in klist:
                        nvd = plsc.load_gather(rows_nv, [bbv, nrow[t], dv])
                        new.append(accs[i] + ud * nvd)
                        i += 1
                    return tuple(new)
                n = len(klist) + (1 if with_pos else 0)
                zero = jnp.zeros((L,), jnp.float32)
                return lax.fori_loop(0, D, dbody, (zero,) * n, unroll=8)

            r1 = make_pass(list(range(0, 6)), with_pos=True)
            r2 = make_pass(list(range(6, 13)), with_pos=False)
            r3 = make_pass(list(range(13, 20)), with_pos=False)

            scores[0, pl.ds(lb, L)] = r1[0]
            for t in range(6):
                scores[1 + t, pl.ds(lb, L)] = -r1[1 + t]
            for t in range(6, 13):
                scores[1 + t, pl.ds(lb, L)] = -r2[t - 6]
            for t in range(13, 20):
                scores[1 + t, pl.ds(lb, L)] = -r3[t - 13]
            return carry

        lax.fori_loop(0, NCHUNK, chunk_body, 0)
        pltpu.sync_copy(scores, out_hbm.at[wid])

    scores3 = sc_scores(W, pos_u_idxs, pos_v_idxs, neg_flat)

    def tc_body(s_ref, o_ref):
        x = s_ref[...]
        krow = lax.broadcasted_iota(jnp.int32, x.shape, 1)
        valid = krow < (1 + K)
        ls = jnp.where(valid, jnp.log(jax.nn.sigmoid(x)), 0.0)
        o_ref[0, 0] = -jnp.sum(ls) / B

    loss = pl.pallas_call(
        tc_body,
        out_shape=jax.ShapeDtypeStruct((1, 1), jnp.float32),
        out_specs=pl.BlockSpec(memory_space=pltpu.SMEM),
    )(scores3)
    return loss[0, 0]

# --- scband reference (transcript-rebuilt; emitter-appended) ---
"""Pipeline reference for scband-word2-vec-2680059593307 (READ-ONLY COPY).

The authoritative reference and input builder live on the scoring server;
editing this copy changes nothing except your own understanding.
"""

import jax, jax.numpy as jnp
import numpy as np

VOCAB = 1000000
DIM = 64
BATCH = 16384
NEG = 20

def setup_inputs(seed: int = 0) -> dict:
    key = jax.random.key(seed)
    k1, k2, k3, k4, k5 = jax.random.split(key, 5)
    bound = 0.5 / DIM
    U = jax.random.uniform(k1, (VOCAB, DIM), dtype=jnp.float32, minval=-bound, maxval=bound)
    V = jax.random.uniform(k2, (VOCAB, DIM), dtype=jnp.float32, minval=-bound, maxval=bound)
    pos_u_idxs = jax.random.randint(k3, (BATCH,), 0, VOCAB, dtype=jnp.int64 if jax.config.jax_enable_x64 else jnp.int32)
    pos_v_idxs = jax.random.randint(k4, (BATCH,), 0, VOCAB, dtype=jnp.int64 if jax.config.jax_enable_x64 else jnp.int32)
    neg_v_idxs = jax.random.randint(k5, (BATCH, NEG), 0, VOCAB, dtype=jnp.int64 if jax.config.jax_enable_x64 else jnp.int32)
    return {"U": U, "V": V, "pos_u_idxs": pos_u_idxs, "pos_v_idxs": pos_v_idxs, "neg_v_idxs": neg_v_idxs}

def reference(U, V, pos_u_idxs, pos_v_idxs, neg_v_idxs):
    # embedding lookups (sparse gathers)
    pos_u = jnp.take(U, pos_u_idxs, axis=0)        # [B, D]
    pos_v = jnp.take(V, pos_v_idxs, axis=0)        # [B, D]
    neg_v = jnp.take(V, neg_v_idxs, axis=0)        # [B, K, D]
    B, D = pos_u.shape
    # torch: bmm(pos_v[B,1,D], pos_u[B,D,1]) -> [B,1,1]
    pos_score = jnp.einsum('bd,bd->b', pos_v, pos_u).reshape(B, 1, 1)
    pos_loss = jnp.log(jax.nn.sigmoid(pos_score))  # [B,1,1]
    # torch: bmm(neg_v.neg()[B,K,D], pos_u[B,D,1]) -> [B,K,1]; squeeze -> [B,K]; sum(dim=1) -> [B]
    neg_score = jnp.einsum('bkd,bd->bk', -neg_v, pos_u)
    neg_loss = jnp.sum(jnp.log(jax.nn.sigmoid(neg_score)), axis=1)  # [B]
    # faithful to torch broadcasting: [B,1,1] + [B] -> [B,1,B], then mean -> scalar
    loss = -jnp.mean(pos_loss + neg_loss)
    return loss

if __name__ == "__main__":
    import jax
    _d = setup_inputs()
    print(jax.jit(kernel)(*tuple(_d.values())))

</pallas_src>

<mosaic_0001>
#map = affine_map<(d0, d1) -> (0, 0)>
#map1 = affine_map<(d0, d1) -> (0)>
#map2 = affine_map<(d0, d1) -> (0, 0, 0)>
module attributes {stable_mosaic.version = 14 : i64} {
  func.func @sc_scores(%arg0: i32, %arg1: i32, %arg2: memref<1000000x128xf32, #tpu.memory_space<hbm>>, %arg3: memref<16384xi32, #tpu.memory_space<hbm>>, %arg4: memref<16384xi32, #tpu.memory_space<hbm>>, %arg5: memref<327680xi32, #tpu.memory_space<hbm>>, %arg6: memref<32x24x512xf32, #tpu.memory_space<hbm>>, %arg7: memref<512xi32, #tpu.memory_space<vmem>>, %arg8: memref<512xi32, #tpu.memory_space<vmem>>, %arg9: memref<10240xi32, #tpu.memory_space<vmem>>, %arg10: memref<2x16x128xf32, #tpu.memory_space<vmem>>, %arg11: memref<2x16x128xf32, #tpu.memory_space<vmem>>, %arg12: memref<2x320x128xf32, #tpu.memory_space<vmem>>, %arg13: memref<24x512xf32, #tpu.memory_space<vmem>>, %arg14: memref<!tpu.dma_semaphore, #tpu.memory_space<semaphore_mem>>, %arg15: memref<!tpu.dma_semaphore, #tpu.memory_space<semaphore_mem>>) attributes {dimension_semantics = [#tpu.dimension_semantics<core_parallel>, #tpu.dimension_semantics<subcore_parallel>], iteration_bounds = array<i64: 2, 16>, scalar_prefetch = 0 : i64, scratch_operands = 9 : i64, tpu.core_type = #tpu.core_type<sc_vector_subcore>, window_params = [{transform_indices = #map}, {transform_indices = #map1}, {transform_indices = #map1}, {transform_indices = #map1}, {transform_indices = #map2}]} {
    %mul3A = arith.constant 2 : i32
    %mul3A_0 = arith.muli %arg1, %mul3A : i32
    %add3A = arith.addi %mul3A_0, %arg0 : i32
    %mul3A_1 = arith.constant 512 : i32
    %mul3A_2 = arith.muli %add3A, %mul3A_1 : i32
    %iota3A = tpu.iota {dimensions = array<i32: 0>} : vector<16xi32>
    %dma_start3A = tpu.memref_slice %arg3[%mul3A_2] : memref<16384xi32, #tpu.memory_space<hbm>> -> memref<512xi32, #tpu.memory_space<hbm>>
    %dma_start3A_3 = tpu.memref_slice %arg3[%mul3A_2] : memref<16384xi32, #tpu.memory_space<hbm>> -> memref<512xi32, #tpu.memory_space<hbm>>
    tpu.enqueue_dma source(%dma_start3A_3 : memref<512xi32, #tpu.memory_space<hbm>>) target(%arg7 : memref<512xi32, #tpu.memory_space<vmem>>) target_semaphore(%arg15 : memref<!tpu.dma_semaphore, #tpu.memory_space<semaphore_mem>>)
    %dma_start3A_4 = tpu.memref_slice %arg4[%mul3A_2] : memref<16384xi32, #tpu.memory_space<hbm>> -> memref<512xi32, #tpu.memory_space<hbm>>
    %dma_start3A_5 = tpu.memref_slice %arg4[%mul3A_2] : memref<16384xi32, #tpu.memory_space<hbm>> -> memref<512xi32, #tpu.memory_space<hbm>>
    tpu.enqueue_dma source(%dma_start3A_5 : memref<512xi32, #tpu.memory_space<hbm>>) target(%arg8 : memref<512xi32, #tpu.memory_space<vmem>>) target_semaphore(%arg15 : memref<!tpu.dma_semaphore, #tpu.memory_space<semaphore_mem>>)
    %mul3A_6 = arith.constant 20 : i32
    %mul3A_7 = arith.muli %mul3A_2, %mul3A_6 : i32
    %dma_start3A_8 = tpu.memref_slice %arg5[%mul3A_7] : memref<327680xi32, #tpu.memory_space<hbm>> -> memref<10240xi32, #tpu.memory_space<hbm>>
    %dma_start3A_9 = tpu.memref_slice %arg5[%mul3A_7] : memref<327680xi32, #tpu.memory_space<hbm>> -> memref<10240xi32, #tpu.memory_space<hbm>>
    tpu.enqueue_dma source(%dma_start3A_9 : memref<10240xi32, #tpu.memory_space<hbm>>) target(%arg9 : memref<10240xi32, #tpu.memory_space<vmem>>) target_semaphore(%arg15 : memref<!tpu.dma_semaphore, #tpu.memory_space<semaphore_mem>>)
    %dma_wait3A = tpu.memref_slice %arg3[%mul3A_2] : memref<16384xi32, #tpu.memory_space<hbm>> -> memref<512xi32, #tpu.memory_space<hbm>>
    %dma_wait3A_10 = tpu.memref_slice %arg3[%mul3A_2] : memref<16384xi32, #tpu.memory_space<hbm>> -> memref<512xi32, #tpu.memory_space<hbm>>
    tpu.wait_dma2 semaphore(%arg15 : memref<!tpu.dma_semaphore, #tpu.memory_space<semaphore_mem>>) src(%dma_wait3A_10 : memref<512xi32, #tpu.memory_space<hbm>>) dst(%arg7 : memref<512xi32, #tpu.memory_space<vmem>>)
    %dma_wait3A_11 = tpu.memref_slice %arg4[%mul3A_2] : memref<16384xi32, #tpu.memory_space<hbm>> -> memref<512xi32, #tpu.memory_space<hbm>>
    %dma_wait3A_12 = tpu.memref_slice %arg4[%mul3A_2] : memref<16384xi32, #tpu.memory_space<hbm>> -> memref<512xi32, #tpu.memory_space<hbm>>
    tpu.wait_dma2 semaphore(%arg15 : memref<!tpu.dma_semaphore, #tpu.memory_space<semaphore_mem>>) src(%dma_wait3A_12 : memref<512xi32, #tpu.memory_space<hbm>>) dst(%arg8 : memref<512xi32, #tpu.memory_space<vmem>>)
    %dma_wait3A_13 = tpu.memref_slice %arg5[%mul3A_7] : memref<327680xi32, #tpu.memory_space<hbm>> -> memref<10240xi32, #tpu.memory_space<hbm>>
    %dma_wait3A_14 = tpu.memref_slice %arg5[%mul3A_7] : memref<327680xi32, #tpu.memory_space<hbm>> -> memref<10240xi32, #tpu.memory_space<hbm>>
    tpu.wait_dma2 semaphore(%arg15 : memref<!tpu.dma_semaphore, #tpu.memory_space<semaphore_mem>>) src(%dma_wait3A_14 : memref<10240xi32, #tpu.memory_space<hbm>>) dst(%arg9 : memref<10240xi32, #tpu.memory_space<vmem>>)
    %rem3A = arith.constant 0 : i32
    %rem3A_15 = arith.constant 2 : i32
    %rem3A_16 = arith.remsi %rem3A, %rem3A_15 : i32
    %dma_start3A_17 = arith.constant 0 : i32
    %dma_start3A_18 = arith.constant 0 : i32
    %dma_start3A_19 = tpu.memref_slice %arg10[%rem3A_16, %dma_start3A_17, %dma_start3A_18] : memref<2x16x128xf32, #tpu.memory_space<vmem>> -> memref<1x16x128xf32, #tpu.memory_space<vmem>>
    %dma_start3A_20 = tpu.memref_squeeze %dma_start3A_19 : memref<1x16x128xf32, #tpu.memory_space<vmem>> -> memref<16x128xf32, #tpu.memory_space<vmem>>
    %dma_start3A_21 = arith.constant 0 : i32
    %dma_start3A_22 = tpu.memref_slice %arg7[%dma_start3A_21] : memref<512xi32, #tpu.memory_space<vmem>> -> memref<16xi32, #tpu.memory_space<vmem>>
    %dma_start3A_23 = arith.constant 0 : i32
    %dma_start3A_24 = arith.constant 0 : i32
    %dma_start3A_25 = tpu.memref_slice %arg2[%dma_start3A_23, %dma_start3A_24] : memref<1000000x128xf32, #tpu.memory_space<hbm>> -> memref<1000000x128xf32, #tpu.memory_space<hbm>>
    tpu.enqueue_indirect_dma source(%dma_start3A_25 : memref<1000000x128xf32, #tpu.memory_space<hbm>>) target(%dma_start3A_20 : memref<16x128xf32, #tpu.memory_space<vmem>>) offsets(%dma_start3A_22 : memref<16xi32, #tpu.memory_space<vmem>>) semaphore(%arg14 : memref<!tpu.dma_semaphore, #tpu.memory_space<semaphore_mem>>)
    %dma_start3A_26 = arith.constant 0 : i32
    %dma_start3A_27 = arith.constant 0 : i32
    %dma_start3A_28 = tpu.memref_slice %arg11[%rem3A_16, %dma_start3A_26, %dma_start3A_27] : memref<2x16x128xf32, #tpu.memory_space<vmem>> -> memref<1x16x128xf32, #tpu.memory_space<vmem>>
    %dma_start3A_29 = tpu.memref_squeeze %dma_start3A_28 : memref<1x16x128xf32, #tpu.memory_space<vmem>> -> memref<16x128xf32, #tpu.memory_space<vmem>>
    %dma_start3A_30 = arith.constant 0 : i32
    %dma_start3A_31 = tpu.memref_slice %arg8[%dma_start3A_30] : memref<512xi32, #tpu.memory_space<vmem>> -> memref<16xi32, #tpu.memory_space<vmem>>
    %dma_start3A_32 = arith.constant 0 : i32
    %dma_start3A_33 = arith.constant 0 : i32
    %dma_start3A_34 = tpu.memref_slice %arg2[%dma_start3A_32, %dma_start3A_33] : memref<1000000x128xf32, #tpu.memory_space<hbm>> -> memref<1000000x128xf32, #tpu.memory_space<hbm>>
    tpu.enqueue_indirect_dma source(%dma_start3A_34 : memref<1000000x128xf32, #tpu.memory_space<hbm>>) target(%dma_start3A_29 : memref<16x128xf32, #tpu.memory_space<vmem>>) offsets(%dma_start3A_31 : memref<16xi32, #tpu.memory_space<vmem>>) semaphore(%arg14 : memref<!tpu.dma_semaphore, #tpu.memory_space<semaphore_mem>>)
    %dma_start3A_35 = arith.constant 0 : i32
    %dma_start3A_36 = arith.constant 0 : i32
    %dma_start3A_37 = tpu.memref_slice %arg12[%rem3A_16, %dma_start3A_35, %dma_start3A_36] : memref<2x320x128xf32, #tpu.memory_space<vmem>> -> memref<1x320x128xf32, #tpu.memory_space<vmem>>
    %dma_start3A_38 = tpu.memref_squeeze %dma_start3A_37 : memref<1x320x128xf32, #tpu.memory_space<vmem>> -> memref<320x128xf32, #tpu.memory_space<vmem>>
    %dma_start3A_39 = arith.constant 0 : i32
    %dma_start3A_40 = tpu.memref_slice %arg9[%dma_start3A_39] : memref<10240xi32, #tpu.memory_space<vmem>> -> memref<320xi32, #tpu.memory_space<vmem>>
    %dma_start3A_41 = arith.constant 0 : i32
    %dma_start3A_42 = arith.constant 0 : i32
    %dma_start3A_43 = tpu.memref_slice %arg2[%dma_start3A_41, %dma_start3A_42] : memref<1000000x128xf32, #tpu.memory_space<hbm>> -> memref<1000000x128xf32, #tpu.memory_space<hbm>>
    tpu.enqueue_indirect_dma source(%dma_start3A_43 : memref<1000000x128xf32, #tpu.memory_space<hbm>>) target(%dma_start3A_38 : memref<320x128xf32, #tpu.memory_space<vmem>>) offsets(%dma_start3A_40 : memref<320xi32, #tpu.memory_space<vmem>>) semaphore(%arg14 : memref<!tpu.dma_semaphore, #tpu.memory_space<semaphore_mem>>)
    %scan3A = arith.constant 0 : i32
    %scan3A_44 = arith.constant 0 : i32
    %scan3A_45 = arith.constant 32 : i32
    %scan3A_46 = arith.addi %scan3A_44, %scan3A_45 : i32
    %scan3A_47 = arith.constant 1 : i32
    scf.for %scan3A_49 = %scan3A_44 to %scan3A_46 step %scan3A_47  : i32 {
      %mul3A_50 = arith.constant 16 : i32
      %mul3A_51 = arith.muli %scan3A_49, %mul3A_50 : i32
      %rem3A_52 = arith.constant 2 : i32
      %rem3A_53 = arith.remsi %scan3A_49, %rem3A_52 : i32
      %mul3A_54 = arith.constant 16 : i32
      %mul3A_55 = arith.muli %scan3A_49, %mul3A_54 : i32
      %rem3A_56 = arith.constant 2 : i32
      %rem3A_57 = arith.remsi %scan3A_49, %rem3A_56 : i32
      %dma_wait3A_58 = arith.constant 0 : i32
      %dma_wait3A_59 = arith.constant 0 : i32
      %dma_wait3A_60 = tpu.memref_slice %arg10[%rem3A_57, %dma_wait3A_58, %dma_wait3A_59] : memref<2x16x128xf32, #tpu.memory_space<vmem>> -> memref<1x16x128xf32, #tpu.memory_space<vmem>>
      %dma_wait3A_61 = tpu.memref_squeeze %dma_wait3A_60 : memref<1x16x128xf32, #tpu.memory_space<vmem>> -> memref<16x128xf32, #tpu.memory_space<vmem>>
      %dma_wait3A_62 = tpu.memref_slice %arg7[%mul3A_55] : memref<512xi32, #tpu.memory_space<vmem>> -> memref<16xi32, #tpu.memory_space<vmem>>
      %dma_wait3A_63 = arith.constant 0 : i32
      %dma_wait3A_64 = arith.constant 0 : i32
      %dma_wait3A_65 = tpu.memref_slice %arg2[%dma_wait3A_63, %dma_wait3A_64] : memref<1000000x128xf32, #tpu.memory_space<hbm>> -> memref<1000000x128xf32, #tpu.memory_space<hbm>>
      tpu.wait_indirect_dma semaphore(%arg14 : memref<!tpu.dma_semaphore, #tpu.memory_space<semaphore_mem>>) src(%dma_wait3A_65 : memref<1000000x128xf32, #tpu.memory_space<hbm>>) dst(%dma_wait3A_61 : memref<16x128xf32, #tpu.memory_space<vmem>>)
      %dma_wait3A_66 = arith.constant 0 : i32
      %dma_wait3A_67 = arith.constant 0 : i32
      %dma_wait3A_68 = tpu.memref_slice %arg11[%rem3A_57, %dma_wait3A_66, %dma_wait3A_67] : memref<2x16x128xf32, #tpu.memory_space<vmem>> -> memref<1x16x128xf32, #tpu.memory_space<vmem>>
      %dma_wait3A_69 = tpu.memref_squeeze %dma_wait3A_68 : memref<1x16x128xf32, #tpu.memory_space<vmem>> -> memref<16x128xf32, #tpu.memory_space<vmem>>
      %dma_wait3A_70 = tpu.memref_slice %arg8[%mul3A_55] : memref<512xi32, #tpu.memory_space<vmem>> -> memref<16xi32, #tpu.memory_space<vmem>>
      %dma_wait3A_71 = arith.constant 0 : i32
      %dma_wait3A_72 = arith.constant 0 : i32
      %dma_wait3A_73 = tpu.memref_slice %arg2[%dma_wait3A_71, %dma_wait3A_72] : memref<1000000x128xf32, #tpu.memory_space<hbm>> -> memref<1000000x128xf32, #tpu.memory_space<hbm>>
      tpu.wait_indirect_dma semaphore(%arg14 : memref<!tpu.dma_semaphore, #tpu.memory_space<semaphore_mem>>) src(%dma_wait3A_73 : memref<1000000x128xf32, #tpu.memory_space<hbm>>) dst(%dma_wait3A_69 : memref<16x128xf32, #tpu.memory_space<vmem>>)
      %mul3A_74 = arith.constant 20 : i32
      %mul3A_75 = arith.muli %mul3A_55, %mul3A_74 : i32
      %dma_wait3A_76 = arith.constant 0 : i32
      %dma_wait3A_77 = arith.constant 0 : i32
      %dma_wait3A_78 = tpu.memref_slice %arg12[%rem3A_57, %dma_wait3A_76, %dma_wait3A_77] : memref<2x320x128xf32, #tpu.memory_space<vmem>> -> memref<1x320x128xf32, #tpu.memory_space<vmem>>
      %dma_wait3A_79 = tpu.memref_squeeze %dma_wait3A_78 : memref<1x320x128xf32, #tpu.memory_space<vmem>> -> memref<320x128xf32, #tpu.memory_space<vmem>>
      %dma_wait3A_80 = tpu.memref_slice %arg9[%mul3A_75] : memref<10240xi32, #tpu.memory_space<vmem>> -> memref<320xi32, #tpu.memory_space<vmem>>
      %dma_wait3A_81 = arith.constant 0 : i32
      %dma_wait3A_82 = arith.constant 0 : i32
      %dma_wait3A_83 = tpu.memref_slice %arg2[%dma_wait3A_81, %dma_wait3A_82] : memref<1000000x128xf32, #tpu.memory_space<hbm>> -> memref<1000000x128xf32, #tpu.memory_space<hbm>>
      tpu.wait_indirect_dma semaphore(%arg14 : memref<!tpu.dma_semaphore, #tpu.memory_space<semaphore_mem>>) src(%dma_wait3A_83 : memref<1000000x128xf32, #tpu.memory_space<hbm>>) dst(%dma_wait3A_79 : memref<320x128xf32, #tpu.memory_space<vmem>>)
      %add3A_84 = arith.constant 1 : i32
      %add3A_85 = arith.addi %scan3A_49, %add3A_84 : i32
      %lt3A = arith.constant 32 : i32
      %lt3A_86 = arith.cmpi slt, %add3A_85, %lt3A : i32
      %convert_element_type3A = arith.extui %lt3A_86 : i1 to i32
      %cond3A = arith.constant 0 : i32
      %cond3A_87 = arith.cmpi ne, %convert_element_type3A, %cond3A : i32
      scf.if %cond3A_87 {
        %add3A_374 = arith.constant 1 : i32
        %add3A_375 = arith.addi %scan3A_49, %add3A_374 : i32
        %mul3A_376 = arith.constant 16 : i32
        %mul3A_377 = arith.muli %add3A_375, %mul3A_376 : i32
        %rem3A_378 = arith.constant 2 : i32
        %rem3A_379 = arith.remsi %add3A_375, %rem3A_378 : i32
        %dma_start3A_380 = arith.constant 0 : i32
        %dma_start3A_381 = arith.constant 0 : i32
        %dma_start3A_382 = tpu.memref_slice %arg10[%rem3A_379, %dma_start3A_380, %dma_start3A_381] : memref<2x16x128xf32, #tpu.memory_space<vmem>> -> memref<1x16x128xf32, #tpu.memory_space<vmem>>
        %dma_start3A_383 = tpu.memref_squeeze %dma_start3A_382 : memref<1x16x128xf32, #tpu.memory_space<vmem>> -> memref<16x128xf32, #tpu.memory_space<vmem>>
        %dma_start3A_384 = tpu.memref_slice %arg7[%mul3A_377] : memref<512xi32, #tpu.memory_space<vmem>> -> memref<16xi32, #tpu.memory_space<vmem>>
        %dma_start3A_385 = arith.constant 0 : i32
        %dma_start3A_386 = arith.constant 0 : i32
        %dma_start3A_387 = tpu.memref_slice %arg2[%dma_start3A_385, %dma_start3A_386] : memref<1000000x128xf32, #tpu.memory_space<hbm>> -> memref<1000000x128xf32, #tpu.memory_space<hbm>>
        tpu.enqueue_indirect_dma source(%dma_start3A_387 : memref<1000000x128xf32, #tpu.memory_space<hbm>>) target(%dma_start3A_383 : memref<16x128xf32, #tpu.memory_space<vmem>>) offsets(%dma_start3A_384 : memref<16xi32, #tpu.memory_space<vmem>>) semaphore(%arg14 : memref<!tpu.dma_semaphore, #tpu.memory_space<semaphore_mem>>)
        %dma_start3A_388 = arith.constant 0 : i32
        %dma_start3A_389 = arith.constant 0 : i32
        %dma_start3A_390 = tpu.memref_slice %arg11[%rem3A_379, %dma_start3A_388, %dma_start3A_389] : memref<2x16x128xf32, #tpu.memory_space<vmem>> -> memref<1x16x128xf32, #tpu.memory_space<vmem>>
        %dma_start3A_391 = tpu.memref_squeeze %dma_start3A_390 : memref<1x16x128xf32, #tpu.memory_space<vmem>> -> memref<16x128xf32, #tpu.memory_space<vmem>>
        %dma_start3A_392 = tpu.memref_slice %arg8[%mul3A_377] : memref<512xi32, #tpu.memory_space<vmem>> -> memref<16xi32, #tpu.memory_space<vmem>>
        %dma_start3A_393 = arith.constant 0 : i32
        %dma_start3A_394 = arith.constant 0 : i32
        %dma_start3A_395 = tpu.memref_slice %arg2[%dma_start3A_393, %dma_start3A_394] : memref<1000000x128xf32, #tpu.memory_space<hbm>> -> memref<1000000x128xf32, #tpu.memory_space<hbm>>
        tpu.enqueue_indirect_dma source(%dma_start3A_395 : memref<1000000x128xf32, #tpu.memory_space<hbm>>) target(%dma_start3A_391 : memref<16x128xf32, #tpu.memory_space<vmem>>) offsets(%dma_start3A_392 : memref<16xi32, #tpu.memory_space<vmem>>) semaphore(%arg14 : memref<!tpu.dma_semaphore, #tpu.memory_space<semaphore_mem>>)
        %mul3A_396 = arith.constant 20 : i32
        %mul3A_397 = arith.muli %mul3A_377, %mul3A_396 : i32
        %dma_start3A_398 = arith.constant 0 : i32
        %dma_start3A_399 = arith.constant 0 : i32
        %dma_start3A_400 = tpu.memref_slice %arg12[%rem3A_379, %dma_start3A_398, %dma_start3A_399] : memref<2x320x128xf32, #tpu.memory_space<vmem>> -> memref<1x320x128xf32, #tpu.memory_space<vmem>>
        %dma_start3A_401 = tpu.memref_squeeze %dma_start3A_400 : memref<1x320x128xf32, #tpu.memory_space<vmem>> -> memref<320x128xf32, #tpu.memory_space<vmem>>
        %dma_start3A_402 = tpu.memref_slice %arg9[%mul3A_397] : memref<10240xi32, #tpu.memory_space<vmem>> -> memref<320xi32, #tpu.memory_space<vmem>>
        %dma_start3A_403 = arith.constant 0 : i32
        %dma_start3A_404 = arith.constant 0 : i32
        %dma_start3A_405 = tpu.memref_slice %arg2[%dma_start3A_403, %dma_start3A_404] : memref<1000000x128xf32, #tpu.memory_space<hbm>> -> memref<1000000x128xf32, #tpu.memory_space<hbm>>
        tpu.enqueue_indirect_dma source(%dma_start3A_405 : memref<1000000x128xf32, #tpu.memory_space<hbm>>) target(%dma_start3A_401 : memref<320x128xf32, #tpu.memory_space<vmem>>) offsets(%dma_start3A_402 : memref<320xi32, #tpu.memory_space<vmem>>) semaphore(%arg14 : memref<!tpu.dma_semaphore, #tpu.memory_space<semaphore_mem>>)
      } else {
      }
      %broadcast_in_dim3A = vector.broadcast %rem3A_53 : i32 to vector<16xi32>
      %mul3A_88 = arith.constant 20 : i32
      %mul3A_89 = vector.broadcast %mul3A_88 : i32 to vector<16xi32>
      %mul3A_90 = arith.muli %iota3A, %mul3A_89 : vector<16xi32>
      %add3A_91 = arith.constant 0 : i32
      %add3A_92 = vector.broadcast %add3A_91 : i32 to vector<16xi32>
      %add3A_93 = arith.addi %mul3A_90, %add3A_92 : vector<16xi32>
      %mul3A_94 = arith.constant 20 : i32
      %mul3A_95 = vector.broadcast %mul3A_94 : i32 to vector<16xi32>
      %mul3A_96 = arith.muli %iota3A, %mul3A_95 : vector<16xi32>
      %add3A_97 = arith.constant 1 : i32
      %add3A_98 = vector.broadcast %add3A_97 : i32 to vector<16xi32>
      %add3A_99 = arith.addi %mul3A_96, %add3A_98 : vector<16xi32>
      %mul3A_100 = arith.constant 20 : i32
      %mul3A_101 = vector.broadcast %mul3A_100 : i32 to vector<16xi32>
      %mul3A_102 = arith.muli %iota3A, %mul3A_101 : vector<16xi32>
      %add3A_103 = arith.constant 2 : i32
      %add3A_104 = vector.broadcast %add3A_103 : i32 to vector<16xi32>
      %add3A_105 = arith.addi %mul3A_102, %add3A_104 : vector<16xi32>
      %mul3A_106 = arith.constant 20 : i32
      %mul3A_107 = vector.broadcast %mul3A_106 : i32 to vector<16xi32>
      %mul3A_108 = arith.muli %iota3A, %mul3A_107 : vector<16xi32>
      %add3A_109 = arith.constant 3 : i32
      %add3A_110 = vector.broadcast %add3A_109 : i32 to vector<16xi32>
      %add3A_111 = arith.addi %mul3A_108, %add3A_110 : vector<16xi32>
      %mul3A_112 = arith.constant 20 : i32
      %mul3A_113 = vector.broadcast %mul3A_112 : i32 to vector<16xi32>
      %mul3A_114 = arith.muli %iota3A, %mul3A_113 : vector<16xi32>
      %add3A_115 = arith.constant 4 : i32
      %add3A_116 = vector.broadcast %add3A_115 : i32 to vector<16xi32>
      %add3A_117 = arith.addi %mul3A_114, %add3A_116 : vector<16xi32>
      %mul3A_118 = arith.constant 20 : i32
      %mul3A_119 = vector.broadcast %mul3A_118 : i32 to vector<16xi32>
      %mul3A_120 = arith.muli %iota3A, %mul3A_119 : vector<16xi32>
      %add3A_121 = arith.constant 5 : i32
      %add3A_122 = vector.broadcast %add3A_121 : i32 to vector<16xi32>
      %add3A_123 = arith.addi %mul3A_120, %add3A_122 : vector<16xi32>
      %mul3A_124 = arith.constant 20 : i32
      %mul3A_125 = vector.broadcast %mul3A_124 : i32 to vector<16xi32>
      %mul3A_126 = arith.muli %iota3A, %mul3A_125 : vector<16xi32>
      %add3A_127 = arith.constant 6 : i32
      %add3A_128 = vector.broadcast %add3A_127 : i32 to vector<16xi32>
      %add3A_129 = arith.addi %mul3A_126, %add3A_128 : vector<16xi32>
      %mul3A_130 = arith.constant 20 : i32
      %mul3A_131 = vector.broadcast %mul3A_130 : i32 to vector<16xi32>
      %mul3A_132 = arith.muli %iota3A, %mul3A_131 : vector<16xi32>
      %add3A_133 = arith.constant 7 : i32
      %add3A_134 = vector.broadcast %add3A_133 : i32 to vector<16xi32>
      %add3A_135 = arith.addi %mul3A_132, %add3A_134 : vector<16xi32>
      %mul3A_136 = arith.constant 20 : i32
      %mul3A_137 = vector.broadcast %mul3A_136 : i32 to vector<16xi32>
      %mul3A_138 = arith.muli %iota3A, %mul3A_137 : vector<16xi32>
      %add3A_139 = arith.constant 8 : i32
      %add3A_140 = vector.broadcast %add3A_139 : i32 to vector<16xi32>
      %add3A_141 = arith.addi %mul3A_138, %add3A_140 : vector<16xi32>
      %mul3A_142 = arith.constant 20 : i32
      %mul3A_143 = vector.broadcast %mul3A_142 : i32 to vector<16xi32>
      %mul3A_144 = arith.muli %iota3A, %mul3A_143 : vector<16xi32>
      %add3A_145 = arith.constant 9 : i32
      %add3A_146 = vector.broadcast %add3A_145 : i32 to vector<16xi32>
      %add3A_147 = arith.addi %mul3A_144, %add3A_146 : vector<16xi32>
      %mul3A_148 = arith.constant 20 : i32
      %mul3A_149 = vector.broadcast %mul3A_148 : i32 to vector<16xi32>
      %mul3A_150 = arith.muli %iota3A, %mul3A_149 : vector<16xi32>
      %add3A_151 = arith.constant 10 : i32
      %add3A_152 = vector.broadcast %add3A_151 : i32 to vector<16xi32>
      %add3A_153 = arith.addi %mul3A_150, %add3A_152 : vector<16xi32>
      %mul3A_154 = arith.constant 20 : i32
      %mul3A_155 = vector.broadcast %mul3A_154 : i32 to vector<16xi32>
      %mul3A_156 = arith.muli %iota3A, %mul3A_155 : vector<16xi32>
      %add3A_157 = arith.constant 11 : i32
      %add3A_158 = vector.broadcast %add3A_157 : i32 to vector<16xi32>
      %add3A_159 = arith.addi %mul3A_156, %add3A_158 : vector<16xi32>
      %mul3A_160 = arith.constant 20 : i32
      %mul3A_161 = vector.broadcast %mul3A_160 : i32 to vector<16xi32>
      %mul3A_162 = arith.muli %iota3A, %mul3A_161 : vector<16xi32>
      %add3A_163 = arith.constant 12 : i32
      %add3A_164 = vector.broadcast %add3A_163 : i32 to vector<16xi32>
      %add3A_165 = arith.addi %mul3A_162, %add3A_164 : vector<16xi32>
      %mul3A_166 = arith.constant 20 : i32
      %mul3A_167 = vector.broadcast %mul3A_166 : i32 to vector<16xi32>
      %mul3A_168 = arith.muli %iota3A, %mul3A_167 : vector<16xi32>
      %add3A_169 = arith.constant 13 : i32
      %add3A_170 = vector.broadcast %add3A_169 : i32 to vector<16xi32>
      %add3A_171 = arith.addi %mul3A_168, %add3A_170 : vector<16xi32>
      %mul3A_172 = arith.constant 20 : i32
      %mul3A_173 = vector.broadcast %mul3A_172 : i32 to vector<16xi32>
      %mul3A_174 = arith.muli %iota3A, %mul3A_173 : vector<16xi32>
      %add3A_175 = arith.constant 14 : i32
      %add3A_176 = vector.broadcast %add3A_175 : i32 to vector<16xi32>
      %add3A_177 = arith.addi %mul3A_174, %add3A_176 : vector<16xi32>
      %mul3A_178 = arith.constant 20 : i32
      %mul3A_179 = vector.broadcast %mul3A_178 : i32 to vector<16xi32>
      %mul3A_180 = arith.muli %iota3A, %mul3A_179 : vector<16xi32>
      %add3A_181 = arith.constant 15 : i32
      %add3A_182 = vector.broadcast %add3A_181 : i32 to vector<16xi32>
      %add3A_183 = arith.addi %mul3A_180, %add3A_182 : vector<16xi32>
      %mul3A_184 = arith.constant 20 : i32
      %mul3A_185 = vector.broadcast %mul3A_184 : i32 to vector<16xi32>
      %mul3A_186 = arith.muli %iota3A, %mul3A_185 : vector<16xi32>
      %add3A_187 = arith.constant 16 : i32
      %add3A_188 = vector.broadcast %add3A_187 : i32 to vector<16xi32>
      %add3A_189 = arith.addi %mul3A_186, %add3A_188 : vector<16xi32>
      %mul3A_190 = arith.constant 20 : i32
      %mul3A_191 = vector.broadcast %mul3A_190 : i32 to vector<16xi32>
      %mul3A_192 = arith.muli %iota3A, %mul3A_191 : vector<16xi32>
      %add3A_193 = arith.constant 17 : i32
      %add3A_194 = vector.broadcast %add3A_193 : i32 to vector<16xi32>
      %add3A_195 = arith.addi %mul3A_192, %add3A_194 : vector<16xi32>
      %mul3A_196 = arith.constant 20 : i32
      %mul3A_197 = vector.broadcast %mul3A_196 : i32 to vector<16xi32>
      %mul3A_198 = arith.muli %iota3A, %mul3A_197 : vector<16xi32>
      %add3A_199 = arith.constant 18 : i32
      %add3A_200 = vector.broadcast %add3A_199 : i32 to vector<16xi32>
      %add3A_201 = arith.addi %mul3A_198, %add3A_200 : vector<16xi32>
      %mul3A_202 = arith.constant 20 : i32
      %mul3A_203 = vector.broadcast %mul3A_202 : i32 to vector<16xi32>
      %mul3A_204 = arith.muli %iota3A, %mul3A_203 : vector<16xi32>
      %add3A_205 = arith.constant 19 : i32
      %add3A_206 = vector.broadcast %add3A_205 : i32 to vector<16xi32>
      %add3A_207 = arith.addi %mul3A_204, %add3A_206 : vector<16xi32>
      %broadcast_in_dim3A_208 = arith.constant 0.000000e+00 : f32
      %broadcast_in_dim3A_209 = vector.broadcast %broadcast_in_dim3A_208 : f32 to vector<16xf32>
      %scan3A_210 = arith.constant 0 : i32
      %scan3A_211 = arith.constant 64 : i32
      %scan3A_212 = arith.addi %scan3A_210, %scan3A_211 : i32
      %scan3A_213 = arith.constant 8 : i32
      %scan3A_214:7 = scf.for %scan3A_374 = %scan3A_210 to %scan3A_212 step %scan3A_213 iter_args(%scan3A_375 = %broadcast_in_dim3A_209, %scan3A_376 = %broadcast_in_dim3A_209, %scan3A_377 = %broadcast_in_dim3A_209, %scan3A_378 = %broadcast_in_dim3A_209, %scan3A_379 = %broadcast_in_dim3A_209, %scan3A_380 = %broadcast_in_dim3A_209, %scan3A_381 = %broadcast_in_dim3A_209) -> (vector<16xf32>, vector<16xf32>, vector<16xf32>, vector<16xf32>, vector<16xf32>, vector<16xf32>, vector<16xf32>)  : i32 {
        %broadcast_in_dim3A_382 = vector.broadcast %scan3A_374 : i32 to vector<16xi32>
        %add3A_383 = arith.constant 64 : i32
        %add3A_384 = vector.broadcast %add3A_383 : i32 to vector<16xi32>
        %add3A_385 = arith.addi %broadcast_in_dim3A_382, %add3A_384 : vector<16xi32>
        %gather3A = tpu.vector_load_idx %arg10[%broadcast_in_dim3A, %iota3A, %broadcast_in_dim3A_382] : memref<2x16x128xf32, #tpu.memory_space<vmem>>[vector<16xi32>, vector<16xi32>, vector<16xi32>], vector<16xf32>,
        %gather3A_386 = tpu.vector_load_idx %arg11[%broadcast_in_dim3A, %iota3A, %add3A_385] : memref<2x16x128xf32, #tpu.memory_space<vmem>>[vector<16xi32>, vector<16xi32>, vector<16xi32>], vector<16xf32>,
        %mul3A_387 = arith.mulf %gather3A, %gather3A_386 : vector<16xf32>
        %add3A_388 = arith.addf %scan3A_375, %mul3A_387 : vector<16xf32>
        %gather3A_389 = tpu.vector_load_idx %arg12[%broadcast_in_dim3A, %add3A_93, %add3A_385] : memref<2x320x128xf32, #tpu.memory_space<vmem>>[vector<16xi32>, vector<16xi32>, vector<16xi32>], vector<16xf32>,
        %mul3A_390 = arith.mulf %gather3A, %gather3A_389 : vector<16xf32>
        %add3A_391 = arith.addf %scan3A_376, %mul3A_390 : vector<16xf32>
        %gather3A_392 = tpu.vector_load_idx %arg12[%broadcast_in_dim3A, %add3A_99, %add3A_385] : memref<2x320x128xf32, #tpu.memory_space<vmem>>[vector<16xi32>, vector<16xi32>, vector<16xi32>], vector<16xf32>,
        %mul3A_393 = arith.mulf %gather3A, %gather3A_392 : vector<16xf32>
        %add3A_394 = arith.addf %scan3A_377, %mul3A_393 : vector<16xf32>
        %gather3A_395 = tpu.vector_load_idx %arg12[%broadcast_in_dim3A, %add3A_105, %add3A_385] : memref<2x320x128xf32, #tpu.memory_space<vmem>>[vector<16xi32>, vector<16xi32>, vector<16xi32>], vector<16xf32>,
        %mul3A_396 = arith.mulf %gather3A, %gather3A_395 : vector<16xf32>
        %add3A_397 = arith.addf %scan3A_378, %mul3A_396 : vector<16xf32>
        %gather3A_398 = tpu.vector_load_idx %arg12[%broadcast_in_dim3A, %add3A_111, %add3A_385] : memref<2x320x128xf32, #tpu.memory_space<vmem>>[vector<16xi32>, vector<16xi32>, vector<16xi32>], vector<16xf32>,
        %mul3A_399 = arith.mulf %gather3A, %gather3A_398 : vector<16xf32>
        %add3A_400 = arith.addf %scan3A_379, %mul3A_399 : vector<16xf32>
        %gather3A_401 = tpu.vector_load_idx %arg12[%broadcast_in_dim3A, %add3A_117, %add3A_385] : memref<2x320x128xf32, #tpu.memory_space<vmem>>[vector<16xi32>, vector<16xi32>, vector<16xi32>], vector<16xf32>,
        %mul3A_402 = arith.mulf %gather3A, %gather3A_401 : vector<16xf32>
        %add3A_403 = arith.addf %scan3A_380, %mul3A_402 : vector<16xf32>
        %gather3A_404 = tpu.vector_load_idx %arg12[%broadcast_in_dim3A, %add3A_123, %add3A_385] : memref<2x320x128xf32, #tpu.memory_space<vmem>>[vector<16xi32>, vector<16xi32>, vector<16xi32>], vector<16xf32>,
        %mul3A_405 = arith.mulf %gather3A, %gather3A_404 : vector<16xf32>
        %add3A_406 = arith.addf %scan3A_381, %mul3A_405 : vector<16xf32>
        %scan3A_407 = arith.constant 1 : i32
        %scan3A_408 = arith.addi %scan3A_374, %scan3A_407 : i32
        %broadcast_in_dim3A_409 = vector.broadcast %scan3A_408 : i32 to vector<16xi32>
        %add3A_410 = arith.constant 64 : i32
        %add3A_411 = vector.broadcast %add3A_410 : i32 to vector<16xi32>
        %add3A_412 = arith.addi %broadcast_in_dim3A_409, %add3A_411 : vector<16xi32>
        %gather3A_413 = tpu.vector_load_idx %arg10[%broadcast_in_dim3A, %iota3A, %broadcast_in_dim3A_409] : memref<2x16x128xf32, #tpu.memory_space<vmem>>[vector<16xi32>, vector<16xi32>, vector<16xi32>], vector<16xf32>,
        %gather3A_414 = tpu.vector_load_idx %arg11[%broadcast_in_dim3A, %iota3A, %add3A_412] : memref<2x16x128xf32, #tpu.memory_space<vmem>>[vector<16xi32>, vector<16xi32>, vector<16xi32>], vector<16xf32>,
        %mul3A_415 = arith.mulf %gather3A_413, %gather3A_414 : vector<16xf32>
        %add3A_416 = arith.addf %add3A_388, %mul3A_415 : vector<16xf32>
        %gather3A_417 = tpu.vector_load_idx %arg12[%broadcast_in_dim3A, %add3A_93, %add3A_412] : memref<2x320x128xf32, #tpu.memory_space<vmem>>[vector<16xi32>, vector<16xi32>, vector<16xi32>], vector<16xf32>,
        %mul3A_418 = arith.mulf %gather3A_413, %gather3A_417 : vector<16xf32>
        %add3A_419 = arith.addf %add3A_391, %mul3A_418 : vector<16xf32>
        %gather3A_420 = tpu.vector_load_idx %arg12[%broadcast_in_dim3A, %add3A_99, %add3A_412] : memref<2x320x128xf32, #tpu.memory_space<vmem>>[vector<16xi32>, vector<16xi32>, vector<16xi32>], vector<16xf32>,
        %mul3A_421 = arith.mulf %gather3A_413, %gather3A_420 : vector<16xf32>
        %add3A_422 = arith.addf %add3A_394, %mul3A_421 : vector<16xf32>
        %gather3A_423 = tpu.vector_load_idx %arg12[%broadcast_in_dim3A, %add3A_105, %add3A_412] : memref<2x320x128xf32, #tpu.memory_space<vmem>>[vector<16xi32>, vector<16xi32>, vector<16xi32>], vector<16xf32>,
        %mul3A_424 = arith.mulf %gather3A_413, %gather3A_423 : vector<16xf32>
        %add3A_425 = arith.addf %add3A_397, %mul3A_424 : vector<16xf32>
        %gather3A_426 = tpu.vector_load_idx %arg12[%broadcast_in_dim3A, %add3A_111, %add3A_412] : memref<2x320x128xf32, #tpu.memory_space<vmem>>[vector<16xi32>, vector<16xi32>, vector<16xi32>], vector<16xf32>,
        %mul3A_427 = arith.mulf %gather3A_413, %gather3A_426 : vector<16xf32>
        %add3A_428 = arith.addf %add3A_400, %mul3A_427 : vector<16xf32>
        %gather3A_429 = tpu.vector_load_idx %arg12[%broadcast_in_dim3A, %add3A_117, %add3A_412] : memref<2x320x128xf32, #tpu.memory_space<vmem>>[vector<16xi32>, vector<16xi32>, vector<16xi32>], vector<16xf32>,
        %mul3A_430 = arith.mulf %gather3A_413, %gather3A_429 : vector<16xf32>
        %add3A_431 = arith.addf %add3A_403, %mul3A_430 : vector<16xf32>
        %gather3A_432 = tpu.vector_load_idx %arg12[%broadcast_in_dim3A, %add3A_123, %add3A_412] : memref<2x320x128xf32, #tpu.memory_space<vmem>>[vector<16xi32>, vector<16xi32>, vector<16xi32>], vector<16xf32>,
        %mul3A_433 = arith.mulf %gather3A_413, %gather3A_432 : vector<16xf32>
        %add3A_434 = arith.addf %add3A_406, %mul3A_433 : vector<16xf32>
        %scan3A_435 = arith.constant 2 : i32
        %scan3A_436 = arith.addi %scan3A_374, %scan3A_435 : i32
        %broadcast_in_dim3A_437 = vector.broadcast %scan3A_436 : i32 to vector<16xi32>
        %add3A_438 = arith.constant 64 : i32
        %add3A_439 = vector.broadcast %add3A_438 : i32 to vector<16xi32>
        %add3A_440 = arith.addi %broadcast_in_dim3A_437, %add3A_439 : vector<16xi32>
        %gather3A_441 = tpu.vector_load_idx %arg10[%broadcast_in_dim3A, %iota3A, %broadcast_in_dim3A_437] : memref<2x16x128xf32, #tpu.memory_space<vmem>>[vector<16xi32>, vector<16xi32>, vector<16xi32>], vector<16xf32>,
        %gather3A_442 = tpu.vector_load_idx %arg11[%broadcast_in_dim3A, %iota3A, %add3A_440] : memref<2x16x128xf32, #tpu.memory_space<vmem>>[vector<16xi32>, vector<16xi32>, vector<16xi32>], vector<16xf32>,
        %mul3A_443 = arith.mulf %gather3A_441, %gather3A_442 : vector<16xf32>
        %add3A_444 = arith.addf %add3A_416, %mul3A_443 : vector<16xf32>
        %gather3A_445 = tpu.vector_load_idx %arg12[%broadcast_in_dim3A, %add3A_93, %add3A_440] : memref<2x320x128xf32, #tpu.memory_space<vmem>>[vector<16xi32>, vector<16xi32>, vector<16xi32>], vector<16xf32>,
        %mul3A_446 = arith.mulf %gather3A_441, %gather3A_445 : vector<16xf32>
        %add3A_447 = arith.addf %add3A_419, %mul3A_446 : vector<16xf32>
        %gather3A_448 = tpu.vector_load_idx %arg12[%broadcast_in_dim3A, %add3A_99, %add3A_440] : memref<2x320x128xf32, #tpu.memory_space<vmem>>[vector<16xi32>, vector<16xi32>, vector<16xi32>], vector<16xf32>,
        %mul3A_449 = arith.mulf %gather3A_441, %gather3A_448 : vector<16xf32>
        %add3A_450 = arith.addf %add3A_422, %mul3A_449 : vector<16xf32>
        %gather3A_451 = tpu.vector_load_idx %arg12[%broadcast_in_dim3A, %add3A_105, %add3A_440] : memref<2x320x128xf32, #tpu.memory_space<vmem>>[vector<16xi32>, vector<16xi32>, vector<16xi32>], vector<16xf32>,
        %mul3A_452 = arith.mulf %gather3A_441, %gather3A_451 : vector<16xf32>
        %add3A_453 = arith.addf %add3A_425, %mul3A_452 : vector<16xf32>
        %gather3A_454 = tpu.vector_load_idx %arg12[%broadcast_in_dim3A, %add3A_111, %add3A_440] : memref<2x320x128xf32, #tpu.memory_space<vmem>>[vector<16xi32>, vector<16xi32>, vector<16xi32>], vector<16xf32>,
        %mul3A_455 = arith.mulf %gather3A_441, %gather3A_454 : vector<16xf32>
        %add3A_456 = arith.addf %add3A_428, %mul3A_455 : vector<16xf32>
        %gather3A_457 = tpu.vector_load_idx %arg12[%broadcast_in_dim3A, %add3A_117, %add3A_440] : memref<2x320x128xf32, #tpu.memory_space<vmem>>[vector<16xi32>, vector<16xi32>, vector<16xi32>], vector<16xf32>,
        %mul3A_458 = arith.mulf %gather3A_441, %gather3A_457 : vector<16xf32>
        %add3A_459 = arith.addf %add3A_431, %mul3A_458 : vector<16xf32>
        %gather3A_460 = tpu.vector_load_idx %arg12[%broadcast_in_dim3A, %add3A_123, %add3A_440] : memref<2x320x128xf32, #tpu.memory_space<vmem>>[vector<16xi32>, vector<16xi32>, vector<16xi32>], vector<16xf32>,
        %mul3A_461 = arith.mulf %gather3A_441, %gather3A_460 : vector<16xf32>
        %add3A_462 = arith.addf %add3A_434, %mul3A_461 : vector<16xf32>
        %scan3A_463 = arith.constant 3 : i32
        %scan3A_464 = arith.addi %scan3A_374, %scan3A_463 : i32
        %broadcast_in_dim3A_465 = vector.broadcast %scan3A_464 : i32 to vector<16xi32>
        %add3A_466 = arith.constant 64 : i32
        %add3A_467 = vector.broadcast %add3A_466 : i32 to vector<16xi32>
        %add3A_468 = arith.addi %broadcast_in_dim3A_465, %add3A_467 : vector<16xi32>
        %gather3A_469 = tpu.vector_load_idx %arg10[%broadcast_in_dim3A, %iota3A, %broadcast_in_dim3A_465] : memref<2x16x128xf32, #tpu.memory_space<vmem>>[vector<16xi32>, vector<16xi32>, vector<16xi32>], vector<16xf32>,
        %gather3A_470 = tpu.vector_load_idx %arg11[%broadcast_in_dim3A, %iota3A, %add3A_468] : memref<2x16x128xf32, #tpu.memory_space<vmem>>[vector<16xi32>, vector<16xi32>, vector<16xi32>], vector<16xf32>,
        %mul3A_471 = arith.mulf %gather3A_469, %gather3A_470 : vector<16xf32>
        %add3A_472 = arith.addf %add3A_444, %mul3A_471 : vector<16xf32>
        %gather3A_473 = tpu.vector_load_idx %arg12[%broadcast_in_dim3A, %add3A_93, %add3A_468] : memref<2x320x128xf32, #tpu.memory_space<vmem>>[vector<16xi32>, vector<16xi32>, vector<16xi32>], vector<16xf32>,
        %mul3A_474 = arith.mulf %gather3A_469, %gather3A_473 : vector<16xf32>
        %add3A_475 = arith.addf %add3A_447, %mul3A_474 : vector<16xf32>
        %gather3A_476 = tpu.vector_load_idx %arg12[%broadcast_in_dim3A, %add3A_99, %add3A_468] : memref<2x320x128xf32, #tpu.memory_space<vmem>>[vector<16xi32>, vector<16xi32>, vector<16xi32>], vector<16xf32>,
        %mul3A_477 = arith.mulf %gather3A_469, %gather3A_476 : vector<16xf32>
        %add3A_478 = arith.addf %add3A_450, %mul3A_477 : vector<16xf32>
        %gather3A_479 = tpu.vector_load_idx %arg12[%broadcast_in_dim3A, %add3A_105, %add3A_468] : memref<2x320x128xf32, #tpu.memory_space<vmem>>[vector<16xi32>, vector<16xi32>, vector<16xi32>], vector<16xf32>,
        %mul3A_480 = arith.mulf %gather3A_469, %gather3A_479 : vector<16xf32>
        %add3A_481 = arith.addf %add3A_453, %mul3A_480 : vector<16xf32>
        %gather3A_482 = tpu.vector_load_idx %arg12[%broadcast_in_dim3A, %add3A_111, %add3A_468] : memref<2x320x128xf32, #tpu.memory_space<vmem>>[vector<16xi32>, vector<16xi32>, vector<16xi32>], vector<16xf32>,
        %mul3A_483 = arith.mulf %gather3A_469, %gather3A_482 : vector<16xf32>
        %add3A_484 = arith.addf %add3A_456, %mul3A_483 : vector<16xf32>
        %gather3A_485 = tpu.vector_load_idx %arg12[%broadcast_in_dim3A, %add3A_117, %add3A_468] : memref<2x320x128xf32, #tpu.memory_space<vmem>>[vector<16xi32>, vector<16xi32>, vector<16xi32>], vector<16xf32>,
        %mul3A_486 = arith.mulf %gather3A_469, %gather3A_485 : vector<16xf32>
        %add3A_487 = arith.addf %add3A_459, %mul3A_486 : vector<16xf32>
        %gather3A_488 = tpu.vector_load_idx %arg12[%broadcast_in_dim3A, %add3A_123, %add3A_468] : memref<2x320x128xf32, #tpu.memory_space<vmem>>[vector<16xi32>, vector<16xi32>, vector<16xi32>], vector<16xf32>,
        %mul3A_489 = arith.mulf %gather3A_469, %gather3A_488 : vector<16xf32>
        %add3A_490 = arith.addf %add3A_462, %mul3A_489 : vector<16xf32>
        %scan3A_491 = arith.constant 4 : i32
        %scan3A_492 = arith.addi %scan3A_374, %scan3A_491 : i32
        %broadcast_in_dim3A_493 = vector.broadcast %scan3A_492 : i32 to vector<16xi32>
        %add3A_494 = arith.constant 64 : i32
        %add3A_495 = vector.broadcast %add3A_494 : i32 to vector<16xi32>
        %add3A_496 = arith.addi %broadcast_in_dim3A_493, %add3A_495 : vector<16xi32>
        %gather3A_497 = tpu.vector_load_idx %arg10[%broadcast_in_dim3A, %iota3A, %broadcast_in_dim3A_493] : memref<2x16x128xf32, #tpu.memory_space<vmem>>[vector<16xi32>, vector<16xi32>, vector<16xi32>], vector<16xf32>,
        %gather3A_498 = tpu.vector_load_idx %arg11[%broadcast_in_dim3A, %iota3A, %add3A_496] : memref<2x16x128xf32, #tpu.memory_space<vmem>>[vector<16xi32>, vector<16xi32>, vector<16xi32>], vector<16xf32>,
        %mul3A_499 = arith.mulf %gather3A_497, %gather3A_498 : vector<16xf32>
        %add3A_500 = arith.addf %add3A_472, %mul3A_499 : vector<16xf32>
        %gather3A_501 = tpu.vector_load_idx %arg12[%broadcast_in_dim3A, %add3A_93, %add3A_496] : memref<2x320x128xf32, #tpu.memory_space<vmem>>[vector<16xi32>, vector<16xi32>, vector<16xi32>], vector<16xf32>,
        %mul3A_502 = arith.mulf %gather3A_497, %gather3A_501 : vector<16xf32>
        %add3A_503 = arith.addf %add3A_475, %mul3A_502 : vector<16xf32>
        %gather3A_504 = tpu.vector_load_idx %arg12[%broadcast_in_dim3A, %add3A_99, %add3A_496] : memref<2x320x128xf32, #tpu.memory_space<vmem>>[vector<16xi32>, vector<16xi32>, vector<16xi32>], vector<16xf32>,
        %mul3A_505 = arith.mulf %gather3A_497, %gather3A_504 : vector<16xf32>
        %add3A_506 = arith.addf %add3A_478, %mul3A_505 : vector<16xf32>
        %gather3A_507 = tpu.vector_load_idx %arg12[%broadcast_in_dim3A, %add3A_105, %add3A_496] : memref<2x320x128xf32, #tpu.memory_space<vmem>>[vector<16xi32>, vector<16xi32>, vector<16xi32>], vector<16xf32>,
        %mul3A_508 = arith.mulf %gather3A_497, %gather3A_507 : vector<16xf32>
        %add3A_509 = arith.addf %add3A_481, %mul3A_508 : vector<16xf32>
        %gather3A_510 = tpu.vector_load_idx %arg12[%broadcast_in_dim3A, %add3A_111, %add3A_496] : memref<2x320x128xf32, #tpu.memory_space<vmem>>[vector<16xi32>, vector<16xi32>, vector<16xi32>], vector<16xf32>,
        %mul3A_511 = arith.mulf %gather3A_497, %gather3A_510 : vector<16xf32>
        %add3A_512 = arith.addf %add3A_484, %mul3A_511 : vector<16xf32>
        %gather3A_513 = tpu.vector_load_idx %arg12[%broadcast_in_dim3A, %add3A_117, %add3A_496] : memref<2x320x128xf32, #tpu.memory_space<vmem>>[vector<16xi32>, vector<16xi32>, vector<16xi32>], vector<16xf32>,
        %mul3A_514 = arith.mulf %gather3A_497, %gather3A_513 : vector<16xf32>
        %add3A_515 = arith.addf %add3A_487, %mul3A_514 : vector<16xf32>
        %gather3A_516 = tpu.vector_load_idx %arg12[%broadcast_in_dim3A, %add3A_123, %add3A_496] : memref<2x320x128xf32, #tpu.memory_space<vmem>>[vector<16xi32>, vector<16xi32>, vector<16xi32>], vector<16xf32>,
        %mul3A_517 = arith.mulf %gather3A_497, %gather3A_516 : vector<16xf32>
        %add3A_518 = arith.addf %add3A_490, %mul3A_517 : vector<16xf32>
        %scan3A_519 = arith.constant 5 : i32
        %scan3A_520 = arith.addi %scan3A_374, %scan3A_519 : i32
        %broadcast_in_dim3A_521 = vector.broadcast %scan3A_520 : i32 to vector<16xi32>
        %add3A_522 = arith.constant 64 : i32
        %add3A_523 = vector.broadcast %add3A_522 : i32 to vector<16xi32>
        %add3A_524 = arith.addi %broadcast_in_dim3A_521, %add3A_523 : vector<16xi32>
        %gather3A_525 = tpu.vector_load_idx %arg10[%broadcast_in_dim3A, %iota3A, %broadcast_in_dim3A_521] : memref<2x16x128xf32, #tpu.memory_space<vmem>>[vector<16xi32>, vector<16xi32>, vector<16xi32>], vector<16xf32>,
        %gather3A_526 = tpu.vector_load_idx %arg11[%broadcast_in_dim3A, %iota3A, %add3A_524] : memref<2x16x128xf32, #tpu.memory_space<vmem>>[vector<16xi32>, vector<16xi32>, vector<16xi32>], vector<16xf32>,
        %mul3A_527 = arith.mulf %gather3A_525, %gather3A_526 : vector<16xf32>
        %add3A_528 = arith.addf %add3A_500, %mul3A_527 : vector<16xf32>
        %gather3A_529 = tpu.vector_load_idx %arg12[%broadcast_in_dim3A, %add3A_93, %add3A_524] : memref<2x320x128xf32, #tpu.memory_space<vmem>>[vector<16xi32>, vector<16xi32>, vector<16xi32>], vector<16xf32>,
        %mul3A_530 = arith.mulf %gather3A_525, %gather3A_529 : vector<16xf32>
        %add3A_531 = arith.addf %add3A_503, %mul3A_530 : vector<16xf32>
        %gather3A_532 = tpu.vector_load_idx %arg12[%broadcast_in_dim3A, %add3A_99, %add3A_524] : memref<2x320x128xf32, #tpu.memory_space<vmem>>[vector<16xi32>, vector<16xi32>, vector<16xi32>], vector<16xf32>,
        %mul3A_533 = arith.mulf %gather3A_525, %gather3A_532 : vector<16xf32>
        %add3A_534 = arith.addf %add3A_506, %mul3A_533 : vector<16xf32>
        %gather3A_535 = tpu.vector_load_idx %arg12[%broadcast_in_dim3A, %add3A_105, %add3A_524] : memref<2x320x128xf32, #tpu.memory_space<vmem>>[vector<16xi32>, vector<16xi32>, vector<16xi32>], vector<16xf32>,
        %mul3A_536 = arith.mulf %gather3A_525, %gather3A_535 : vector<16xf32>
        %add3A_537 = arith.addf %add3A_509, %mul3A_536 : vector<16xf32>
        %gather3A_538 = tpu.vector_load_idx %arg12[%broadcast_in_dim3A, %add3A_111, %add3A_524] : memref<2x320x128xf32, #tpu.memory_space<vmem>>[vector<16xi32>, vector<16xi32>, vector<16xi32>], vector<16xf32>,
        %mul3A_539 = arith.mulf %gather3A_525, %gather3A_538 : vector<16xf32>
        %add3A_540 = arith.addf %add3A_512, %mul3A_539 : vector<16xf32>
        %gather3A_541 = tpu.vector_load_idx %arg12[%broadcast_in_dim3A, %add3A_117, %add3A_524] : memref<2x320x128xf32, #tpu.memory_space<vmem>>[vector<16xi32>, vector<16xi32>, vector<16xi32>], vector<16xf32>,
        %mul3A_542 = arith.mulf %gather3A_525, %gather3A_541 : vector<16xf32>
        %add3A_543 = arith.addf %add3A_515, %mul3A_542 : vector<16xf32>
        %gather3A_544 = tpu.vector_load_idx %arg12[%broadcast_in_dim3A, %add3A_123, %add3A_524] : memref<2x320x128xf32, #tpu.memory_space<vmem>>[vector<16xi32>, vector<16xi32>, vector<16xi32>], vector<16xf32>,
        %mul3A_545 = arith.mulf %gather3A_525, %gather3A_544 : vector<16xf32>
        %add3A_546 = arith.addf %add3A_518, %mul3A_545 : vector<16xf32>
        %scan3A_547 = arith.constant 6 : i32
        %scan3A_548 = arith.addi %scan3A_374, %scan3A_547 : i32
        %broadcast_in_dim3A_549 = vector.broadcast %scan3A_548 : i32 to vector<16xi32>
        %add3A_550 = arith.constant 64 : i32
        %add3A_551 = vector.broadcast %add3A_550 : i32 to vector<16xi32>
        %add3A_552 = arith.addi %broadcast_in_dim3A_549, %add3A_551 : vector<16xi32>
        %gather3A_553 = tpu.vector_load_idx %arg10[%broadcast_in_dim3A, %iota3A, %broadcast_in_dim3A_549] : memref<2x16x128xf32, #tpu.memory_space<vmem>>[vector<16xi32>, vector<16xi32>, vector<16xi32>], vector<16xf32>,
        %gather3A_554 = tpu.vector_load_idx %arg11[%broadcast_in_dim3A, %iota3A, %add3A_552] : memref<2x16x128xf32, #tpu.memory_space<vmem>>[vector<16xi32>, vector<16xi32>, vector<16xi32>], vector<16xf32>,
        %mul3A_555 = arith.mulf %gather3A_553, %gather3A_554 : vector<16xf32>
        %add3A_556 = arith.addf %add3A_528, %mul3A_555 : vector<16xf32>
        %gather3A_557 = tpu.vector_load_idx %arg12[%broadcast_in_dim3A, %add3A_93, %add3A_552] : memref<2x320x128xf32, #tpu.memory_space<vmem>>[vector<16xi32>, vector<16xi32>, vector<16xi32>], vector<16xf32>,
        %mul3A_558 = arith.mulf %gather3A_553, %gather3A_557 : vector<16xf32>
        %add3A_559 = arith.addf %add3A_531, %mul3A_558 : vector<16xf32>
        %gather3A_560 = tpu.vector_load_idx %arg12[%broadcast_in_dim3A, %add3A_99, %add3A_552] : memref<2x320x128xf32, #tpu.memory_space<vmem>>[vector<16xi32>, vector<16xi32>, vector<16xi32>], vector<16xf32>,
        %mul3A_561 = arith.mulf %gather3A_553, %gather3A_560 : vector<16xf32>
        %add3A_562 = arith.addf %add3A_534, %mul3A_561 : vector<16xf32>
        %gather3A_563 = tpu.vector_load_idx %arg12[%broadcast_in_dim3A, %add3A_105, %add3A_552] : memref<2x320x128xf32, #tpu.memory_space<vmem>>[vector<16xi32>, vector<16xi32>, vector<16xi32>], vector<16xf32>,
        %mul3A_564 = arith.mulf %gather3A_553, %gather3A_563 : vector<16xf32>
        %add3A_565 = arith.addf %add3A_537, %mul3A_564 : vector<16xf32>
        %gather3A_566 = tpu.vector_load_idx %arg12[%broadcast_in_dim3A, %add3A_111, %add3A_552] : memref<2x320x128xf32, #tpu.memory_space<vmem>>[vector<16xi32>, vector<16xi32>, vector<16xi32>], vector<16xf32>,
        %mul3A_567 = arith.mulf %gather3A_553, %gather3A_566 : vector<16xf32>
        %add3A_568 = arith.addf %add3A_540, %mul3A_567 : vector<16xf32>
        %gather3A_569 = tpu.vector_load_idx %arg12[%broadcast_in_dim3A, %add3A_117, %add3A_552] : memref<2x320x128xf32, #tpu.memory_space<vmem>>[vector<16xi32>, vector<16xi32>, vector<16xi32>], vector<16xf32>,
        %mul3A_570 = arith.mulf %gather3A_553, %gather3A_569 : vector<16xf32>
        %add3A_571 = arith.addf %add3A_543, %mul3A_570 : vector<16xf32>
        %gather3A_572 = tpu.vector_load_idx %arg12[%broadcast_in_dim3A, %add3A_123, %add3A_552] : memref<2x320x128xf32, #tpu.memory_space<vmem>>[vector<16xi32>, vector<16xi32>, vector<16xi32>], vector<16xf32>,
        %mul3A_573 = arith.mulf %gather3A_553, %gather3A_572 : vector<16xf32>
        %add3A_574 = arith.addf %add3A_546, %mul3A_573 : vector<16xf32>
        %scan3A_575 = arith.constant 7 : i32
        %scan3A_576 = arith.addi %scan3A_374, %scan3A_575 : i32
        %broadcast_in_dim3A_577 = vector.broadcast %scan3A_576 : i32 to vector<16xi32>
        %add3A_578 = arith.constant 64 : i32
        %add3A_579 = vector.broadcast %add3A_578 : i32 to vector<16xi32>
        %add3A_580 = arith.addi %broadcast_in_dim3A_577, %add3A_579 : vector<16xi32>
        %gather3A_581 = tpu.vector_load_idx %arg10[%broadcast_in_dim3A, %iota3A, %broadcast_in_dim3A_577] : memref<2x16x128xf32, #tpu.memory_space<vmem>>[vector<16xi32>, vector<16xi32>, vector<16xi32>], vector<16xf32>,
        %gather3A_582 = tpu.vector_load_idx %arg11[%broadcast_in_dim3A, %iota3A, %add3A_580] : memref<2x16x128xf32, #tpu.memory_space<vmem>>[vector<16xi32>, vector<16xi32>, vector<16xi32>], vector<16xf32>,
        %mul3A_583 = arith.mulf %gather3A_581, %gather3A_582 : vector<16xf32>
        %add3A_584 = arith.addf %add3A_556, %mul3A_583 : vector<16xf32>
        %gather3A_585 = tpu.vector_load_idx %arg12[%broadcast_in_dim3A, %add3A_93, %add3A_580] : memref<2x320x128xf32, #tpu.memory_space<vmem>>[vector<16xi32>, vector<16xi32>, vector<16xi32>], vector<16xf32>,
        %mul3A_586 = arith.mulf %gather3A_581, %gather3A_585 : vector<16xf32>
        %add3A_587 = arith.addf %add3A_559, %mul3A_586 : vector<16xf32>
        %gather3A_588 = tpu.vector_load_idx %arg12[%broadcast_in_dim3A, %add3A_99, %add3A_580] : memref<2x320x128xf32, #tpu.memory_space<vmem>>[vector<16xi32>, vector<16xi32>, vector<16xi32>], vector<16xf32>,
        %mul3A_589 = arith.mulf %gather3A_581, %gather3A_588 : vector<16xf32>
        %add3A_590 = arith.addf %add3A_562, %mul3A_589 : vector<16xf32>
        %gather3A_591 = tpu.vector_load_idx %arg12[%broadcast_in_dim3A, %add3A_105, %add3A_580] : memref<2x320x128xf32, #tpu.memory_space<vmem>>[vector<16xi32>, vector<16xi32>, vector<16xi32>], vector<16xf32>,
        %mul3A_592 = arith.mulf %gather3A_581, %gather3A_591 : vector<16xf32>
        %add3A_593 = arith.addf %add3A_565, %mul3A_592 : vector<16xf32>
        %gather3A_594 = tpu.vector_load_idx %arg12[%broadcast_in_dim3A, %add3A_111, %add3A_580] : memref<2x320x128xf32, #tpu.memory_space<vmem>>[vector<16xi32>, vector<16xi32>, vector<16xi32>], vector<16xf32>,
        %mul3A_595 = arith.mulf %gather3A_581, %gather3A_594 : vector<16xf32>
        %add3A_596 = arith.addf %add3A_568, %mul3A_595 : vector<16xf32>
        %gather3A_597 = tpu.vector_load_idx %arg12[%broadcast_in_dim3A, %add3A_117, %add3A_580] : memref<2x320x128xf32, #tpu.memory_space<vmem>>[vector<16xi32>, vector<16xi32>, vector<16xi32>], vector<16xf32>,
        %mul3A_598 = arith.mulf %gather3A_581, %gather3A_597 : vector<16xf32>
        %add3A_599 = arith.addf %add3A_571, %mul3A_598 : vector<16xf32>
        %gather3A_600 = tpu.vector_load_idx %arg12[%broadcast_in_dim3A, %add3A_123, %add3A_580] : memref<2x320x128xf32, #tpu.memory_space<vmem>>[vector<16xi32>, vector<16xi32>, vector<16xi32>], vector<16xf32>,
        %mul3A_601 = arith.mulf %gather3A_581, %gather3A_600 : vector<16xf32>
        %add3A_602 = arith.addf %add3A_574, %mul3A_601 : vector<16xf32>
        scf.yield %add3A_584, %add3A_587, %add3A_590, %add3A_593, %add3A_596, %add3A_599, %add3A_602 : vector<16xf32>, vector<16xf32>, vector<16xf32>, vector<16xf32>, vector<16xf32>, vector<16xf32>, vector<16xf32>
      }
      %scan3A_215 = arith.constant 64 : i32
      %broadcast_in_dim3A_216 = arith.constant 0.000000e+00 : f32
      %broadcast_in_dim3A_217 = vector.broadcast %broadcast_in_dim3A_216 : f32 to vector<16xf32>
      %scan3A_218 = arith.constant 0 : i32
      %scan3A_219 = arith.constant 64 : i32
      %scan3A_220 = arith.addi %scan3A_218, %scan3A_219 : i32
      %scan3A_221 = arith.constant 8 : i32
      %scan3A_222:7 = scf.for %scan3A_374 = %scan3A_218 to %scan3A_220 step %scan3A_221 iter_args(%scan3A_375 = %broadcast_in_dim3A_217, %scan3A_376 = %broadcast_in_dim3A_217, %scan3A_377 = %broadcast_in_dim3A_217, %scan3A_378 = %broadcast_in_dim3A_217, %scan3A_379 = %broadcast_in_dim3A_217, %scan3A_380 = %broadcast_in_dim3A_217, %scan3A_381 = %broadcast_in_dim3A_217) -> (vector<16xf32>, vector<16xf32>, vector<16xf32>, vector<16xf32>, vector<16xf32>, vector<16xf32>, vector<16xf32>)  : i32 {
        %broadcast_in_dim3A_382 = vector.broadcast %scan3A_374 : i32 to vector<16xi32>
        %add3A_383 = arith.constant 64 : i32
        %add3A_384 = vector.broadcast %add3A_383 : i32 to vector<16xi32>
        %add3A_385 = arith.addi %broadcast_in_dim3A_382, %add3A_384 : vector<16xi32>
        %gather3A = tpu.vector_load_idx %arg10[%broadcast_in_dim3A, %iota3A, %broadcast_in_dim3A_382] : memref<2x16x128xf32, #tpu.memory_space<vmem>>[vector<16xi32>, vector<16xi32>, vector<16xi32>], vector<16xf32>,
        %gather3A_386 = tpu.vector_load_idx %arg12[%broadcast_in_dim3A, %add3A_129, %add3A_385] : memref<2x320x128xf32, #tpu.memory_space<vmem>>[vector<16xi32>, vector<16xi32>, vector<16xi32>], vector<16xf32>,
        %mul3A_387 = arith.mulf %gather3A, %gather3A_386 : vector<16xf32>
        %add3A_388 = arith.addf %scan3A_375, %mul3A_387 : vector<16xf32>
        %gather3A_389 = tpu.vector_load_idx %arg12[%broadcast_in_dim3A, %add3A_135, %add3A_385] : memref<2x320x128xf32, #tpu.memory_space<vmem>>[vector<16xi32>, vector<16xi32>, vector<16xi32>], vector<16xf32>,
        %mul3A_390 = arith.mulf %gather3A, %gather3A_389 : vector<16xf32>
        %add3A_391 = arith.addf %scan3A_376, %mul3A_390 : vector<16xf32>
        %gather3A_392 = tpu.vector_load_idx %arg12[%broadcast_in_dim3A, %add3A_141, %add3A_385] : memref<2x320x128xf32, #tpu.memory_space<vmem>>[vector<16xi32>, vector<16xi32>, vector<16xi32>], vector<16xf32>,
        %mul3A_393 = arith.mulf %gather3A, %gather3A_392 : vector<16xf32>
        %add3A_394 = arith.addf %scan3A_377, %mul3A_393 : vector<16xf32>
        %gather3A_395 = tpu.vector_load_idx %arg12[%broadcast_in_dim3A, %add3A_147, %add3A_385] : memref<2x320x128xf32, #tpu.memory_space<vmem>>[vector<16xi32>, vector<16xi32>, vector<16xi32>], vector<16xf32>,
        %mul3A_396 = arith.mulf %gather3A, %gather3A_395 : vector<16xf32>
        %add3A_397 = arith.addf %scan3A_378, %mul3A_396 : vector<16xf32>
        %gather3A_398 = tpu.vector_load_idx %arg12[%broadcast_in_dim3A, %add3A_153, %add3A_385] : memref<2x320x128xf32, #tpu.memory_space<vmem>>[vector<16xi32>, vector<16xi32>, vector<16xi32>], vector<16xf32>,
        %mul3A_399 = arith.mulf %gather3A, %gather3A_398 : vector<16xf32>
        %add3A_400 = arith.addf %scan3A_379, %mul3A_399 : vector<16xf32>
        %gather3A_401 = tpu.vector_load_idx %arg12[%broadcast_in_dim3A, %add3A_159, %add3A_385] : memref<2x320x128xf32, #tpu.memory_space<vmem>>[vector<16xi32>, vector<16xi32>, vector<16xi32>], vector<16xf32>,
        %mul3A_402 = arith.mulf %gather3A, %gather3A_401 : vector<16xf32>
        %add3A_403 = arith.addf %scan3A_380, %mul3A_402 : vector<16xf32>
        %gather3A_404 = tpu.vector_load_idx %arg12[%broadcast_in_dim3A, %add3A_165, %add3A_385] : memref<2x320x128xf32, #tpu.memory_space<vmem>>[vector<16xi32>, vector<16xi32>, vector<16xi32>], vector<16xf32>,
        %mul3A_405 = arith.mulf %gather3A, %gather3A_404 : vector<16xf32>
        %add3A_406 = arith.addf %scan3A_381, %mul3A_405 : vector<16xf32>
        %scan3A_407 = arith.constant 1 : i32
        %scan3A_408 = arith.addi %scan3A_374, %scan3A_407 : i32
        %broadcast_in_dim3A_409 = vector.broadcast %scan3A_408 : i32 to vector<16xi32>
        %add3A_410 = arith.constant 64 : i32
        %add3A_411 = vector.broadcast %add3A_410 : i32 to vector<16xi32>
        %add3A_412 = arith.addi %broadcast_in_dim3A_409, %add3A_411 : vector<16xi32>
        %gather3A_413 = tpu.vector_load_idx %arg10[%broadcast_in_dim3A, %iota3A, %broadcast_in_dim3A_409] : memref<2x16x128xf32, #tpu.memory_space<vmem>>[vector<16xi32>, vector<16xi32>, vector<16xi32>], vector<16xf32>,
        %gather3A_414 = tpu.vector_load_idx %arg12[%broadcast_in_dim3A, %add3A_129, %add3A_412] : memref<2x320x128xf32, #tpu.memory_space<vmem>>[vector<16xi32>, vector<16xi32>, vector<16xi32>], vector<16xf32>,
        %mul3A_415 = arith.mulf %gather3A_413, %gather3A_414 : vector<16xf32>
        %add3A_416 = arith.addf %add3A_388, %mul3A_415 : vector<16xf32>
        %gather3A_417 = tpu.vector_load_idx %arg12[%broadcast_in_dim3A, %add3A_135, %add3A_412] : memref<2x320x128xf32, #tpu.memory_space<vmem>>[vector<16xi32>, vector<16xi32>, vector<16xi32>], vector<16xf32>,
        %mul3A_418 = arith.mulf %gather3A_413, %gather3A_417 : vector<16xf32>
        %add3A_419 = arith.addf %add3A_391, %mul3A_418 : vector<16xf32>
        %gather3A_420 = tpu.vector_load_idx %arg12[%broadcast_in_dim3A, %add3A_141, %add3A_412] : memref<2x320x128xf32, #tpu.memory_space<vmem>>[vector<16xi32>, vector<16xi32>, vector<16xi32>], vector<16xf32>,
        %mul3A_421 = arith.mulf %gather3A_413, %gather3A_420 : vector<16xf32>
        %add3A_422 = arith.addf %add3A_394, %mul3A_421 : vector<16xf32>
        %gather3A_423 = tpu.vector_load_idx %arg12[%broadcast_in_dim3A, %add3A_147, %add3A_412] : memref<2x320x128xf32, #tpu.memory_space<vmem>>[vector<16xi32>, vector<16xi32>, vector<16xi32>], vector<16xf32>,
        %mul3A_424 = arith.mulf %gather3A_413, %gather3A_423 : vector<16xf32>
        %add3A_425 = arith.addf %add3A_397, %mul3A_424 : vector<16xf32>
        %gather3A_426 = tpu.vector_load_idx %arg12[%broadcast_in_dim3A, %add3A_153, %add3A_412] : memref<2x320x128xf32, #tpu.memory_space<vmem>>[vector<16xi32>, vector<16xi32>, vector<16xi32>], vector<16xf32>,
        %mul3A_427 = arith.mulf %gather3A_413, %gather3A_426 : vector<16xf32>
        %add3A_428 = arith.addf %add3A_400, %mul3A_427 : vector<16xf32>
        %gather3A_429 = tpu.vector_load_idx %arg12[%broadcast_in_dim3A, %add3A_159, %add3A_412] : memref<2x320x128xf32, #tpu.memory_space<vmem>>[vector<16xi32>, vector<16xi32>, vector<16xi32>], vector<16xf32>,
        %mul3A_430 = arith.mulf %gather3A_413, %gather3A_429 : vector<16xf32>
        %add3A_431 = arith.addf %add3A_403, %mul3A_430 : vector<16xf32>
        %gather3A_432 = tpu.vector_load_idx %arg12[%broadcast_in_dim3A, %add3A_165, %add3A_412] : memref<2x320x128xf32, #tpu.memory_space<vmem>>[vector<16xi32>, vector<16xi32>, vector<16xi32>], vector<16xf32>,
        %mul3A_433 = arith.mulf %gather3A_413, %gather3A_432 : vector<16xf32>
        %add3A_434 = arith.addf %add3A_406, %mul3A_433 : vector<16xf32>
        %scan3A_435 = arith.constant 2 : i32
        %scan3A_436 = arith.addi %scan3A_374, %scan3A_435 : i32
        %broadcast_in_dim3A_437 = vector.broadcast %scan3A_436 : i32 to vector<16xi32>
        %add3A_438 = arith.constant 64 : i32
        %add3A_439 = vector.broadcast %add3A_438 : i32 to vector<16xi32>
        %add3A_440 = arith.addi %broadcast_in_dim3A_437, %add3A_439 : vector<16xi32>
        %gather3A_441 = tpu.vector_load_idx %arg10[%broadcast_in_dim3A, %iota3A, %broadcast_in_dim3A_437] : memref<2x16x128xf32, #tpu.memory_space<vmem>>[vector<16xi32>, vector<16xi32>, vector<16xi32>], vector<16xf32>,
        %gather3A_442 = tpu.vector_load_idx %arg12[%broadcast_in_dim3A, %add3A_129, %add3A_440] : memref<2x320x128xf32, #tpu.memory_space<vmem>>[vector<16xi32>, vector<16xi32>, vector<16xi32>], vector<16xf32>,
        %mul3A_443 = arith.mulf %gather3A_441, %gather3A_442 : vector<16xf32>
        %add3A_444 = arith.addf %add3A_416, %mul3A_443 : vector<16xf32>
        %gather3A_445 = tpu.vector_load_idx %arg12[%broadcast_in_dim3A, %add3A_135, %add3A_440] : memref<2x320x128xf32, #tpu.memory_space<vmem>>[vector<16xi32>, vector<16xi32>, vector<16xi32>], vector<16xf32>,
        %mul3A_446 = arith.mulf %gather3A_441, %gather3A_445 : vector<16xf32>
        %add3A_447 = arith.addf %add3A_419, %mul3A_446 : vector<16xf32>
        %gather3A_448 = tpu.vector_load_idx %arg12[%broadcast_in_dim3A, %add3A_141, %add3A_440] : memref<2x320x128xf32, #tpu.memory_space<vmem>>[vector<16xi32>, vector<16xi32>, vector<16xi32>], vector<16xf32>,
        %mul3A_449 = arith.mulf %gather3A_441, %gather3A_448 : vector<16xf32>
        %add3A_450 = arith.addf %add3A_422, %mul3A_449 : vector<16xf32>
        %gather3A_451 = tpu.vector_load_idx %arg12[%broadcast_in_dim3A, %add3A_147, %add3A_440] : memref<2x320x128xf32, #tpu.memory_space<vmem>>[vector<16xi32>, vector<16xi32>, vector<16xi32>], vector<16xf32>,
        %mul3A_452 = arith.mulf %gather3A_441, %gather3A_451 : vector<16xf32>
        %add3A_453 = arith.addf %add3A_425, %mul3A_452 : vector<16xf32>
        %gather3A_454 = tpu.vector_load_idx %arg12[%broadcast_in_dim3A, %add3A_153, %add3A_440] : memref<2x320x128xf32, #tpu.memory_space<vmem>>[vector<16xi32>, vector<16xi32>, vector<16xi32>], vector<16xf32>,
        %mul3A_455 = arith.mulf %gather3A_441, %gather3A_454 : vector<16xf32>
        %add3A_456 = arith.addf %add3A_428, %mul3A_455 : vector<16xf32>
        %gather3A_457 = tpu.vector_load_idx %arg12[%broadcast_in_dim3A, %add3A_159, %add3A_440] : memref<2x320x128xf32, #tpu.memory_space<vmem>>[vector<16xi32>, vector<16xi32>, vector<16xi32>], vector<16xf32>,
        %mul3A_458 = arith.mulf %gather3A_441, %gather3A_457 : vector<16xf32>
        %add3A_459 = arith.addf %add3A_431, %mul3A_458 : vector<16xf32>
        %gather3A_460 = tpu.vector_load_idx %arg12[%broadcast_in_dim3A, %add3A_165, %add3A_440] : memref<2x320x128xf32, #tpu.memory_space<vmem>>[vector<16xi32>, vector<16xi32>, vector<16xi32>], vector<16xf32>,
        %mul3A_461 = arith.mulf %gather3A_441, %gather3A_460 : vector<16xf32>
        %add3A_462 = arith.addf %add3A_434, %mul3A_461 : vector<16xf32>
        %scan3A_463 = arith.constant 3 : i32
        %scan3A_464 = arith.addi %scan3A_374, %scan3A_463 : i32
        %broadcast_in_dim3A_465 = vector.broadcast %scan3A_464 : i32 to vector<16xi32>
        %add3A_466 = arith.constant 64 : i32
        %add3A_467 = vector.broadcast %add3A_466 : i32 to vector<16xi32>
        %add3A_468 = arith.addi %broadcast_in_dim3A_465, %add3A_467 : vector<16xi32>
        %gather3A_469 = tpu.vector_load_idx %arg10[%broadcast_in_dim3A, %iota3A, %broadcast_in_dim3A_465] : memref<2x16x128xf32, #tpu.memory_space<vmem>>[vector<16xi32>, vector<16xi32>, vector<16xi32>], vector<16xf32>,
        %gather3A_470 = tpu.vector_load_idx %arg12[%broadcast_in_dim3A, %add3A_129, %add3A_468] : memref<2x320x128xf32, #tpu.memory_space<vmem>>[vector<16xi32>, vector<16xi32>, vector<16xi32>], vector<16xf32>,
        %mul3A_471 = arith.mulf %gather3A_469, %gather3A_470 : vector<16xf32>
        %add3A_472 = arith.addf %add3A_444, %mul3A_471 : vector<16xf32>
        %gather3A_473 = tpu.vector_load_idx %arg12[%broadcast_in_dim3A, %add3A_135, %add3A_468] : memref<2x320x128xf32, #tpu.memory_space<vmem>>[vector<16xi32>, vector<16xi32>, vector<16xi32>], vector<16xf32>,
        %mul3A_474 = arith.mulf %gather3A_469, %gather3A_473 : vector<16xf32>
        %add3A_475 = arith.addf %add3A_447, %mul3A_474 : vector<16xf32>
        %gather3A_476 = tpu.vector_load_idx %arg12[%broadcast_in_dim3A, %add3A_141, %add3A_468] : memref<2x320x128xf32, #tpu.memory_space<vmem>>[vector<16xi32>, vector<16xi32>, vector<16xi32>], vector<16xf32>,
        %mul3A_477 = arith.mulf %gather3A_469, %gather3A_476 : vector<16xf32>
        %add3A_478 = arith.addf %add3A_450, %mul3A_477 : vector<16xf32>
        %gather3A_479 = tpu.vector_load_idx %arg12[%broadcast_in_dim3A, %add3A_147, %add3A_468] : memref<2x320x128xf32, #tpu.memory_space<vmem>>[vector<16xi32>, vector<16xi32>, vector<16xi32>], vector<16xf32>,
        %mul3A_480 = arith.mulf %gather3A_469, %gather3A_479 : vector<16xf32>
        %add3A_481 = arith.addf %add3A_453, %mul3A_480 : vector<16xf32>
        %gather3A_482 = tpu.vector_load_idx %arg12[%broadcast_in_dim3A, %add3A_153, %add3A_468] : memref<2x320x128xf32, #tpu.memory_space<vmem>>[vector<16xi32>, vector<16xi32>, vector<16xi32>], vector<16xf32>,
        %mul3A_483 = arith.mulf %gather3A_469, %gather3A_482 : vector<16xf32>
        %add3A_484 = arith.addf %add3A_456, %mul3A_483 : vector<16xf32>
        %gather3A_485 = tpu.vector_load_idx %arg12[%broadcast_in_dim3A, %add3A_159, %add3A_468] : memref<2x320x128xf32, #tpu.memory_space<vmem>>[vector<16xi32>, vector<16xi32>, vector<16xi32>], vector<16xf32>,
        %mul3A_486 = arith.mulf %gather3A_469, %gather3A_485 : vector<16xf32>
        %add3A_487 = arith.addf %add3A_459, %mul3A_486 : vector<16xf32>
        %gather3A_488 = tpu.vector_load_idx %arg12[%broadcast_in_dim3A, %add3A_165, %add3A_468] : memref<2x320x128xf32, #tpu.memory_space<vmem>>[vector<16xi32>, vector<16xi32>, vector<16xi32>], vector<16xf32>,
        %mul3A_489 = arith.mulf %gather3A_469, %gather3A_488 : vector<16xf32>
        %add3A_490 = arith.addf %add3A_462, %mul3A_489 : vector<16xf32>
        %scan3A_491 = arith.constant 4 : i32
        %scan3A_492 = arith.addi %scan3A_374, %scan3A_491 : i32
        %broadcast_in_dim3A_493 = vector.broadcast %scan3A_492 : i32 to vector<16xi32>
        %add3A_494 = arith.constant 64 : i32
        %add3A_495 = vector.broadcast %add3A_494 : i32 to vector<16xi32>
        %add3A_496 = arith.addi %broadcast_in_dim3A_493, %add3A_495 : vector<16xi32>
        %gather3A_497 = tpu.vector_load_idx %arg10[%broadcast_in_dim3A, %iota3A, %broadcast_in_dim3A_493] : memref<2x16x128xf32, #tpu.memory_space<vmem>>[vector<16xi32>, vector<16xi32>, vector<16xi32>], vector<16xf32>,
        %gather3A_498 = tpu.vector_load_idx %arg12[%broadcast_in_dim3A, %add3A_129, %add3A_496] : memref<2x320x128xf32, #tpu.memory_space<vmem>>[vector<16xi32>, vector<16xi32>, vector<16xi32>], vector<16xf32>,
        %mul3A_499 = arith.mulf %gather3A_497, %gather3A_498 : vector<16xf32>
        %add3A_500 = arith.addf %add3A_472, %mul3A_499 : vector<16xf32>
        %gather3A_501 = tpu.vector_load_idx %arg12[%broadcast_in_dim3A, %add3A_135, %add3A_496] : memref<2x320x128xf32, #tpu.memory_space<vmem>>[vector<16xi32>, vector<16xi32>, vector<16xi32>], vector<16xf32>,
        %mul3A_502 = arith.mulf %gather3A_497, %gather3A_501 : vector<16xf32>
        %add3A_503 = arith.addf %add3A_475, %mul3A_502 : vector<16xf32>
        %gather3A_504 = tpu.vector_load_idx %arg12[%broadcast_in_dim3A, %add3A_141, %add3A_496] : memref<2x320x128xf32, #tpu.memory_space<vmem>>[vector<16xi32>, vector<16xi32>, vector<16xi32>], vector<16xf32>,
        %mul3A_505 = arith.mulf %gather3A_497, %gather3A_504 : vector<16xf32>
        %add3A_506 = arith.addf %add3A_478, %mul3A_505 : vector<16xf32>
        %gather3A_507 = tpu.vector_load_idx %arg12[%broadcast_in_dim3A, %add3A_147, %add3A_496] : memref<2x320x128xf32, #tpu.memory_space<vmem>>[vector<16xi32>, vector<16xi32>, vector<16xi32>], vector<16xf32>,
        %mul3A_508 = arith.mulf %gather3A_497, %gather3A_507 : vector<16xf32>
        %add3A_509 = arith.addf %add3A_481, %mul3A_508 : vector<16xf32>
        %gather3A_510 = tpu.vector_load_idx %arg12[%broadcast_in_dim3A, %add3A_153, %add3A_496] : memref<2x320x128xf32, #tpu.memory_space<vmem>>[vector<16xi32>, vector<16xi32>, vector<16xi32>], vector<16xf32>,
        %mul3A_511 = arith.mulf %gather3A_497, %gather3A_510 : vector<16xf32>
        %add3A_512 = arith.addf %add3A_484, %mul3A_511 : vector<16xf32>
        %gather3A_513 = tpu.vector_load_idx %arg12[%broadcast_in_dim3A, %add3A_159, %add3A_496] : memref<2x320x128xf32, #tpu.memory_space<vmem>>[vector<16xi32>, vector<16xi32>, vector<16xi32>], vector<16xf32>,
        %mul3A_514 = arith.mulf %gather3A_497, %gather3A_513 : vector<16xf32>
        %add3A_515 = arith.addf %add3A_487, %mul3A_514 : vector<16xf32>
        %gather3A_516 = tpu.vector_load_idx %arg12[%broadcast_in_dim3A, %add3A_165, %add3A_496] : memref<2x320x128xf32, #tpu.memory_space<vmem>>[vector<16xi32>, vector<16xi32>, vector<16xi32>], vector<16xf32>,
        %mul3A_517 = arith.mulf %gather3A_497, %gather3A_516 : vector<16xf32>
        %add3A_518 = arith.addf %add3A_490, %mul3A_517 : vector<16xf32>
        %scan3A_519 = arith.constant 5 : i32
        %scan3A_520 = arith.addi %scan3A_374, %scan3A_519 : i32
        %broadcast_in_dim3A_521 = vector.broadcast %scan3A_520 : i32 to vector<16xi32>
        %add3A_522 = arith.constant 64 : i32
        %add3A_523 = vector.broadcast %add3A_522 : i32 to vector<16xi32>
        %add3A_524 = arith.addi %broadcast_in_dim3A_521, %add3A_523 : vector<16xi32>
        %gather3A_525 = tpu.vector_load_idx %arg10[%broadcast_in_dim3A, %iota3A, %broadcast_in_dim3A_521] : memref<2x16x128xf32, #tpu.memory_space<vmem>>[vector<16xi32>, vector<16xi32>, vector<16xi32>], vector<16xf32>,
        %gather3A_526 = tpu.vector_load_idx %arg12[%broadcast_in_dim3A, %add3A_129, %add3A_524] : memref<2x320x128xf32, #tpu.memory_space<vmem>>[vector<16xi32>, vector<16xi32>, vector<16xi32>], vector<16xf32>,
        %mul3A_527 = arith.mulf %gather3A_525, %gather3A_526 : vector<16xf32>
        %add3A_528 = arith.addf %add3A_500, %mul3A_527 : vector<16xf32>
        %gather3A_529 = tpu.vector_load_idx %arg12[%broadcast_in_dim3A, %add3A_135, %add3A_524] : memref<2x320x128xf32, #tpu.memory_space<vmem>>[vector<16xi32>, vector<16xi32>, vector<16xi32>], vector<16xf32>,
        %mul3A_530 = arith.mulf %gather3A_525, %gather3A_529 : vector<16xf32>
        %add3A_531 = arith.addf %add3A_503, %mul3A_530 : vector<16xf32>
        %gather3A_532 = tpu.vector_load_idx %arg12[%broadcast_in_dim3A, %add3A_141, %add3A_524] : memref<2x320x128xf32, #tpu.memory_space<vmem>>[vector<16xi32>, vector<16xi32>, vector<16xi32>], vector<16xf32>,
        %mul3A_533 = arith.mulf %gather3A_525, %gather3A_532 : vector<16xf32>
        %add3A_534 = arith.addf %add3A_506, %mul3A_533 : vector<16xf32>
        %gather3A_535 = tpu.vector_load_idx %arg12[%broadcast_in_dim3A, %add3A_147, %add3A_524] : memref<2x320x128xf32, #tpu.memory_space<vmem>>[vector<16xi32>, vector<16xi32>, vector<16xi32>], vector<16xf32>,
        %mul3A_536 = arith.mulf %gather3A_525, %gather3A_535 : vector<16xf32>
        %add3A_537 = arith.addf %add3A_509, %mul3A_536 : vector<16xf32>
        %gather3A_538 = tpu.vector_load_idx %arg12[%broadcast_in_dim3A, %add3A_153, %add3A_524] : memref<2x320x128xf32, #tpu.memory_space<vmem>>[vector<16xi32>, vector<16xi32>, vector<16xi32>], vector<16xf32>,
        %mul3A_539 = arith.mulf %gather3A_525, %gather3A_538 : vector<16xf32>
        %add3A_540 = arith.addf %add3A_512, %mul3A_539 : vector<16xf32>
        %gather3A_541 = tpu.vector_load_idx %arg12[%broadcast_in_dim3A, %add3A_159, %add3A_524] : memref<2x320x128xf32, #tpu.memory_space<vmem>>[vector<16xi32>, vector<16xi32>, vector<16xi32>], vector<16xf32>,
        %mul3A_542 = arith.mulf %gather3A_525, %gather3A_541 : vector<16xf32>
        %add3A_543 = arith.addf %add3A_515, %mul3A_542 : vector<16xf32>
        %gather3A_544 = tpu.vector_load_idx %arg12[%broadcast_in_dim3A, %add3A_165, %add3A_524] : memref<2x320x128xf32, #tpu.memory_space<vmem>>[vector<16xi32>, vector<16xi32>, vector<16xi32>], vector<16xf32>,
        %mul3A_545 = arith.mulf %gather3A_525, %gather3A_544 : vector<16xf32>
        %add3A_546 = arith.addf %add3A_518, %mul3A_545 : vector<16xf32>
        %scan3A_547 = arith.constant 6 : i32
        %scan3A_548 = arith.addi %scan3A_374, %scan3A_547 : i32
        %broadcast_in_dim3A_549 = vector.broadcast %scan3A_548 : i32 to vector<16xi32>
        %add3A_550 = arith.constant 64 : i32
        %add3A_551 = vector.broadcast %add3A_550 : i32 to vector<16xi32>
        %add3A_552 = arith.addi %broadcast_in_dim3A_549, %add3A_551 : vector<16xi32>
        %gather3A_553 = tpu.vector_load_idx %arg10[%broadcast_in_dim3A, %iota3A, %broadcast_in_dim3A_549] : memref<2x16x128xf32, #tpu.memory_space<vmem>>[vector<16xi32>, vector<16xi32>, vector<16xi32>], vector<16xf32>,
        %gather3A_554 = tpu.vector_load_idx %arg12[%broadcast_in_dim3A, %add3A_129, %add3A_552] : memref<2x320x128xf32, #tpu.memory_space<vmem>>[vector<16xi32>, vector<16xi32>, vector<16xi32>], vector<16xf32>,
        %mul3A_555 = arith.mulf %gather3A_553, %gather3A_554 : vector<16xf32>
        %add3A_556 = arith.addf %add3A_528, %mul3A_555 : vector<16xf32>
        %gather3A_557 = tpu.vector_load_idx %arg12[%broadcast_in_dim3A, %add3A_135, %add3A_552] : memref<2x320x128xf32, #tpu.memory_space<vmem>>[vector<16xi32>, vector<16xi32>, vector<16xi32>], vector<16xf32>,
        %mul3A_558 = arith.mulf %gather3A_553, %gather3A_557 : vector<16xf32>
        %add3A_559 = arith.addf %add3A_531, %mul3A_558 : vector<16xf32>
        %gather3A_560 = tpu.vector_load_idx %arg12[%broadcast_in_dim3A, %add3A_141, %add3A_552] : memref<2x320x128xf32, #tpu.memory_space<vmem>>[vector<16xi32>, vector<16xi32>, vector<16xi32>], vector<16xf32>,
        %mul3A_561 = arith.mulf %gather3A_553, %gather3A_560 : vector<16xf32>
        %add3A_562 = arith.addf %add3A_534, %mul3A_561 : vector<16xf32>
        %gather3A_563 = tpu.vector_load_idx %arg12[%broadcast_in_dim3A, %add3A_147, %add3A_552] : memref<2x320x128xf32, #tpu.memory_space<vmem>>[vector<16xi32>, vector<16xi32>, vector<16xi32>], vector<16xf32>,
        %mul3A_564 = arith.mulf %gather3A_553, %gather3A_563 : vector<16xf32>
        %add3A_565 = arith.addf %add3A_537, %mul3A_564 : vector<16xf32>
        %gather3A_566 = tpu.vector_load_idx %arg12[%broadcast_in_dim3A, %add3A_153, %add3A_552] : memref<2x320x128xf32, #tpu.memory_space<vmem>>[vector<16xi32>, vector<16xi32>, vector<16xi32>], vector<16xf32>,
        %mul3A_567 = arith.mulf %gather3A_553, %gather3A_566 : vector<16xf32>
        %add3A_568 = arith.addf %add3A_540, %mul3A_567 : vector<16xf32>
        %gather3A_569 = tpu.vector_load_idx %arg12[%broadcast_in_dim3A, %add3A_159, %add3A_552] : memref<2x320x128xf32, #tpu.memory_space<vmem>>[vector<16xi32>, vector<16xi32>, vector<16xi32>], vector<16xf32>,
        %mul3A_570 = arith.mulf %gather3A_553, %gather3A_569 : vector<16xf32>
        %add3A_571 = arith.addf %add3A_543, %mul3A_570 : vector<16xf32>
        %gather3A_572 = tpu.vector_load_idx %arg12[%broadcast_in_dim3A, %add3A_165, %add3A_552] : memref<2x320x128xf32, #tpu.memory_space<vmem>>[vector<16xi32>, vector<16xi32>, vector<16xi32>], vector<16xf32>,
        %mul3A_573 = arith.mulf %gather3A_553, %gather3A_572 : vector<16xf32>
        %add3A_574 = arith.addf %add3A_546, %mul3A_573 : vector<16xf32>
        %scan3A_575 = arith.constant 7 : i32
        %scan3A_576 = arith.addi %scan3A_374, %scan3A_575 : i32
        %broadcast_in_dim3A_577 = vector.broadcast %scan3A_576 : i32 to vector<16xi32>
        %add3A_578 = arith.constant 64 : i32
        %add3A_579 = vector.broadcast %add3A_578 : i32 to vector<16xi32>
        %add3A_580 = arith.addi %broadcast_in_dim3A_577, %add3A_579 : vector<16xi32>
        %gather3A_581 = tpu.vector_load_idx %arg10[%broadcast_in_dim3A, %iota3A, %broadcast_in_dim3A_577] : memref<2x16x128xf32, #tpu.memory_space<vmem>>[vector<16xi32>, vector<16xi32>, vector<16xi32>], vector<16xf32>,
        %gather3A_582 = tpu.vector_load_idx %arg12[%broadcast_in_dim3A, %add3A_129, %add3A_580] : memref<2x320x128xf32, #tpu.memory_space<vmem>>[vector<16xi32>, vector<16xi32>, vector<16xi32>], vector<16xf32>,
        %mul3A_583 = arith.mulf %gather3A_581, %gather3A_582 : vector<16xf32>
        %add3A_584 = arith.addf %add3A_556, %mul3A_583 : vector<16xf32>
        %gather3A_585 = tpu.vector_load_idx %arg12[%broadcast_in_dim3A, %add3A_135, %add3A_580] : memref<2x320x128xf32, #tpu.memory_space<vmem>>[vector<16xi32>, vector<16xi32>, vector<16xi32>], vector<16xf32>,
        %mul3A_586 = arith.mulf %gather3A_581, %gather3A_585 : vector<16xf32>
        %add3A_587 = arith.addf %add3A_559, %mul3A_586 : vector<16xf32>
        %gather3A_588 = tpu.vector_load_idx %arg12[%broadcast_in_dim3A, %add3A_141, %add3A_580] : memref<2x320x128xf32, #tpu.memory_space<vmem>>[vector<16xi32>, vector<16xi32>, vector<16xi32>], vector<16xf32>,
        %mul3A_589 = arith.mulf %gather3A_581, %gather3A_588 : vector<16xf32>
        %add3A_590 = arith.addf %add3A_562, %mul3A_589 : vector<16xf32>
        %gather3A_591 = tpu.vector_load_idx %arg12[%broadcast_in_dim3A, %add3A_147, %add3A_580] : memref<2x320x128xf32, #tpu.memory_space<vmem>>[vector<16xi32>, vector<16xi32>, vector<16xi32>], vector<16xf32>,
        %mul3A_592 = arith.mulf %gather3A_581, %gather3A_591 : vector<16xf32>
        %add3A_593 = arith.addf %add3A_565, %mul3A_592 : vector<16xf32>
        %gather3A_594 = tpu.vector_load_idx %arg12[%broadcast_in_dim3A, %add3A_153, %add3A_580] : memref<2x320x128xf32, #tpu.memory_space<vmem>>[vector<16xi32>, vector<16xi32>, vector<16xi32>], vector<16xf32>,
        %mul3A_595 = arith.mulf %gather3A_581, %gather3A_594 : vector<16xf32>
        %add3A_596 = arith.addf %add3A_568, %mul3A_595 : vector<16xf32>
        %gather3A_597 = tpu.vector_load_idx %arg12[%broadcast_in_dim3A, %add3A_159, %add3A_580] : memref<2x320x128xf32, #tpu.memory_space<vmem>>[vector<16xi32>, vector<16xi32>, vector<16xi32>], vector<16xf32>,
        %mul3A_598 = arith.mulf %gather3A_581, %gather3A_597 : vector<16xf32>
        %add3A_599 = arith.addf %add3A_571, %mul3A_598 : vector<16xf32>
        %gather3A_600 = tpu.vector_load_idx %arg12[%broadcast_in_dim3A, %add3A_165, %add3A_580] : memref<2x320x128xf32, #tpu.memory_space<vmem>>[vector<16xi32>, vector<16xi32>, vector<16xi32>], vector<16xf32>,
        %mul3A_601 = arith.mulf %gather3A_581, %gather3A_600 : vector<16xf32>
        %add3A_602 = arith.addf %add3A_574, %mul3A_601 : vector<16xf32>
        scf.yield %add3A_584, %add3A_587, %add3A_590, %add3A_593, %add3A_596, %add3A_599, %add3A_602 : vector<16xf32>, vector<16xf32>, vector<16xf32>, vector<16xf32>, vector<16xf32>, vector<16xf32>, vector<16xf32>
      }
      %scan3A_223 = arith.constant 64 : i32
      %broadcast_in_dim3A_224 = arith.constant 0.000000e+00 : f32
      %broadcast_in_dim3A_225 = vector.broadcast %broadcast_in_dim3A_224 : f32 to vector<16xf32>
      %scan3A_226 = arith.constant 0 : i32
      %scan3A_227 = arith.constant 64 : i32
      %scan3A_228 = arith.addi %scan3A_226, %scan3A_227 : i32
      %scan3A_229 = arith.constant 8 : i32
      %scan3A_230:7 = scf.for %scan3A_374 = %scan3A_226 to %scan3A_228 step %scan3A_229 iter_args(%scan3A_375 = %broadcast_in_dim3A_225, %scan3A_376 = %broadcast_in_dim3A_225, %scan3A_377 = %broadcast_in_dim3A_225, %scan3A_378 = %broadcast_in_dim3A_225, %scan3A_379 = %broadcast_in_dim3A_225, %scan3A_380 = %broadcast_in_dim3A_225, %scan3A_381 = %broadcast_in_dim3A_225) -> (vector<16xf32>, vector<16xf32>, vector<16xf32>, vector<16xf32>, vector<16xf32>, vector<16xf32>, vector<16xf32>)  : i32 {
        %broadcast_in_dim3A_382 = vector.broadcast %scan3A_374 : i32 to vector<16xi32>
        %add3A_383 = arith.constant 64 : i32
        %add3A_384 = vector.broadcast %add3A_383 : i32 to vector<16xi32>
        %add3A_385 = arith.addi %broadcast_in_dim3A_382, %add3A_384 : vector<16xi32>
        %gather3A = tpu.vector_load_idx %arg10[%broadcast_in_dim3A, %iota3A, %broadcast_in_dim3A_382] : memref<2x16x128xf32, #tpu.memory_space<vmem>>[vector<16xi32>, vector<16xi32>, vector<16xi32>], vector<16xf32>,
        %gather3A_386 = tpu.vector_load_idx %arg12[%broadcast_in_dim3A, %add3A_171, %add3A_385] : memref<2x320x128xf32, #tpu.memory_space<vmem>>[vector<16xi32>, vector<16xi32>, vector<16xi32>], vector<16xf32>,
        %mul3A_387 = arith.mulf %gather3A, %gather3A_386 : vector<16xf32>
        %add3A_388 = arith.addf %scan3A_375, %mul3A_387 : vector<16xf32>
        %gather3A_389 = tpu.vector_load_idx %arg12[%broadcast_in_dim3A, %add3A_177, %add3A_385] : memref<2x320x128xf32, #tpu.memory_space<vmem>>[vector<16xi32>, vector<16xi32>, vector<16xi32>], vector<16xf32>,
        %mul3A_390 = arith.mulf %gather3A, %gather3A_389 : vector<16xf32>
        %add3A_391 = arith.addf %scan3A_376, %mul3A_390 : vector<16xf32>
        %gather3A_392 = tpu.vector_load_idx %arg12[%broadcast_in_dim3A, %add3A_183, %add3A_385] : memref<2x320x128xf32, #tpu.memory_space<vmem>>[vector<16xi32>, vector<16xi32>, vector<16xi32>], vector<16xf32>,
        %mul3A_393 = arith.mulf %gather3A, %gather3A_392 : vector<16xf32>
        %add3A_394 = arith.addf %scan3A_377, %mul3A_393 : vector<16xf32>
        %gather3A_395 = tpu.vector_load_idx %arg12[%broadcast_in_dim3A, %add3A_189, %add3A_385] : memref<2x320x128xf32, #tpu.memory_space<vmem>>[vector<16xi32>, vector<16xi32>, vector<16xi32>], vector<16xf32>,
        %mul3A_396 = arith.mulf %gather3A, %gather3A_395 : vector<16xf32>
        %add3A_397 = arith.addf %scan3A_378, %mul3A_396 : vector<16xf32>
        %gather3A_398 = tpu.vector_load_idx %arg12[%broadcast_in_dim3A, %add3A_195, %add3A_385] : memref<2x320x128xf32, #tpu.memory_space<vmem>>[vector<16xi32>, vector<16xi32>, vector<16xi32>], vector<16xf32>,
        %mul3A_399 = arith.mulf %gather3A, %gather3A_398 : vector<16xf32>
        %add3A_400 = arith.addf %scan3A_379, %mul3A_399 : vector<16xf32>
        %gather3A_401 = tpu.vector_load_idx %arg12[%broadcast_in_dim3A, %add3A_201, %add3A_385] : memref<2x320x128xf32, #tpu.memory_space<vmem>>[vector<16xi32>, vector<16xi32>, vector<16xi32>], vector<16xf32>,
        %mul3A_402 = arith.mulf %gather3A, %gather3A_401 : vector<16xf32>
        %add3A_403 = arith.addf %scan3A_380, %mul3A_402 : vector<16xf32>
        %gather3A_404 = tpu.vector_load_idx %arg12[%broadcast_in_dim3A, %add3A_207, %add3A_385] : memref<2x320x128xf32, #tpu.memory_space<vmem>>[vector<16xi32>, vector<16xi32>, vector<16xi32>], vector<16xf32>,
        %mul3A_405 = arith.mulf %gather3A, %gather3A_404 : vector<16xf32>
        %add3A_406 = arith.addf %scan3A_381, %mul3A_405 : vector<16xf32>
        %scan3A_407 = arith.constant 1 : i32
        %scan3A_408 = arith.addi %scan3A_374, %scan3A_407 : i32
        %broadcast_in_dim3A_409 = vector.broadcast %scan3A_408 : i32 to vector<16xi32>
        %add3A_410 = arith.constant 64 : i32
        %add3A_411 = vector.broadcast %add3A_410 : i32 to vector<16xi32>
        %add3A_412 = arith.addi %broadcast_in_dim3A_409, %add3A_411 : vector<16xi32>
        %gather3A_413 = tpu.vector_load_idx %arg10[%broadcast_in_dim3A, %iota3A, %broadcast_in_dim3A_409] : memref<2x16x128xf32, #tpu.memory_space<vmem>>[vector<16xi32>, vector<16xi32>, vector<16xi32>], vector<16xf32>,
        %gather3A_414 = tpu.vector_load_idx %arg12[%broadcast_in_dim3A, %add3A_171, %add3A_412] : memref<2x320x128xf32, #tpu.memory_space<vmem>>[vector<16xi32>, vector<16xi32>, vector<16xi32>], vector<16xf32>,
        %mul3A_415 = arith.mulf %gather3A_413, %gather3A_414 : vector<16xf32>
        %add3A_416 = arith.addf %add3A_388, %mul3A_415 : vector<16xf32>
        %gather3A_417 = tpu.vector_load_idx %arg12[%broadcast_in_dim3A, %add3A_177, %add3A_412] : memref<2x320x128xf32, #tpu.memory_space<vmem>>[vector<16xi32>, vector<16xi32>, vector<16xi32>], vector<16xf32>,
        %mul3A_418 = arith.mulf %gather3A_413, %gather3A_417 : vector<16xf32>
        %add3A_419 = arith.addf %add3A_391, %mul3A_418 : vector<16xf32>
        %gather3A_420 = tpu.vector_load_idx %arg12[%broadcast_in_dim3A, %add3A_183, %add3A_412] : memref<2x320x128xf32, #tpu.memory_space<vmem>>[vector<16xi32>, vector<16xi32>, vector<16xi32>], vector<16xf32>,
        %mul3A_421 = arith.mulf %gather3A_413, %gather3A_420 : vector<16xf32>
        %add3A_422 = arith.addf %add3A_394, %mul3A_421 : vector<16xf32>
        %gather3A_423 = tpu.vector_load_idx %arg12[%broadcast_in_dim3A, %add3A_189, %add3A_412] : memref<2x320x128xf32, #tpu.memory_space<vmem>>[vector<16xi32>, vector<16xi32>, vector<16xi32>], vector<16xf32>,
        %mul3A_424 = arith.mulf %gather3A_413, %gather3A_423 : vector<16xf32>
        %add3A_425 = arith.addf %add3A_397, %mul3A_424 : vector<16xf32>
        %gather3A_426 = tpu.vector_load_idx %arg12[%broadcast_in_dim3A, %add3A_195, %add3A_412] : memref<2x320x128xf32, #tpu.memory_space<vmem>>[vector<16xi32>, vector<16xi32>, vector<16xi32>], vector<16xf32>,
        %mul3A_427 = arith.mulf %gather3A_413, %gather3A_426 : vector<16xf32>
        %add3A_428 = arith.addf %add3A_400, %mul3A_427 : vector<16xf32>
        %gather3A_429 = tpu.vector_load_idx %arg12[%broadcast_in_dim3A, %add3A_201, %add3A_412] : memref<2x320x128xf32, #tpu.memory_space<vmem>>[vector<16xi32>, vector<16xi32>, vector<16xi32>], vector<16xf32>,
        %mul3A_430 = arith.mulf %gather3A_413, %gather3A_429 : vector<16xf32>
        %add3A_431 = arith.addf %add3A_403, %mul3A_430 : vector<16xf32>
        %gather3A_432 = tpu.vector_load_idx %arg12[%broadcast_in_dim3A, %add3A_207, %add3A_412] : memref<2x320x128xf32, #tpu.memory_space<vmem>>[vector<16xi32>, vector<16xi32>, vector<16xi32>], vector<16xf32>,
        %mul3A_433 = arith.mulf %gather3A_413, %gather3A_432 : vector<16xf32>
        %add3A_434 = arith.addf %add3A_406, %mul3A_433 : vector<16xf32>
        %scan3A_435 = arith.constant 2 : i32
        %scan3A_436 = arith.addi %scan3A_374, %scan3A_435 : i32
        %broadcast_in_dim3A_437 = vector.broadcast %scan3A_436 : i32 to vector<16xi32>
        %add3A_438 = arith.constant 64 : i32
        %add3A_439 = vector.broadcast %add3A_438 : i32 to vector<16xi32>
        %add3A_440 = arith.addi %broadcast_in_dim3A_437, %add3A_439 : vector<16xi32>
        %gather3A_441 = tpu.vector_load_idx %arg10[%broadcast_in_dim3A, %iota3A, %broadcast_in_dim3A_437] : memref<2x16x128xf32, #tpu.memory_space<vmem>>[vector<16xi32>, vector<16xi32>, vector<16xi32>], vector<16xf32>,
        %gather3A_442 = tpu.vector_load_idx %arg12[%broadcast_in_dim3A, %add3A_171, %add3A_440] : memref<2x320x128xf32, #tpu.memory_space<vmem>>[vector<16xi32>, vector<16xi32>, vector<16xi32>], vector<16xf32>,
        %mul3A_443 = arith.mulf %gather3A_441, %gather3A_442 : vector<16xf32>
        %add3A_444 = arith.addf %add3A_416, %mul3A_443 : vector<16xf32>
        %gather3A_445 = tpu.vector_load_idx %arg12[%broadcast_in_dim3A, %add3A_177, %add3A_440] : memref<2x320x128xf32, #tpu.memory_space<vmem>>[vector<16xi32>, vector<16xi32>, vector<16xi32>], vector<16xf32>,
        %mul3A_446 = arith.mulf %gather3A_441, %gather3A_445 : vector<16xf32>
        %add3A_447 = arith.addf %add3A_419, %mul3A_446 : vector<16xf32>
        %gather3A_448 = tpu.vector_load_idx %arg12[%broadcast_in_dim3A, %add3A_183, %add3A_440] : memref<2x320x128xf32, #tpu.memory_space<vmem>>[vector<16xi32>, vector<16xi32>, vector<16xi32>], vector<16xf32>,
        %mul3A_449 = arith.mulf %gather3A_441, %gather3A_448 : vector<16xf32>
        %add3A_450 = arith.addf %add3A_422, %mul3A_449 : vector<16xf32>
        %gather3A_451 = tpu.vector_load_idx %arg12[%broadcast_in_dim3A, %add3A_189, %add3A_440] : memref<2x320x128xf32, #tpu.memory_space<vmem>>[vector<16xi32>, vector<16xi32>, vector<16xi32>], vector<16xf32>,
        %mul3A_452 = arith.mulf %gather3A_441, %gather3A_451 : vector<16xf32>
        %add3A_453 = arith.addf %add3A_425, %mul3A_452 : vector<16xf32>
        %gather3A_454 = tpu.vector_load_idx %arg12[%broadcast_in_dim3A, %add3A_195, %add3A_440] : memref<2x320x128xf32, #tpu.memory_space<vmem>>[vector<16xi32>, vector<16xi32>, vector<16xi32>], vector<16xf32>,
        %mul3A_455 = arith.mulf %gather3A_441, %gather3A_454 : vector<16xf32>
        %add3A_456 = arith.addf %add3A_428, %mul3A_455 : vector<16xf32>
        %gather3A_457 = tpu.vector_load_idx %arg12[%broadcast_in_dim3A, %add3A_201, %add3A_440] : memref<2x320x128xf32, #tpu.memory_space<vmem>>[vector<16xi32>, vector<16xi32>, vector<16xi32>], vector<16xf32>,
        %mul3A_458 = arith.mulf %gather3A_441, %gather3A_457 : vector<16xf32>
        %add3A_459 = arith.addf %add3A_431, %mul3A_458 : vector<16xf32>
        %gather3A_460 = tpu.vector_load_idx %arg12[%broadcast_in_dim3A, %add3A_207, %add3A_440] : memref<2x320x128xf32, #tpu.memory_space<vmem>>[vector<16xi32>, vector<16xi32>, vector<16xi32>], vector<16xf32>,
        %mul3A_461 = arith.mulf %gather3A_441, %gather3A_460 : vector<16xf32>
        %add3A_462 = arith.addf %add3A_434, %mul3A_461 : vector<16xf32>
        %scan3A_463 = arith.constant 3 : i32
        %scan3A_464 = arith.addi %scan3A_374, %scan3A_463 : i32
        %broadcast_in_dim3A_465 = vector.broadcast %scan3A_464 : i32 to vector<16xi32>
        %add3A_466 = arith.constant 64 : i32
        %add3A_467 = vector.broadcast %add3A_466 : i32 to vector<16xi32>
        %add3A_468 = arith.addi %broadcast_in_dim3A_465, %add3A_467 : vector<16xi32>
        %gather3A_469 = tpu.vector_load_idx %arg10[%broadcast_in_dim3A, %iota3A, %broadcast_in_dim3A_465] : memref<2x16x128xf32, #tpu.memory_space<vmem>>[vector<16xi32>, vector<16xi32>, vector<16xi32>], vector<16xf32>,
        %gather3A_470 = tpu.vector_load_idx %arg12[%broadcast_in_dim3A, %add3A_171, %add3A_468] : memref<2x320x128xf32, #tpu.memory_space<vmem>>[vector<16xi32>, vector<16xi32>, vector<16xi32>], vector<16xf32>,
        %mul3A_471 = arith.mulf %gather3A_469, %gather3A_470 : vector<16xf32>
        %add3A_472 = arith.addf %add3A_444, %mul3A_471 : vector<16xf32>
        %gather3A_473 = tpu.vector_load_idx %arg12[%broadcast_in_dim3A, %add3A_177, %add3A_468] : memref<2x320x128xf32, #tpu.memory_space<vmem>>[vector<16xi32>, vector<16xi32>, vector<16xi32>], vector<16xf32>,
        %mul3A_474 = arith.mulf %gather3A_469, %gather3A_473 : vector<16xf32>
        %add3A_475 = arith.addf %add3A_447, %mul3A_474 : vector<16xf32>
        %gather3A_476 = tpu.vector_load_idx %arg12[%broadcast_in_dim3A, %add3A_183, %add3A_468] : memref<2x320x128xf32, #tpu.memory_space<vmem>>[vector<16xi32>, vector<16xi32>, vector<16xi32>], vector<16xf32>,
        %mul3A_477 = arith.mulf %gather3A_469, %gather3A_476 : vector<16xf32>
        %add3A_478 = arith.addf %add3A_450, %mul3A_477 : vector<16xf32>
        %gather3A_479 = tpu.vector_load_idx %arg12[%broadcast_in_dim3A, %add3A_189, %add3A_468] : memref<2x320x128xf32, #tpu.memory_space<vmem>>[vector<16xi32>, vector<16xi32>, vector<16xi32>], vector<16xf32>,
        %mul3A_480 = arith.mulf %gather3A_469, %gather3A_479 : vector<16xf32>
        %add3A_481 = arith.addf %add3A_453, %mul3A_480 : vector<16xf32>
        %gather3A_482 = tpu.vector_load_idx %arg12[%broadcast_in_dim3A, %add3A_195, %add3A_468] : memref<2x320x128xf32, #tpu.memory_space<vmem>>[vector<16xi32>, vector<16xi32>, vector<16xi32>], vector<16xf32>,
        %mul3A_483 = arith.mulf %gather3A_469, %gather3A_482 : vector<16xf32>
        %add3A_484 = arith.addf %add3A_456, %mul3A_483 : vector<16xf32>
        %gather3A_485 = tpu.vector_load_idx %arg12[%broadcast_in_dim3A, %add3A_201, %add3A_468] : memref<2x320x128xf32, #tpu.memory_space<vmem>>[vector<16xi32>, vector<16xi32>, vector<16xi32>], vector<16xf32>,
        %mul3A_486 = arith.mulf %gather3A_469, %gather3A_485 : vector<16xf32>
        %add3A_487 = arith.addf %add3A_459, %mul3A_486 : vector<16xf32>
        %gather3A_488 = tpu.vector_load_idx %arg12[%broadcast_in_dim3A, %add3A_207, %add3A_468] : memref<2x320x128xf32, #tpu.memory_space<vmem>>[vector<16xi32>, vector<16xi32>, vector<16xi32>], vector<16xf32>,
        %mul3A_489 = arith.mulf %gather3A_469, %gather3A_488 : vector<16xf32>
        %add3A_490 = arith.addf %add3A_462, %mul3A_489 : vector<16xf32>
        %scan3A_491 = arith.constant 4 : i32
        %scan3A_492 = arith.addi %scan3A_374, %scan3A_491 : i32
        %broadcast_in_dim3A_493 = vector.broadcast %scan3A_492 : i32 to vector<16xi32>
        %add3A_494 = arith.constant 64 : i32
        %add3A_495 = vector.broadcast %add3A_494 : i32 to vector<16xi32>
        %add3A_496 = arith.addi %broadcast_in_dim3A_493, %add3A_495 : vector<16xi32>
        %gather3A_497 = tpu.vector_load_idx %arg10[%broadcast_in_dim3A, %iota3A, %broadcast_in_dim3A_493] : memref<2x16x128xf32, #tpu.memory_space<vmem>>[vector<16xi32>, vector<16xi32>, vector<16xi32>], vector<16xf32>,
        %gather3A_498 = tpu.vector_load_idx %arg12[%broadcast_in_dim3A, %add3A_171, %add3A_496] : memref<2x320x128xf32, #tpu.memory_space<vmem>>[vector<16xi32>, vector<16xi32>, vector<16xi32>], vector<16xf32>,
        %mul3A_499 = arith.mulf %gather3A_497, %gather3A_498 : vector<16xf32>
        %add3A_500 = arith.addf %add3A_472, %mul3A_499 : vector<16xf32>
        %gather3A_501 = tpu.vector_load_idx %arg12[%broadcast_in_dim3A, %add3A_177, %add3A_496] : memref<2x320x128xf32, #tpu.memory_space<vmem>>[vector<16xi32>, vector<16xi32>, vector<16xi32>], vector<16xf32>,
        %mul3A_502 = arith.mulf %gather3A_497, %gather3A_501 : vector<16xf32>
        %add3A_503 = arith.addf %add3A_475, %mul3A_502 : vector<16xf32>
        %gather3A_504 = tpu.vector_load_idx %arg12[%broadcast_in_dim3A, %add3A_183, %add3A_496] : memref<2x320x128xf32, #tpu.memory_space<vmem>>[vector<16xi32>, vector<16xi32>, vector<16xi32>], vector<16xf32>,
        %mul3A_505 = arith.mulf %gather3A_497, %gather3A_504 : vector<16xf32>
        %add3A_506 = arith.addf %add3A_478, %mul3A_505 : vector<16xf32>
        %gather3A_507 = tpu.vector_load_idx %arg12[%broadcast_in_dim3A, %add3A_189, %add3A_496] : memref<2x320x128xf32, #tpu.memory_space<vmem>>[vector<16xi32>, vector<16xi32>, vector<16xi32>], vector<16xf32>,
        %mul3A_508 = arith.mulf %gather3A_497, %gather3A_507 : vector<16xf32>
        %add3A_509 = arith.addf %add3A_481, %mul3A_508 : vector<16xf32>
        %gather3A_510 = tpu.vector_load_idx %arg12[%broadcast_in_dim3A, %add3A_195, %add3A_496] : memref<2x320x128xf32, #tpu.memory_space<vmem>>[vector<16xi32>, vector<16xi32>, vector<16xi32>], vector<16xf32>,
        %mul3A_511 = arith.mulf %gather3A_497, %gather3A_510 : vector<16xf32>
        %add3A_512 = arith.addf %add3A_484, %mul3A_511 : vector<16xf32>
        %gather3A_513 = tpu.vector_load_idx %arg12[%broadcast_in_dim3A, %add3A_201, %add3A_496] : memref<2x320x128xf32, #tpu.memory_space<vmem>>[vector<16xi32>, vector<16xi32>, vector<16xi32>], vector<16xf32>,
        %mul3A_514 = arith.mulf %gather3A_497, %gather3A_513 : vector<16xf32>
        %add3A_515 = arith.addf %add3A_487, %mul3A_514 : vector<16xf32>
        %gather3A_516 = tpu.vector_load_idx %arg12[%broadcast_in_dim3A, %add3A_207, %add3A_496] : memref<2x320x128xf32, #tpu.memory_space<vmem>>[vector<16xi32>, vector<16xi32>, vector<16xi32>], vector<16xf32>,
        %mul3A_517 = arith.mulf %gather3A_497, %gather3A_516 : vector<16xf32>
        %add3A_518 = arith.addf %add3A_490, %mul3A_517 : vector<16xf32>
        %scan3A_519 = arith.constant 5 : i32
        %scan3A_520 = arith.addi %scan3A_374, %scan3A_519 : i32
        %broadcast_in_dim3A_521 = vector.broadcast %scan3A_520 : i32 to vector<16xi32>
        %add3A_522 = arith.constant 64 : i32
        %add3A_523 = vector.broadcast %add3A_522 : i32 to vector<16xi32>
        %add3A_524 = arith.addi %broadcast_in_dim3A_521, %add3A_523 : vector<16xi32>
        %gather3A_525 = tpu.vector_load_idx %arg10[%broadcast_in_dim3A, %iota3A, %broadcast_in_dim3A_521] : memref<2x16x128xf32, #tpu.memory_space<vmem>>[vector<16xi32>, vector<16xi32>, vector<16xi32>], vector<16xf32>,
        %gather3A_526 = tpu.vector_load_idx %arg12[%broadcast_in_dim3A, %add3A_171, %add3A_524] : memref<2x320x128xf32, #tpu.memory_space<vmem>>[vector<16xi32>, vector<16xi32>, vector<16xi32>], vector<16xf32>,
        %mul3A_527 = arith.mulf %gather3A_525, %gather3A_526 : vector<16xf32>
        %add3A_528 = arith.addf %add3A_500, %mul3A_527 : vector<16xf32>
        %gather3A_529 = tpu.vector_load_idx %arg12[%broadcast_in_dim3A, %add3A_177, %add3A_524] : memref<2x320x128xf32, #tpu.memory_space<vmem>>[vector<16xi32>, vector<16xi32>, vector<16xi32>], vector<16xf32>,
        %mul3A_530 = arith.mulf %gather3A_525, %gather3A_529 : vector<16xf32>
        %add3A_531 = arith.addf %add3A_503, %mul3A_530 : vector<16xf32>
        %gather3A_532 = tpu.vector_load_idx %arg12[%broadcast_in_dim3A, %add3A_183, %add3A_524] : memref<2x320x128xf32, #tpu.memory_space<vmem>>[vector<16xi32>, vector<16xi32>, vector<16xi32>], vector<16xf32>,
        %mul3A_533 = arith.mulf %gather3A_525, %gather3A_532 : vector<16xf32>
        %add3A_534 = arith.addf %add3A_506, %mul3A_533 : vector<16xf32>
        %gather3A_535 = tpu.vector_load_idx %arg12[%broadcast_in_dim3A, %add3A_189, %add3A_524] : memref<2x320x128xf32, #tpu.memory_space<vmem>>[vector<16xi32>, vector<16xi32>, vector<16xi32>], vector<16xf32>,
        %mul3A_536 = arith.mulf %gather3A_525, %gather3A_535 : vector<16xf32>
        %add3A_537 = arith.addf %add3A_509, %mul3A_536 : vector<16xf32>
        %gather3A_538 = tpu.vector_load_idx %arg12[%broadcast_in_dim3A, %add3A_195, %add3A_524] : memref<2x320x128xf32, #tpu.memory_space<vmem>>[vector<16xi32>, vector<16xi32>, vector<16xi32>], vector<16xf32>,
        %mul3A_539 = arith.mulf %gather3A_525, %gather3A_538 : vector<16xf32>
        %add3A_540 = arith.addf %add3A_512, %mul3A_539 : vector<16xf32>
        %gather3A_541 = tpu.vector_load_idx %arg12[%broadcast_in_dim3A, %add3A_201, %add3A_524] : memref<2x320x128xf32, #tpu.memory_space<vmem>>[vector<16xi32>, vector<16xi32>, vector<16xi32>], vector<16xf32>,
        %mul3A_542 = arith.mulf %gather3A_525, %gather3A_541 : vector<16xf32>
        %add3A_543 = arith.addf %add3A_515, %mul3A_542 : vector<16xf32>
        %gather3A_544 = tpu.vector_load_idx %arg12[%broadcast_in_dim3A, %add3A_207, %add3A_524] : memref<2x320x128xf32, #tpu.memory_space<vmem>>[vector<16xi32>, vector<16xi32>, vector<16xi32>], vector<16xf32>,
        %mul3A_545 = arith.mulf %gather3A_525, %gather3A_544 : vector<16xf32>
        %add3A_546 = arith.addf %add3A_518, %mul3A_545 : vector<16xf32>
        %scan3A_547 = arith.constant 6 : i32
        %scan3A_548 = arith.addi %scan3A_374, %scan3A_547 : i32
        %broadcast_in_dim3A_549 = vector.broadcast %scan3A_548 : i32 to vector<16xi32>
        %add3A_550 = arith.constant 64 : i32
        %add3A_551 = vector.broadcast %add3A_550 : i32 to vector<16xi32>
        %add3A_552 = arith.addi %broadcast_in_dim3A_549, %add3A_551 : vector<16xi32>
        %gather3A_553 = tpu.vector_load_idx %arg10[%broadcast_in_dim3A, %iota3A, %broadcast_in_dim3A_549] : memref<2x16x128xf32, #tpu.memory_space<vmem>>[vector<16xi32>, vector<16xi32>, vector<16xi32>], vector<16xf32>,
        %gather3A_554 = tpu.vector_load_idx %arg12[%broadcast_in_dim3A, %add3A_171, %add3A_552] : memref<2x320x128xf32, #tpu.memory_space<vmem>>[vector<16xi32>, vector<16xi32>, vector<16xi32>], vector<16xf32>,
        %mul3A_555 = arith.mulf %gather3A_553, %gather3A_554 : vector<16xf32>
        %add3A_556 = arith.addf %add3A_528, %mul3A_555 : vector<16xf32>
        %gather3A_557 = tpu.vector_load_idx %arg12[%broadcast_in_dim3A, %add3A_177, %add3A_552] : memref<2x320x128xf32, #tpu.memory_space<vmem>>[vector<16xi32>, vector<16xi32>, vector<16xi32>], vector<16xf32>,
        %mul3A_558 = arith.mulf %gather3A_553, %gather3A_557 : vector<16xf32>
        %add3A_559 = arith.addf %add3A_531, %mul3A_558 : vector<16xf32>
        %gather3A_560 = tpu.vector_load_idx %arg12[%broadcast_in_dim3A, %add3A_183, %add3A_552] : memref<2x320x128xf32, #tpu.memory_space<vmem>>[vector<16xi32>, vector<16xi32>, vector<16xi32>], vector<16xf32>,
        %mul3A_561 = arith.mulf %gather3A_553, %gather3A_560 : vector<16xf32>
        %add3A_562 = arith.addf %add3A_534, %mul3A_561 : vector<16xf32>
        %gather3A_563 = tpu.vector_load_idx %arg12[%broadcast_in_dim3A, %add3A_189, %add3A_552] : memref<2x320x128xf32, #tpu.memory_space<vmem>>[vector<16xi32>, vector<16xi32>, vector<16xi32>], vector<16xf32>,
        %mul3A_564 = arith.mulf %gather3A_553, %gather3A_563 : vector<16xf32>
        %add3A_565 = arith.addf %add3A_537, %mul3A_564 : vector<16xf32>
        %gather3A_566 = tpu.vector_load_idx %arg12[%broadcast_in_dim3A, %add3A_195, %add3A_552] : memref<2x320x128xf32, #tpu.memory_space<vmem>>[vector<16xi32>, vector<16xi32>, vector<16xi32>], vector<16xf32>,
        %mul3A_567 = arith.mulf %gather3A_553, %gather3A_566 : vector<16xf32>
        %add3A_568 = arith.addf %add3A_540, %mul3A_567 : vector<16xf32>
        %gather3A_569 = tpu.vector_load_idx %arg12[%broadcast_in_dim3A, %add3A_201, %add3A_552] : memref<2x320x128xf32, #tpu.memory_space<vmem>>[vector<16xi32>, vector<16xi32>, vector<16xi32>], vector<16xf32>,
        %mul3A_570 = arith.mulf %gather3A_553, %gather3A_569 : vector<16xf32>
        %add3A_571 = arith.addf %add3A_543, %mul3A_570 : vector<16xf32>
        %gather3A_572 = tpu.vector_load_idx %arg12[%broadcast_in_dim3A, %add3A_207, %add3A_552] : memref<2x320x128xf32, #tpu.memory_space<vmem>>[vector<16xi32>, vector<16xi32>, vector<16xi32>], vector<16xf32>,
        %mul3A_573 = arith.mulf %gather3A_553, %gather3A_572 : vector<16xf32>
        %add3A_574 = arith.addf %add3A_546, %mul3A_573 : vector<16xf32>
        %scan3A_575 = arith.constant 7 : i32
        %scan3A_576 = arith.addi %scan3A_374, %scan3A_575 : i32
        %broadcast_in_dim3A_577 = vector.broadcast %scan3A_576 : i32 to vector<16xi32>
        %add3A_578 = arith.constant 64 : i32
        %add3A_579 = vector.broadcast %add3A_578 : i32 to vector<16xi32>
        %add3A_580 = arith.addi %broadcast_in_dim3A_577, %add3A_579 : vector<16xi32>
        %gather3A_581 = tpu.vector_load_idx %arg10[%broadcast_in_dim3A, %iota3A, %broadcast_in_dim3A_577] : memref<2x16x128xf32, #tpu.memory_space<vmem>>[vector<16xi32>, vector<16xi32>, vector<16xi32>], vector<16xf32>,
        %gather3A_582 = tpu.vector_load_idx %arg12[%broadcast_in_dim3A, %add3A_171, %add3A_580] : memref<2x320x128xf32, #tpu.memory_space<vmem>>[vector<16xi32>, vector<16xi32>, vector<16xi32>], vector<16xf32>,
        %mul3A_583 = arith.mulf %gather3A_581, %gather3A_582 : vector<16xf32>
        %add3A_584 = arith.addf %add3A_556, %mul3A_583 : vector<16xf32>
        %gather3A_585 = tpu.vector_load_idx %arg12[%broadcast_in_dim3A, %add3A_177, %add3A_580] : memref<2x320x128xf32, #tpu.memory_space<vmem>>[vector<16xi32>, vector<16xi32>, vector<16xi32>], vector<16xf32>,
        %mul3A_586 = arith.mulf %gather3A_581, %gather3A_585 : vector<16xf32>
        %add3A_587 = arith.addf %add3A_559, %mul3A_586 : vector<16xf32>
        %gather3A_588 = tpu.vector_load_idx %arg12[%broadcast_in_dim3A, %add3A_183, %add3A_580] : memref<2x320x128xf32, #tpu.memory_space<vmem>>[vector<16xi32>, vector<16xi32>, vector<16xi32>], vector<16xf32>,
        %mul3A_589 = arith.mulf %gather3A_581, %gather3A_588 : vector<16xf32>
        %add3A_590 = arith.addf %add3A_562, %mul3A_589 : vector<16xf32>
        %gather3A_591 = tpu.vector_load_idx %arg12[%broadcast_in_dim3A, %add3A_189, %add3A_580] : memref<2x320x128xf32, #tpu.memory_space<vmem>>[vector<16xi32>, vector<16xi32>, vector<16xi32>], vector<16xf32>,
        %mul3A_592 = arith.mulf %gather3A_581, %gather3A_591 : vector<16xf32>
        %add3A_593 = arith.addf %add3A_565, %mul3A_592 : vector<16xf32>
        %gather3A_594 = tpu.vector_load_idx %arg12[%broadcast_in_dim3A, %add3A_195, %add3A_580] : memref<2x320x128xf32, #tpu.memory_space<vmem>>[vector<16xi32>, vector<16xi32>, vector<16xi32>], vector<16xf32>,
        %mul3A_595 = arith.mulf %gather3A_581, %gather3A_594 : vector<16xf32>
        %add3A_596 = arith.addf %add3A_568, %mul3A_595 : vector<16xf32>
        %gather3A_597 = tpu.vector_load_idx %arg12[%broadcast_in_dim3A, %add3A_201, %add3A_580] : memref<2x320x128xf32, #tpu.memory_space<vmem>>[vector<16xi32>, vector<16xi32>, vector<16xi32>], vector<16xf32>,
        %mul3A_598 = arith.mulf %gather3A_581, %gather3A_597 : vector<16xf32>
        %add3A_599 = arith.addf %add3A_571, %mul3A_598 : vector<16xf32>
        %gather3A_600 = tpu.vector_load_idx %arg12[%broadcast_in_dim3A, %add3A_207, %add3A_580] : memref<2x320x128xf32, #tpu.memory_space<vmem>>[vector<16xi32>, vector<16xi32>, vector<16xi32>], vector<16xf32>,
        %mul3A_601 = arith.mulf %gather3A_581, %gather3A_600 : vector<16xf32>
        %add3A_602 = arith.addf %add3A_574, %mul3A_601 : vector<16xf32>
        scf.yield %add3A_584, %add3A_587, %add3A_590, %add3A_593, %add3A_596, %add3A_599, %add3A_602 : vector<16xf32>, vector<16xf32>, vector<16xf32>, vector<16xf32>, vector<16xf32>, vector<16xf32>, vector<16xf32>
      }
      %scan3A_231 = arith.constant 64 : i32
      %swap3A = arith.constant 0 : i32
      %swap3A_232 = arith.index_cast %swap3A : i32 to index
      %swap3A_233 = arith.index_cast %mul3A_51 : i32 to index
      %swap3A_234 = tpu.vector_load %arg13[%swap3A_232, %swap3A_233] {strides = array<i32>} : memref<24x512xf32, #tpu.memory_space<vmem>>, vector<16xf32>,
      tpu.vector_store %arg13[%swap3A_232, %swap3A_233], %scan3A_214#0 {strides = array<i32>} : memref<24x512xf32, #tpu.memory_space<vmem>>, vector<16xf32>,
      %neg3A = arith.constant 0.000000e+00 : f32
      %neg3A_235 = vector.broadcast %neg3A : f32 to vector<16xf32>
      %neg3A_236 = arith.subf %neg3A_235, %scan3A_214#1 : vector<16xf32>
      %swap3A_237 = arith.constant 1 : i32
      %swap3A_238 = arith.index_cast %swap3A_237 : i32 to index
      %swap3A_239 = arith.index_cast %mul3A_51 : i32 to index
      %swap3A_240 = tpu.vector_load %arg13[%swap3A_238, %swap3A_239] {strides = array<i32>} : memref<24x512xf32, #tpu.memory_space<vmem>>, vector<16xf32>,
      tpu.vector_store %arg13[%swap3A_238, %swap3A_239], %neg3A_236 {strides = array<i32>} : memref<24x512xf32, #tpu.memory_space<vmem>>, vector<16xf32>,
      %neg3A_241 = arith.constant 0.000000e+00 : f32
      %neg3A_242 = vector.broadcast %neg3A_241 : f32 to vector<16xf32>
      %neg3A_243 = arith.subf %neg3A_242, %scan3A_214#2 : vector<16xf32>
      %swap3A_244 = arith.constant 2 : i32
      %swap3A_245 = arith.index_cast %swap3A_244 : i32 to index
      %swap3A_246 = arith.index_cast %mul3A_51 : i32 to index
      %swap3A_247 = tpu.vector_load %arg13[%swap3A_245, %swap3A_246] {strides = array<i32>} : memref<24x512xf32, #tpu.memory_space<vmem>>, vector<16xf32>,
      tpu.vector_store %arg13[%swap3A_245, %swap3A_246], %neg3A_243 {strides = array<i32>} : memref<24x512xf32, #tpu.memory_space<vmem>>, vector<16xf32>,
      %neg3A_248 = arith.constant 0.000000e+00 : f32
      %neg3A_249 = vector.broadcast %neg3A_248 : f32 to vector<16xf32>
      %neg3A_250 = arith.subf %neg3A_249, %scan3A_214#3 : vector<16xf32>
      %swap3A_251 = arith.constant 3 : i32
      %swap3A_252 = arith.index_cast %swap3A_251 : i32 to index
      %swap3A_253 = arith.index_cast %mul3A_51 : i32 to index
      %swap3A_254 = tpu.vector_load %arg13[%swap3A_252, %swap3A_253] {strides = array<i32>} : memref<24x512xf32, #tpu.memory_space<vmem>>, vector<16xf32>,
      tpu.vector_store %arg13[%swap3A_252, %swap3A_253], %neg3A_250 {strides = array<i32>} : memref<24x512xf32, #tpu.memory_space<vmem>>, vector<16xf32>,
      %neg3A_255 = arith.constant 0.000000e+00 : f32
      %neg3A_256 = vector.broadcast %neg3A_255 : f32 to vector<16xf32>
      %neg3A_257 = arith.subf %neg3A_256, %scan3A_214#4 : vector<16xf32>
      %swap3A_258 = arith.constant 4 : i32
      %swap3A_259 = arith.index_cast %swap3A_258 : i32 to index
      %swap3A_260 = arith.index_cast %mul3A_51 : i32 to index
      %swap3A_261 = tpu.vector_load %arg13[%swap3A_259, %swap3A_260] {strides = array<i32>} : memref<24x512xf32, #tpu.memory_space<vmem>>, vector<16xf32>,
      tpu.vector_store %arg13[%swap3A_259, %swap3A_260], %neg3A_257 {strides = array<i32>} : memref<24x512xf32, #tpu.memory_space<vmem>>, vector<16xf32>,
      %neg3A_262 = arith.constant 0.000000e+00 : f32
      %neg3A_263 = vector.broadcast %neg3A_262 : f32 to vector<16xf32>
      %neg3A_264 = arith.subf %neg3A_263, %scan3A_214#5 : vector<16xf32>
      %swap3A_265 = arith.constant 5 : i32
      %swap3A_266 = arith.index_cast %swap3A_265 : i32 to index
      %swap3A_267 = arith.index_cast %mul3A_51 : i32 to index
      %swap3A_268 = tpu.vector_load %arg13[%swap3A_266, %swap3A_267] {strides = array<i32>} : memref<24x512xf32, #tpu.memory_space<vmem>>, vector<16xf32>,
      tpu.vector_store %arg13[%swap3A_266, %swap3A_267], %neg3A_264 {strides = array<i32>} : memref<24x512xf32, #tpu.memory_space<vmem>>, vector<16xf32>,
      %neg3A_269 = arith.constant 0.000000e+00 : f32
      %neg3A_270 = vector.broadcast %neg3A_269 : f32 to vector<16xf32>
      %neg3A_271 = arith.subf %neg3A_270, %scan3A_214#6 : vector<16xf32>
      %swap3A_272 = arith.constant 6 : i32
      %swap3A_273 = arith.index_cast %swap3A_272 : i32 to index
      %swap3A_274 = arith.index_cast %mul3A_51 : i32 to index
      %swap3A_275 = tpu.vector_load %arg13[%swap3A_273, %swap3A_274] {strides = array<i32>} : memref<24x512xf32, #tpu.memory_space<vmem>>, vector<16xf32>,
      tpu.vector_store %arg13[%swap3A_273, %swap3A_274], %neg3A_271 {strides = array<i32>} : memref<24x512xf32, #tpu.memory_space<vmem>>, vector<16xf32>,
      %neg3A_276 = arith.constant 0.000000e+00 : f32
      %neg3A_277 = vector.broadcast %neg3A_276 : f32 to vector<16xf32>
      %neg3A_278 = arith.subf %neg3A_277, %scan3A_222#0 : vector<16xf32>
      %swap3A_279 = arith.constant 7 : i32
      %swap3A_280 = arith.index_cast %swap3A_279 : i32 to index
      %swap3A_281 = arith.index_cast %mul3A_51 : i32 to index
      %swap3A_282 = tpu.vector_load %arg13[%swap3A_280, %swap3A_281] {strides = array<i32>} : memref<24x512xf32, #tpu.memory_space<vmem>>, vector<16xf32>,
      tpu.vector_store %arg13[%swap3A_280, %swap3A_281], %neg3A_278 {strides = array<i32>} : memref<24x512xf32, #tpu.memory_space<vmem>>, vector<16xf32>,
      %neg3A_283 = arith.constant 0.000000e+00 : f32
      %neg3A_284 = vector.broadcast %neg3A_283 : f32 to vector<16xf32>
      %neg3A_285 = arith.subf %neg3A_284, %scan3A_222#1 : vector<16xf32>
      %swap3A_286 = arith.constant 8 : i32
      %swap3A_287 = arith.index_cast %swap3A_286 : i32 to index
      %swap3A_288 = arith.index_cast %mul3A_51 : i32 to index
      %swap3A_289 = tpu.vector_load %arg13[%swap3A_287, %swap3A_288] {strides = array<i32>} : memref<24x512xf32, #tpu.memory_space<vmem>>, vector<16xf32>,
      tpu.vector_store %arg13[%swap3A_287, %swap3A_288], %neg3A_285 {strides = array<i32>} : memref<24x512xf32, #tpu.memory_space<vmem>>, vector<16xf32>,
      %neg3A_290 = arith.constant 0.000000e+00 : f32
      %neg3A_291 = vector.broadcast %neg3A_290 : f32 to vector<16xf32>
      %neg3A_292 = arith.subf %neg3A_291, %scan3A_222#2 : vector<16xf32>
      %swap3A_293 = arith.constant 9 : i32
      %swap3A_294 = arith.index_cast %swap3A_293 : i32 to index
      %swap3A_295 = arith.index_cast %mul3A_51 : i32 to index
      %swap3A_296 = tpu.vector_load %arg13[%swap3A_294, %swap3A_295] {strides = array<i32>} : memref<24x512xf32, #tpu.memory_space<vmem>>, vector<16xf32>,
      tpu.vector_store %arg13[%swap3A_294, %swap3A_295], %neg3A_292 {strides = array<i32>} : memref<24x512xf32, #tpu.memory_space<vmem>>, vector<16xf32>,
      %neg3A_297 = arith.constant 0.000000e+00 : f32
      %neg3A_298 = vector.broadcast %neg3A_297 : f32 to vector<16xf32>
      %neg3A_299 = arith.subf %neg3A_298, %scan3A_222#3 : vector<16xf32>
      %swap3A_300 = arith.constant 10 : i32
      %swap3A_301 = arith.index_cast %swap3A_300 : i32 to index
      %swap3A_302 = arith.index_cast %mul3A_51 : i32 to index
      %swap3A_303 = tpu.vector_load %arg13[%swap3A_301, %swap3A_302] {strides = array<i32>} : memref<24x512xf32, #tpu.memory_space<vmem>>, vector<16xf32>,
      tpu.vector_store %arg13[%swap3A_301, %swap3A_302], %neg3A_299 {strides = array<i32>} : memref<24x512xf32, #tpu.memory_space<vmem>>, vector<16xf32>,
      %neg3A_304 = arith.constant 0.000000e+00 : f32
      %neg3A_305 = vector.broadcast %neg3A_304 : f32 to vector<16xf32>
      %neg3A_306 = arith.subf %neg3A_305, %scan3A_222#4 : vector<16xf32>
      %swap3A_307 = arith.constant 11 : i32
      %swap3A_308 = arith.index_cast %swap3A_307 : i32 to index
      %swap3A_309 = arith.index_cast %mul3A_51 : i32 to index
      %swap3A_310 = tpu.vector_load %arg13[%swap3A_308, %swap3A_309] {strides = array<i32>} : memref<24x512xf32, #tpu.memory_space<vmem>>, vector<16xf32>,
      tpu.vector_store %arg13[%swap3A_308, %swap3A_309], %neg3A_306 {strides = array<i32>} : memref<24x512xf32, #tpu.memory_space<vmem>>, vector<16xf32>,
      %neg3A_311 = arith.constant 0.000000e+00 : f32
      %neg3A_312 = vector.broadcast %neg3A_311 : f32 to vector<16xf32>
      %neg3A_313 = arith.subf %neg3A_312, %scan3A_222#5 : vector<16xf32>
      %swap3A_314 = arith.constant 12 : i32
      %swap3A_315 = arith.index_cast %swap3A_314 : i32 to index
      %swap3A_316 = arith.index_cast %mul3A_51 : i32 to index
      %swap3A_317 = tpu.vector_load %arg13[%swap3A_315, %swap3A_316] {strides = array<i32>} : memref<24x512xf32, #tpu.memory_space<vmem>>, vector<16xf32>,
      tpu.vector_store %arg13[%swap3A_315, %swap3A_316], %neg3A_313 {strides = array<i32>} : memref<24x512xf32, #tpu.memory_space<vmem>>, vector<16xf32>,
      %neg3A_318 = arith.constant 0.000000e+00 : f32
      %neg3A_319 = vector.broadcast %neg3A_318 : f32 to vector<16xf32>
      %neg3A_320 = arith.subf %neg3A_319, %scan3A_222#6 : vector<16xf32>
      %swap3A_321 = arith.constant 13 : i32
      %swap3A_322 = arith.index_cast %swap3A_321 : i32 to index
      %swap3A_323 = arith.index_cast %mul3A_51 : i32 to index
      %swap3A_324 = tpu.vector_load %arg13[%swap3A_322, %swap3A_323] {strides = array<i32>} : memref<24x512xf32, #tpu.memory_space<vmem>>, vector<16xf32>,
      tpu.vector_store %arg13[%swap3A_322, %swap3A_323], %neg3A_320 {strides = array<i32>} : memref<24x512xf32, #tpu.memory_space<vmem>>, vector<16xf32>,
      %neg3A_325 = arith.constant 0.000000e+00 : f32
      %neg3A_326 = vector.broadcast %neg3A_325 : f32 to vector<16xf32>
      %neg3A_327 = arith.subf %neg3A_326, %scan3A_230#0 : vector<16xf32>
      %swap3A_328 = arith.constant 14 : i32
      %swap3A_329 = arith.index_cast %swap3A_328 : i32 to index
      %swap3A_330 = arith.index_cast %mul3A_51 : i32 to index
      %swap3A_331 = tpu.vector_load %arg13[%swap3A_329, %swap3A_330] {strides = array<i32>} : memref<24x512xf32, #tpu.memory_space<vmem>>, vector<16xf32>,
      tpu.vector_store %arg13[%swap3A_329, %swap3A_330], %neg3A_327 {strides = array<i32>} : memref<24x512xf32, #tpu.memory_space<vmem>>, vector<16xf32>,
      %neg3A_332 = arith.constant 0.000000e+00 : f32
      %neg3A_333 = vector.broadcast %neg3A_332 : f32 to vector<16xf32>
      %neg3A_334 = arith.subf %neg3A_333, %scan3A_230#1 : vector<16xf32>
      %swap3A_335 = arith.constant 15 : i32
      %swap3A_336 = arith.index_cast %swap3A_335 : i32 to index
      %swap3A_337 = arith.index_cast %mul3A_51 : i32 to index
      %swap3A_338 = tpu.vector_load %arg13[%swap3A_336, %swap3A_337] {strides = array<i32>} : memref<24x512xf32, #tpu.memory_space<vmem>>, vector<16xf32>,
      tpu.vector_store %arg13[%swap3A_336, %swap3A_337], %neg3A_334 {strides = array<i32>} : memref<24x512xf32, #tpu.memory_space<vmem>>, vector<16xf32>,
      %neg3A_339 = arith.constant 0.000000e+00 : f32
      %neg3A_340 = vector.broadcast %neg3A_339 : f32 to vector<16xf32>
      %neg3A_341 = arith.subf %neg3A_340, %scan3A_230#2 : vector<16xf32>
      %swap3A_342 = arith.constant 16 : i32
      %swap3A_343 = arith.index_cast %swap3A_342 : i32 to index
      %swap3A_344 = arith.index_cast %mul3A_51 : i32 to index
      %swap3A_345 = tpu.vector_load %arg13[%swap3A_343, %swap3A_344] {strides = array<i32>} : memref<24x512xf32, #tpu.memory_space<vmem>>, vector<16xf32>,
      tpu.vector_store %arg13[%swap3A_343, %swap3A_344], %neg3A_341 {strides = array<i32>} : memref<24x512xf32, #tpu.memory_space<vmem>>, vector<16xf32>,
      %neg3A_346 = arith.constant 0.000000e+00 : f32
      %neg3A_347 = vector.broadcast %neg3A_346 : f32 to vector<16xf32>
      %neg3A_348 = arith.subf %neg3A_347, %scan3A_230#3 : vector<16xf32>
      %swap3A_349 = arith.constant 17 : i32
      %swap3A_350 = arith.index_cast %swap3A_349 : i32 to index
      %swap3A_351 = arith.index_cast %mul3A_51 : i32 to index
      %swap3A_352 = tpu.vector_load %arg13[%swap3A_350, %swap3A_351] {strides = array<i32>} : memref<24x512xf32, #tpu.memory_space<vmem>>, vector<16xf32>,
      tpu.vector_store %arg13[%swap3A_350, %swap3A_351], %neg3A_348 {strides = array<i32>} : memref<24x512xf32, #tpu.memory_space<vmem>>, vector<16xf32>,
      %neg3A_353 = arith.constant 0.000000e+00 : f32
      %neg3A_354 = vector.broadcast %neg3A_353 : f32 to vector<16xf32>
      %neg3A_355 = arith.subf %neg3A_354, %scan3A_230#4 : vector<16xf32>
      %swap3A_356 = arith.constant 18 : i32
      %swap3A_357 = arith.index_cast %swap3A_356 : i32 to index
      %swap3A_358 = arith.index_cast %mul3A_51 : i32 to index
      %swap3A_359 = tpu.vector_load %arg13[%swap3A_357, %swap3A_358] {strides = array<i32>} : memref<24x512xf32, #tpu.memory_space<vmem>>, vector<16xf32>,
      tpu.vector_store %arg13[%swap3A_357, %swap3A_358], %neg3A_355 {strides = array<i32>} : memref<24x512xf32, #tpu.memory_space<vmem>>, vector<16xf32>,
      %neg3A_360 = arith.constant 0.000000e+00 : f32
      %neg3A_361 = vector.broadcast %neg3A_360 : f32 to vector<16xf32>
      %neg3A_362 = arith.subf %neg3A_361, %scan3A_230#5 : vector<16xf32>
      %swap3A_363 = arith.constant 19 : i32
      %swap3A_364 = arith.index_cast %swap3A_363 : i32 to index
      %swap3A_365 = arith.index_cast %mul3A_51 : i32 to index
      %swap3A_366 = tpu.vector_load %arg13[%swap3A_364, %swap3A_365] {strides = array<i32>} : memref<24x512xf32, #tpu.memory_space<vmem>>, vector<16xf32>,
      tpu.vector_store %arg13[%swap3A_364, %swap3A_365], %neg3A_362 {strides = array<i32>} : memref<24x512xf32, #tpu.memory_space<vmem>>, vector<16xf32>,
      %neg3A_367 = arith.constant 0.000000e+00 : f32
      %neg3A_368 = vector.broadcast %neg3A_367 : f32 to vector<16xf32>
      %neg3A_369 = arith.subf %neg3A_368, %scan3A_230#6 : vector<16xf32>
      %swap3A_370 = arith.constant 20 : i32
      %swap3A_371 = arith.index_cast %swap3A_370 : i32 to index
      %swap3A_372 = arith.index_cast %mul3A_51 : i32 to index
      %swap3A_373 = tpu.vector_load %arg13[%swap3A_371, %swap3A_372] {strides = array<i32>} : memref<24x512xf32, #tpu.memory_space<vmem>>, vector<16xf32>,
      tpu.vector_store %arg13[%swap3A_371, %swap3A_372], %neg3A_369 {strides = array<i32>} : memref<24x512xf32, #tpu.memory_space<vmem>>, vector<16xf32>,
    }
    %scan3A_48 = arith.constant 32 : i32
    "tpu.region"() ({
      %run_scoped3A = tpu.sem_alloc : memref<!tpu.dma_semaphore, #tpu.memory_space<semaphore_mem>>
      %dma_start3A_49 = arith.constant 0 : i32
      %dma_start3A_50 = arith.constant 0 : i32
      %dma_start3A_51 = tpu.memref_slice %arg6[%add3A, %dma_start3A_49, %dma_start3A_50] : memref<32x24x512xf32, #tpu.memory_space<hbm>> -> memref<1x24x512xf32, #tpu.memory_space<hbm>>
      %dma_start3A_52 = tpu.memref_squeeze %dma_start3A_51 : memref<1x24x512xf32, #tpu.memory_space<hbm>> -> memref<24x512xf32, #tpu.memory_space<hbm>>
      %dma_start3A_53 = arith.constant 0 : i32
      %dma_start3A_54 = arith.constant 0 : i32
      %dma_start3A_55 = tpu.memref_slice %arg6[%add3A, %dma_start3A_53, %dma_start3A_54] : memref<32x24x512xf32, #tpu.memory_space<hbm>> -> memref<1x24x512xf32, #tpu.memory_space<hbm>>
      %dma_start3A_56 = tpu.memref_squeeze %dma_start3A_55 : memref<1x24x512xf32, #tpu.memory_space<hbm>> -> memref<24x512xf32, #tpu.memory_space<hbm>>
      tpu.enqueue_dma source(%arg13 : memref<24x512xf32, #tpu.memory_space<vmem>>) target(%dma_start3A_56 : memref<24x512xf32, #tpu.memory_space<hbm>>) target_semaphore(%run_scoped3A : memref<!tpu.dma_semaphore, #tpu.memory_space<semaphore_mem>>)
      %dma_wait3A_57 = arith.constant 0 : i32
      %dma_wait3A_58 = arith.constant 0 : i32
      %dma_wait3A_59 = tpu.memref_slice %arg6[%add3A, %dma_wait3A_57, %dma_wait3A_58] : memref<32x24x512xf32, #tpu.memory_space<hbm>> -> memref<1x24x512xf32, #tpu.memory_space<hbm>>
      %dma_wait3A_60 = tpu.memref_squeeze %dma_wait3A_59 : memref<1x24x512xf32, #tpu.memory_space<hbm>> -> memref<24x512xf32, #tpu.memory_space<hbm>>
      %dma_wait3A_61 = arith.constant 0 : i32
      %dma_wait3A_62 = arith.constant 0 : i32
      %dma_wait3A_63 = tpu.memref_slice %arg6[%add3A, %dma_wait3A_61, %dma_wait3A_62] : memref<32x24x512xf32, #tpu.memory_space<hbm>> -> memref<1x24x512xf32, #tpu.memory_space<hbm>>
      %dma_wait3A_64 = tpu.memref_squeeze %dma_wait3A_63 : memref<1x24x512xf32, #tpu.memory_space<hbm>> -> memref<24x512xf32, #tpu.memory_space<hbm>>
      tpu.wait_dma2 semaphore(%run_scoped3A : memref<!tpu.dma_semaphore, #tpu.memory_space<semaphore_mem>>) src(%arg13 : memref<24x512xf32, #tpu.memory_space<vmem>>) dst(%dma_wait3A_64 : memref<24x512xf32, #tpu.memory_space<hbm>>)
      tpu.yield
    }) : () -> ()
    return
  }
}

module attributes {stable_mosaic.version = 14 : i64} {
  func.func @tc_body(%arg0: memref<32x24x512xf32, #tpu.memory_space<vmem>>, %arg1: memref<1x1xf32, #tpu.memory_space<smem>>) attributes {dimension_semantics = [], scalar_prefetch = 0 : i64, scratch_operands = 0 : i64, tpu.core_type = #tpu.core_type<tc>} {
    %get3A = arith.constant 0 : index
    %get3A_0 = arith.constant 0 : index
    %get3A_1 = arith.constant 0 : index
    %get3A_2 = vector.load %arg0[%get3A, %get3A_0, %get3A_1] : memref<32x24x512xf32, #tpu.memory_space<vmem>>, vector<32x24x512xf32>
    %iota3A = tpu.iota {dimensions = array<i32: 1>} : vector<32x24x512xi32>
    %lt3A = arith.constant 21 : i32
    %lt3A_3 = vector.broadcast %lt3A : i32 to vector<32x24x512xi32>
    %lt3A_4 = arith.cmpi slt, %iota3A, %lt3A_3 : vector<32x24x512xi32>
    %logistic3A = arith.negf %get3A_2 : vector<32x24x512xf32>
    %logistic3A_5 = math.exp %logistic3A : vector<32x24x512xf32>
    %logistic3A_6 = arith.constant 1.000000e+00 : f32
    %logistic3A_7 = vector.broadcast %logistic3A_6 : f32 to vector<32x24x512xf32>
    %logistic3A_8 = arith.addf %logistic3A_7, %logistic3A_5 : vector<32x24x512xf32>
    %logistic3A_9 = arith.divf %logistic3A_7, %logistic3A_8 : vector<32x24x512xf32>
    %log3A = math.log %logistic3A_9 : vector<32x24x512xf32>
    %jit3A = arith.constant 0.000000e+00 : f32
    %broadcast_in_dim3A = vector.broadcast %jit3A : f32 to vector<32x24x512xf32>
    %select_n3A = arith.select %lt3A_4, %log3A, %broadcast_in_dim3A : vector<32x24x512xi1>, vector<32x24x512xf32>
    %reduce_sum3A = vector.shape_cast %select_n3A : vector<32x24x512xf32> to vector<1x32x24x512xf32>
    %reduce_sum3A_10 = arith.constant dense<0.000000e+00> : vector<1xf32>
    %reduce_sum3A_11 = vector.multi_reduction <add>, %reduce_sum3A, %reduce_sum3A_10 [1, 2, 3] : vector<1x32x24x512xf32> to vector<1xf32>
    %reduce_sum3A_12 = vector.shape_cast %reduce_sum3A_11 : vector<1xf32> to vector<1x1x1x1xf32>
    %reduce_sum3A_13 = vector.extract %reduce_sum3A_12[0, 0, 0, 0] : f32 from vector<1x1x1x1xf32>
    %neg3A = arith.constant 0.000000e+00 : f32
    %neg3A_14 = arith.subf %neg3A, %reduce_sum3A_13 : f32
    %div3A = arith.constant 1.638400e+04 : f32
    %div3A_15 = arith.divf %neg3A_14, %div3A : f32
    %swap3A = arith.constant 0 : index
    %swap3A_16 = arith.constant 0 : index
    %swap3A_17 = memref.load %arg1[%swap3A, %swap3A_16] : memref<1x1xf32, #tpu.memory_space<smem>>
    memref.store %div3A_15, %arg1[%swap3A, %swap3A_16] : memref<1x1xf32, #tpu.memory_space<smem>>
    return
  }
}

</mosaic_0001>

<sc_bundles>
// kernel: kernel.4.cloned.1.call-start
scs
__scs_entry_jumppad:
0x0: {  	(pc) =	sbr.rel $0x88, $3  }
0x1: {  	(tag) =	ssettag $0x0;
	lr =	simm.s32 $0x1  }
0x2: {  	[smem:$0x3F9C] =	sst lr;
	_ =	strace $0xD0000000  }
0x3: {  	_ = 	snop  }
0x4: {  	_ = 	snop  }
0x5: {  	_ = 	snop  }
0x6: {  	_ = 	snop  }
0x7: {  	_ = 	snop  }
__scs_overlays_trampoline_lowered:
0x8: {  	[smem:$0x3FAB] =	sst s0  }
0x9: {  	[smem:$0x3FAC] =	sst s1  }
0xa: {  	[smem:$0x3FAD] =	sst s2  }
0xb: {  	[smem:$0x3FAE] =	sst s3  }
0xc: {  	[smem:$0x3FAF] =	sst s4  }
0xd: {  	[smem:$0x3FB0] =	sst s5  }
0xe: {  	[smem:$0x3FB1] =	sst s6  }
0xf: {  	[smem:$0x3FB2] =	sst s7  }
0x10: {  	[smem:$0x3FB3] =	sst s8  }
0x11: {  	[smem:$0x3FB4] =	sst s9;
	s0 =	simm.s32 @!p0 $0x0  }
0x12: {  	s1 =	sld [smem:$0x3F9A];
	s0 =	simm.s32 @p0 $0x1  }
0x13: {  	[smem:$0x3FB5] =	sst s0;
	s0 =	simm.s32 @!p1 $0x0  }
0x14: {  	s2 =	sld [smem:$0x3F99];
	s0 =	simm.s32 @p1 $0x1  }
0x15: {  	[smem:$0x3FB6] =	sst s0;
	s0 =	simm.s32 @!p2 $0x0  }
0x16: {  	s3 =	sld [smem:$0x3FDB];
	s0 =	simm.s32 @p2 $0x1  }
0x17: {  	s4 =	simm.s32 $0x1BF5;
	[smem:$0x3FB8] =	sst s0  }
0x18: {  	s0 =	sld [smem:$0x3F9B];
	_ =	swait.ge [sflag:s4], $0x0  }
0x19: {  	s7 =	sld [smem:$0x3F9C]  }
0x1a: {  	s8 =	sadd.s32 $0xFFFFE003, lr  }
0x1b: {  	s9 =	sadd.s32 $0xFFFFFEF7, lr;
	s5 =	simm.s32 $0xFFFFFFFF;
	p2 =	slt.u32 s8, $0xFFFFF086  }
0x1c: {  	p1 =	slt.u32 s9, $0xF7A;
	s5 =	simm.s32 @!p2 $0x0  }
0x1d: {  	s5 =	simm.s32 @p1 $0x1;
	p0 =	seq.s32 s7, s2  }
0x1e: {  	s7 =	smul.u32 @!p0 $0xF7A, s2;
	p2 =	seq.s32 @!p0 s5, $0x0  }
0x1f: {  	s9 =	smul.u32 $0xF7A, s1;
	s8 =	simm.s32 @!p0 $0x1BF5;
	p2 =	por !p2, p0  }
0x20: {  	[sflag:s8] =	ssyncset.s32 @!p0 $0xFFFFF086;
	s6 =	sadd.s32 @!p0 s3, s7;
	s7 =	simm.s32 @!p0 $0x108  }
0x21: {  	s3 =	sadd.s32 s3, s9;
	s6 =	sadd.s32 @!p0 $0x88, s6;
	s7 =	simm.s32 @p2 $0x1082  }
0x22: {  	[simem:s7], [sflag:s8] =	dma.local @!p0 [hbm:s6], $0xF7A  }
0x23: {  	s9 =	sor.u32 $0xD0000000, s2;
	s6 =	simm.s32 $0x108;
	_ =	swait.ge @!p0 [sflag:s8], $0x0  }
0x24: {  	s3 =	sadd.s32 $0x88, s3;
	s6 =	simm.s32 @!p1 $0x1082;
	[sflag:s4] =	ssyncset.s32 $0xFFFFF086  }
0x25: {  	[simem:s6], [sflag:s4] =	dma.local [hbm:s3], $0xF7A  }
0x26: {  	[smem:$0x3F9C] =	sst s1;
	(tag) =	ssettag s2;
	_ =	strace s9  }
0x27: {  	s1 =	sld [smem:$0x3FAC]  }
0x28: {  	s2 =	sld [smem:$0x3FAD]  }
0x29: {  	s4 =	sld [smem:$0x3FAF]  }
0x2a: {  	p0 =	seq.s32 s5, $0x0;
	s5 =	sld [smem:$0x3FB0]  }
0x2b: {  	s6 =	sld [smem:$0x3FB1]  }
0x2c: {  	s7 =	sld [smem:$0x3FB2]  }
0x2d: {  	s3 =	simm.s32 $0x108;
	s8 =	sld [smem:$0x3FB3]  }
0x2e: {  	s3 =	simm.s32 @!p0 $0x1082;
	s9 =	sld [smem:$0x3FB4]  }
0x2f: {  	lr =	sadd.s32 s0, s3;
	s0 =	sld [smem:$0x3FAB]  }
0x30: {  	s3 =	sld [smem:$0x3FAE]  }
0x31: {  	[smem:$0x3FB7] =	sst s10  }
0x32: {  	s10 =	sld [smem:$0x3FB5];
	_ =	sdelay $0x3  }
0x33: {  	p0 =	seq.s32 s10, $0x1;
	s10 =	sld [smem:$0x3FB7];
	_ =	sdelay $0x3  }
0x34: {  	[smem:$0x3FB7] =	sst s10  }
0x35: {  	s10 =	sld [smem:$0x3FB6];
	_ =	sdelay $0x3  }
0x36: {  	p1 =	seq.s32 s10, $0x1;
	s10 =	sld [smem:$0x3FB7];
	_ =	sdelay $0x3  }
0x37: {  	[smem:$0x3FB7] =	sst s10  }
0x38: {  	s10 =	sld [smem:$0x3FB8]  }
0x39: {  	_ = 	snop;
	(pc) =	sbr.ind lr, $3  }
0x3a: {  	_ = 	snop  }
0x3b: {  	_ = 	snop  }
0x3c: {  	p2 =	seq.s32 s10, $0x1;
	s10 =	sld [smem:$0x3FB7]  }
0x3d: {  	_ =	shalt  }
0x3e: {  	_ =	shalt  }
0x3f: {  	_ =	shalt  }
0x40: {  	_ =	shalt  }
0x41: {  	_ =	shalt  }
0x42: {  	_ =	shalt  }
0x43: {  	_ =	shalt  }
0x44: {  	_ =	shalt  }
0x45: {  	_ =	shalt  }
0x46: {  	_ =	shalt  }
0x47: {  	_ =	shalt  }
0x48: {  	_ =	shalt  }
0x49: {  	_ =	shalt  }
0x4a: {  	_ =	shalt  }
0x4b: {  	_ =	shalt  }
0x4c: {  	_ =	shalt  }
0x4d: {  	_ =	shalt  }
0x4e: {  	_ =	shalt  }
0x4f: {  	_ =	shalt  }
0x50: {  	_ =	shalt  }
0x51: {  	_ =	shalt  }
0x52: {  	_ =	shalt  }
0x53: {  	_ =	shalt  }
0x54: {  	_ =	shalt  }
0x55: {  	_ =	shalt  }
0x56: {  	_ =	shalt  }
0x57: {  	_ =	shalt  }
0x58: {  	_ =	shalt  }
0x59: {  	_ =	shalt  }
0x5a: {  	_ =	shalt  }
0x5b: {  	_ =	shalt  }
0x5c: {  	_ =	shalt  }
0x5d: {  	_ =	shalt  }
0x5e: {  	_ =	shalt  }
0x5f: {  	_ =	shalt  }
0x60: {  	_ =	shalt  }
0x61: {  	_ =	shalt  }
0x62: {  	_ =	shalt  }
0x63: {  	_ =	shalt  }
0x64: {  	_ =	shalt  }
0x65: {  	_ =	shalt  }
0x66: {  	_ =	shalt  }
0x67: {  	_ =	shalt  }
0x68: {  	_ =	shalt  }
0x69: {  	_ =	shalt  }
0x6a: {  	_ =	shalt  }
0x6b: {  	_ =	shalt  }
0x6c: {  	_ =	shalt  }
0x6d: {  	_ =	shalt  }
0x6e: {  	_ =	shalt  }
0x6f: {  	_ =	shalt  }
0x70: {  	_ =	shalt  }
0x71: {  	_ =	shalt  }
0x72: {  	_ =	shalt  }
0x73: {  	_ =	shalt  }
0x74: {  	_ =	shalt  }
0x75: {  	_ =	shalt  }
0x76: {  	_ =	shalt  }
0x77: {  	_ =	shalt  }
0x78: {  	_ =	shalt  }
0x79: {  	_ =	shalt  }
0x7a: {  	_ =	shalt  }
0x7b: {  	_ =	shalt  }
0x7c: {  	_ =	shalt  }
0x7d: {  	_ =	shalt  }
0x7e: {  	_ =	shalt  }
0x7f: {  	_ =	shalt  }
0x80: {  	_ =	shalt  }
0x81: {  	_ =	shalt  }
0x82: {  	_ =	shalt  }
0x83: {  	_ =	shalt  }
0x84: {  	_ =	shalt  }
0x85: {  	_ =	shalt  }
0x86: {  	_ =	shalt  }
0x87: {  	_ =	shalt  }
.Lfunc_end0:
.L_simem_size_0:
called_computation_lowered:
.L_overlay_start_0:
0x88: {  	s2 =	sld [smem:$0x3FD9]  }
0x89: {  	s3 =	sld [smem:$0x3FFE];
	_ =	sdelay $0x1  }
0x8a: {  	s1 =	srdreg.scid  }
0x8b: {  	s0 =	sand.u32 $0x1, s1  }
0x8c: {  	s17 =	sshll.u32 s0, $0xA;
	s2 =	sadd.s32 s3, s2  }
0x8d: {  	s2 =	sadd.s32 s2, s17  }
0x8e: {  	[smem:$0x3FC3] =	sst s2  }
0x8f: {  	_ = 	snop  }
0x90: {  	s2 =	sld [smem:$0x3FC7]  }
0x91: {  	s18 =	sld [smem:$0x3FC6];
	(tm) =	ssettm $0x1  }
0x92: {  	s4 =	sld [smem:$0x3FFB];
	_ =	sdelay $0x3  }
0x93: {  	_ =	strace s4  }
0x94: {  	s4 =	sld [smem:$0x3FFC];
	_ =	sdelay $0x3  }
0x95: {  	_ =	strace s4  }
0x96: {  	s4 =	sld [smem:$0x3FFD];
	_ =	sdelay $0x3  }
0x97: {  	_ =	strace s4  }
0x98: {  	_ =	strace $0x8FFFFFFF  }
0x99: {  	s19 =	sld [smem:$0x3FDB];
	_ =	sdelay $0x1  }
0x9a: {  	s5 =	simm.s32 $_scs_section_size  }
0x9b: {  	s6 =	simm.s32 $_size__tile_overlayer_lowered;
	s7 =	simm.s32 $_tile_overlayer_lowered  }
0x9c: {  	s22 =	simm.s32 $0x1BFF;
	s21 =	sshll.u32 s7, $0x1;
	s4 =	sadd.s32 s5, s19  }
0x9d: {  	s8 =	simm.s32 $0x0;
	s20 =	sshll.u32 s6, $0x1;
	s6 =	sadd.s32 s21, s4  }
0x9e: {  	[timem:s8], [sflag:s22] =	dma.local [hbm:s6], s20  }
0x9f: {  	_ =	swait.ge [sflag:s22], s20  }
0xa0: {  	s5 =	ssub.s32 $0x0, s20;
	[sflag:s22] =	ssyncset.done $0x0  }
0xa1: {  	[sflag:s22] =	ssyncadd.s32 s5;
	_ =	sdelay $0x1  }
0xa2: {  	s23 =	simm.s32 $0x1B8B  }
0xa3: {  	_ =	swait.ge [sflag:s23], $0x1  }
0xa4: {  	[sflag:s23] =	ssyncset.done $0x0  }
0xa5: {  	s25 =	simm.s32 $0x1B8E;
	s24 =	sld [smem:$0x3FFE];
	[sflag:s23] =	ssyncadd.s32 $0xFFFFFFFF  }
0xa6: {  	s26 =	simm.s32 $execute0_lowered;
	[smem:$0x3FD2] =	sst s25  }
0xa7: {  	s6 =	sshll.u32 s26, $0x1;
	_ =	strace $0x80000046;
	[dreg:$0x1] =	wrdreg $0xFFFFFFFF  }
0xa8: {  	s28 =	simm.s32 $_size_execute0_lowered;
	s4 =	sadd.s32 s4, s6;
	[dreg:$0x0] =	wrdreg $0x0  }
0xa9: {  	s6 =	sshll.u32 s28, $0x1;
	[dreg:$0x2] =	wrdreg s4  }
0xaa: {  	[dreg:$0x3] =	wrdreg s6  }
0xab: {  	[dreg:$0x4] =	wrdreg $0xC0  }
0xac: {  	_ =	task [dreg:s8], $0x5FFFF  }
0xad: {  	[dreg:$0x1] =	wrdreg $0xFFFFFFFF  }
0xae: {  	[dreg:$0x0] =	wrdreg $0x60  }
0xaf: {  	[dreg:$0x2] =	wrdreg s24  }
0xb0: {  	[dreg:$0x3] =	wrdreg s2  }
0xb1: {  	[dreg:$0x4] =	wrdreg s18  }
0xb2: {  	[dreg:$0x5] =	wrdreg $0x9  }
0xb3: {  	_ =	task.clear_ibuf [dreg:s8], $0x6FFFF;
	_ =	strace $0x90000046  }
0xb4: {  	s29 =	simm.s32 $0x9;
	_ =	strace $0x80000048  }
0xb5: {  	_ =	swait.ge [sflag:s29], $0x1  }
0xb6: {  	[sflag:s29] =	ssyncadd.s32 $0xFFFFFFFF  }
0xb7: {  	_ =	strace $0x90000048  }
0xb8: {  	_ =	sfence  }
0xb9: {  	s30 =	sld [smem:$0x0];
	_ =	sdelay $0x2  }
0xba: {  	s31 =	sshll.u32 s1, $0xD;
	s1 =	sshrl.u32 s1, $0x2  }
0xbb: {  	s3 =	sand.u32 $0x4000, s31;
	s1 =	sadd.s32 s1, s30  }
0xbc: {  	s0 =	sor.u32 s3, s0;
	s1 =	sshll.u32 s1, $0x11  }
0xbd: {  	s0 =	sor.u32 s1, s0  }
0xbe: {  	s0 =	sadd.s32 $0x8F2B, s0  }
0xbf: {  	[sflag:s0] =	ssyncadd.remote.s32 $0x1  }
0xc0: {  	_ =	sfence.sel $0xFFFF  }
0xc1: {  	[dreg:$0x0] =	wrdreg $0xFFFFFFFF;
	(pc) =	sbr.abs _section_cstart, $3  }
0xc2: {  	[dreg:$0x1] =	wrdreg $0xFFFFFFFF  }
0xc3: {  	_ =	task.clear_ibuf [dreg:s8], $0x2FFFF;
	_ =	strace $0x9FFFFFFF  }
0xc4: {  	(tm) =	ssettm $0x7FFFFFFF  }
0xc5: {  	_ =	shalt  }
tec
execute0_lowered:
.L_overlay_start_1:
0x0: {  	(tag) =	ssettag $0x1  }
0x1: {  	s4 =	rddreg [dreg:$0x0];
	v1 =	vlaneseq.u32  }
0x2: {  	s5 =	rddreg [dreg:$0x1];
	s2 =	simm.s32 $0x0;
	v0 =	vmul.u32 $0xA00, v1;
	v1 =	vmul.u32 $0x80, v1  }
0x3: {  	[smem:$0x7FF] =	sst s2  }
0x4: {  	s6 =	rddreg [dreg:$0x2];
	_ =	strace $0x80000047;
	[tilespmem:$0x1FF20] =	vst v1  }
0x5: {  	v53 =	vor.u32 $0x80, v0;
	[tilespmem:$0x1FFE0] =	vst v0  }
0x6: {  	v54 =	vor.u32 $0x100, v0;
	[tilespmem:$0x1FF30] =	vst v53  }
0x7: {  	s1 =	srdreg.scid;
	v55 =	vor.u32 $0x180, v0;
	[tilespmem:$0x1FF40] =	vst v54  }
0x8: {  	s0 =	stileid.u32;
	s12 =	simm.s32 $0x10;
	s13 =	simm.s32 $0x2C00;
	v56 =	vadd.s32 $0x200, v0;
	[tilespmem:$0x1FF50] =	vst v55  }
0x9: {  	s14 =	simm.s32 $0x3C00;
	s15 =	simm.s32 $0x140;
	s16 =	simm.s32 $0x4C00;
	v57 =	vadd.s32 $0x280, v0;
	[tilespmem:$0x1FF60] =	vst v56  }
0xa: {  	s17 =	simm.s32 $0x1;
	s7 =	sand.u32 $0x1, s1;
	s3 =	sshll.u32 s0, $0x1;
	v58 =	vadd.s32 $0x300, v0;
	[tilespmem:$0x1FF70] =	vst v57  }
0xb: {  	s18 =	simm.s32 $0x18C00;
	s19 =	simm.s32 $0x3;
	s8 =	sor.u32 s7, s3;
	v59 =	vadd.s32 $0x380, v0;
	[tilespmem:$0x1FF80] =	vst v58  }
0xc: {  	s20 =	simm.s32 $0x0;
	s7 =	ssub.s32 $0x2, s7;
	s9 =	smul.u32 $0x500, s8;
	v60 =	vadd.s32 $0x400, v0;
	[tilespmem:$0x1FF90] =	vst v59  }
0xd: {  	s3 =	sadd.s32 $0x1E8F000, s4;
	s10 =	smul.u32 $0x600, s8;
	s31 =	sshrl.u32 s7, $0x1;
	v61 =	vadd.s32 $0x480, v0;
	[tilespmem:$0x1FFA0] =	vst v60  }
0xe: {  	s8 =	sshll.u32 s8, $0x6;
	v62 =	vadd.s32 $0x500, v0;
	s11 =	ssub.s32 s7, s31;
	[tilespmem:$0x1FFB0] =	vst v61;
	s9 =	sadd.s32 s9, s4  }
0xf: {  	v63 =	vadd.s32 $0x580, v0;
	[tilespmem:$0x1FFC0] =	vst v62;
	s10 =	sadd.s32 s10, s4;
	s4 =	sadd.s32 s5, s8;
	s5 =	sadd.s32 s6, s8  }
0x10: {  	v0 =	vadd.s32 $0x600, v0;
	[tilespmem:$0x1FFD0] =	vst v63;
	s8 =	smax.u32 s11, $0x1;
	s11 =	simm.s32 $0x2;
	s6 =	sadd.s32 $0x1E85000, s9  }
0x11: {  	[tilespmem:$0x1FFF0] =	vst v0;
	s7 =	sadd.s32 $0x800, s10;
	s9 =	simm.s32 $0x200;
	s10 =	simm.s32 $0x400  }
.LBB2_1:
0x12: {  	[tilespmem:s2], [sflag:$0x2] =	stream.linear.gather [hbm4b:s4+s2], $0x200, $0x38;
	[tilespmem:$0x1BC00] =	vst v63  }
0x13: {  	_ = 	snop  }
0x14: {  	[tilespmem:s9], [sflag:$0x2] =	stream.linear.gather [hbm4b:s5+s2], $0x200, $0x38;
	[tilespmem:$0x1BC00] =	vst v63  }
0x15: {  	_ = 	snop  }
0x16: {  	[tilespmem:s10], [sflag:$0x2] =	stream.linear.gather [hbm4b:s6+s2], $0x2800, $0x38;
	[tilespmem:$0x1BC00] =	vst v63  }
0x17: {  	_ =	swait.ge [sflag:s11], $0x200  }
0x18: {  	[sflag:s11] =	ssyncset.done $0x0  }
0x19: {  	[sflag:s11] =	ssyncadd.s32 $0xFFFFFE00  }
0x1a: {  	_ =	swait.ge [sflag:s11], $0x200  }
0x1b: {  	[sflag:s11] =	ssyncset.done $0x0  }
0x1c: {  	[sflag:s11] =	ssyncadd.s32 $0xFFFFFE00  }
0x1d: {  	_ =	swait.ge [sflag:s11], $0x2800  }
0x1e: {  	[sflag:s11] =	ssyncset.done $0x0  }
0x1f: {  	[sflag:s11] =	ssyncadd.s32 $0xFFFFD800  }
0x20: {  	[tilespmem:s13], [sflag:$0x1] =	stream.indirect.gather [hbm4b:s3+s12], $0x80, s2, s12, $0xb8;
	[tilespmem:$0x1BC00] =	vst v63  }
0x21: {  	_ = 	snop  }
0x22: {  	[tilespmem:s14], [sflag:$0x1] =	stream.indirect.gather [hbm4b:s3+s12], $0x80, s9, s12, $0xb8;
	[tilespmem:$0x1BC00] =	vst v63  }
0x23: {  	s22 =	simm.s32 $0x0  }
0x24: {  	[tilespmem:s16], [sflag:$0x1] =	stream.indirect.gather [hbm4b:s3+s15], $0x80, s10, s15, $0xb8;
	[tilespmem:$0x1BC00] =	vst v63  }
.LBB2_2:
0x25: {  	_ =	swait.ge [sflag:s17], $0x800  }
0x26: {  	[sflag:s17] =	ssyncset.done $0x0  }
0x27: {  	[sflag:s17] =	ssyncadd.s32 $0xFFFFF800  }
0x28: {  	_ =	swait.ge [sflag:s17], $0x800  }
0x29: {  	[sflag:s17] =	ssyncset.done $0x0  }
0x2a: {  	[sflag:s17] =	ssyncadd.s32 $0xFFFFF800  }
0x2b: {  	_ =	swait.ge [sflag:s17], $0xA000  }
0x2c: {  	v0 =	vld [tilespmem:$0x1FF20];
	_ =	sdelay $0x1  }
0x2d: {  	s30 =	sand.u32 $0x1, s22  }
0x2e: {  	v1 =	vmov s30  }
0x2f: {  	v2 =	vmul.u32 $0xA000, v1;
	v1 =	vshll.u32 v1, $0xB  }
0x30: {  	v43 =	vor.u32 v0, v1;
	v0 =	vld [tilespmem:$0x1FFE0];
	_ =	sdelay $0x4  }
0x31: {  	v0 =	vadd.s32 v0, v2  }
0x32: {  	[tilespmem:$0x1FEB0] =	vst v0;
	v0 =	vld [tilespmem:$0x1FF30];
	_ =	sdelay $0x4  }
0x33: {  	v0 =	vadd.s32 v0, v2  }
0x34: {  	[tilespmem:$0x1FEC0] =	vst v0;
	v0 =	vld [tilespmem:$0x1FF40];
	_ =	sdelay $0x4  }
0x35: {  	v0 =	vadd.s32 v0, v2  }
0x36: {  	[tilespmem:$0x1FED0] =	vst v0;
	v0 =	vld [tilespmem:$0x1FF50];
	_ =	sdelay $0x4  }
0x37: {  	s21 =	sadd.s32 $0x1, s22;
	p0 =	seq.s32 s22, $0x1F;
	v0 =	vadd.s32 v0, v2  }
0x38: {  	s23 =	sand.u32 @!p0 $0x1, s21;
	s25 =	sshll.u32 @!p0 s21, $0x4;
	[tilespmem:$0x1FEE0] =	vst v0;
	v0 =	vld [tilespmem:$0x1FF60]  }
0x39: {  	s28 =	simm.s32 @!p0 $0x10;
	s24 =	sshll.u32 @!p0 s23, $0xB;
	[sflag:s17] =	ssyncset.done $0x0  }
0x3a: {  	s29 =	smul.u32 @!p0 $0x500, s21;
	s26 =	sadd.s32 @!p0 $0x2C00, s24;
	[sflag:s17] =	ssyncadd.s32 $0xFFFF6000  }
0x3b: {  	[tilespmem:s26], [sflag:$0x1] =	stream.indirect.gather @!p0 [hbm4b:s3+s28], $0x80, s25, s28, $0xb8;
	[tilespmem:$0x1BC00] =	vst v63  }
0x3c: {  	s23 =	smul.u32 @!p0 $0x28000, s23;
	s24 =	sadd.s32 @!p0 $0x3C00, s24;
	s25 =	sadd.s32 @!p0 $0x200, s25  }
0x3d: {  	[tilespmem:s24], [sflag:$0x1] =	stream.indirect.gather @!p0 [hbm4b:s3+s28], $0x80, s25, s28, $0xb8;
	v0 =	vadd.s32 v0, v2;
	[tilespmem:$0x1BC00] =	vst v63  }
0x3e: {  	[tilespmem:$0x1FEF0] =	vst v0;
	v0 =	vld [tilespmem:$0x1FF70]  }
0x3f: {  	s30 =	simm.s32 $0x4;
	s23 =	sshrl.u32 @!p0 s23, $0x2;
	s24 =	sshra.s32 @!p0 s29, $0x2;
	v16 =	vld [tilespmem:$0x1FEB0]  }
0x40: {  	v12 =	vmov s30;
	s23 =	sadd.s32 @!p0 $0x4C00, s23;
	s25 =	simm.s32 @!p0 $0x140;
	s24 =	sadd.s32 @!p0 $0x400, s24  }
0x41: {  	v12 =	vor.u32 $0x40, v12;
	[tilespmem:s23], [sflag:$0x1] =	stream.indirect.gather @!p0 [hbm4b:s3+s25], $0x80, s24, s25, $0xb8;
	[tilespmem:$0x1BC00] =	vst v63  }
0x42: {  	s25 =	simm.s32 $0x1;
	v22 =	vor.u32 v43, v12  }
0x43: {  	[tilespmem:$0x1FF00] =	vst v2;
	s28 =	simm.s32 $0x3;
	v0 =	vadd.s32 v0, v2;
	v2 =	vmov s25  }
0x44: {  	v8 =	vmov s28;
	v25 =	vor.u32 v16, v12;
	[tilespmem:$0x1FF10] =	vst v0;
	v6 =	vor.u32 $0x40, v2  }
0x45: {  	v8 =	vor.u32 $0x40, v8;
	v3 =	vor.u32 v43, v6;
	v14 =	vld [tilespmem:$0x1FF10]  }
0x46: {  	v15 =	vor.u32 v43, v8  }
0x47: {  	s26 =	simm.s32 $0x2;
	v30 =	vld.idx.msk [tilespmem:v22+s14+$0x0], $0xffff  }
0x48: {  	v45 =	vor.u32 v16, v8;
	v19 =	vld [tilespmem:$0x1FEF0];
	v2 =	vmov s26  }
0x49: {  	s1 =	simm.s32 $0x0;
	v22 =	vld.idx.msk [tilespmem:v25+s16+$0x0], $0xffff;
	v2 =	vor.u32 $0x40, v2  }
0x4a: {  	v25 =	vmov s1;
	v10 =	vld.idx.msk [tilespmem:v3+s14+$0x0], $0xffff;
	v3 =	vor.u32 v14, v2  }
0x4b: {  	v56 =	vld.idx.msk [tilespmem:v15+s14+$0x0], $0xffff;
	v25 =	vor.u32 $0x40, v25  }
0x4c: {  	v17 =	vld [tilespmem:$0x1FEC0];
	v29 =	vor.u32 v43, v25  }
0x4d: {  	v45 =	vld.idx.msk [tilespmem:v45+s16+$0x0], $0xffff;
	v13 =	vor.u32 v19, v8  }
0x4e: {  	v18 =	vld [tilespmem:$0x1FEE0];
	v28 =	vor.u32 v19, v12  }
0x4f: {  	v49 =	vor.u32 v19, v25;
	v24 =	vld.idx.msk [tilespmem:v3+s16+$0x0], $0xffff  }
0x50: {  	v4 =	vor.u32 v16, v6;
	v3 =	vld [tilespmem:$0x1FED0]  }
0x51: {  	v42 =	vld.idx.msk [tilespmem:v29+s14+$0x0], $0xffff;
	v5 =	vor.u32 v43, v2  }
0x52: {  	v7 =	vor.u32 v17, v2;
	v54 =	vld.idx.msk [tilespmem:v13+s16+$0x0], $0xffff  }
0x53: {  	v9 =	vor.u32 v16, v2;
	v28 =	vld.idx.msk [tilespmem:v28+s16+$0x0], $0xffff  }
0x54: {  	v13 =	vor.u32 v18, v12;
	v59 =	vld.idx.msk [tilespmem:v49+s16+$0x0], $0xffff  }
0x55: {  	v11 =	vld.idx.msk [tilespmem:v4+s16+$0x0], $0xffff;
	v26 =	vor.u32 v3, v12  }
0x56: {  	v27 =	vor.u32 v14, v12;
	v23 =	vld.idx.msk [tilespmem:v5+s14+$0x0], $0xffff  }
0x57: {  	v5 =	vld.idx.msk [tilespmem:v7+s16+$0x0], $0xffff;
	v7 =	vor.u32 s30, v43  }
0x58: {  	v36 =	vor.u32 v14, v6;
	v9 =	vld.idx.msk [tilespmem:v9+s16+$0x0], $0xffff  }
0x59: {  	v13 =	vld.idx.msk [tilespmem:v13+s16+$0x0], $0xffff;
	v12 =	vor.u32 v17, v12  }
0x5a: {  	s29 =	simm.s32 $0x5;
	v1 =	vimm.f32 $0.0e+00;
	v37 =	vor.u32 s26, v43;
	v31 =	vld.idx.msk [tilespmem:v26+s16+$0x0], $0xffff;
	v26 =	vor.u32 s1, v43  }
0x5b: {  	v41 =	vor.u32 s29, v43;
	v47 =	vor.u32 s28, v43;
	v32 =	vld.idx.msk [tilespmem:v27+s16+$0x0], $0xffff;
	v27 =	vor.u32 v16, v25  }
0x5c: {  	v33 =	vor.u32 s25, v43;
	v40 =	vor.u32 v17, v25;
	v55 =	vor.u32 v18, v8;
	v7 =	vld.idx.msk [tilespmem:v7+s13+$0x0], $0xffff  }
0x5d: {  	v34 =	vor.u32 v17, v6;
	v48 =	vor.u32 v18, v6;
	v38 =	vor.u32 v14, v25;
	v36 =	vld.idx.msk [tilespmem:v36+s16+$0x0], $0xffff  }
0x5e: {  	v4 =	vor.u32 v17, v8;
	v51 =	vor.u32 v14, v8;
	v39 =	vor.u32 v3, v2;
	v12 =	vld.idx.msk [tilespmem:v12+s16+$0x0], $0xffff  }
0x5f: {  	v46 =	vor.u32 v3, v6;
	v52 =	vor.u32 v3, v8;
	v53 =	vor.u32 v3, v25;
	v44 =	vld.idx.msk [tilespmem:v26+s13+$0x0], $0xffff  }
0x60: {  	v50 =	vld.idx.msk [tilespmem:v27+s16+$0x0], $0xffff;
	v27 =	vmov s29;
	v25 =	vor.u32 v18, v25;
	v6 =	vor.u32 v19, v6  }
0x61: {  	v22 =	vmul.f32 v22, v7;
	v0 =	vmul.f32 v13, v7;
	v13 =	vor.u32 $0x40, v27;
	v26 =	vld.idx.msk [tilespmem:v33+s13+$0x0], $0xffff  }
0x62: {  	v8 =	vld.idx.msk [tilespmem:v38+s16+$0x0], $0xffff;
	v58 =	vmul.f32 v28, v7;
	v38 =	vmul.f32 v32, v7;
	v49 =	vor.u32 v43, v13;
	s1 =	simm.s32 $0x6  }
0x63: {  	[tilespmem:$0x1FE30] =	vst v0;
	v0 =	vor.u32 v19, v13;
	v35 =	vmov s1;
	v33 =	vld.idx.msk [tilespmem:v37+s13+$0x0], $0xffff;
	v63 =	vmul.f32 v31, v7  }
0x64: {  	v28 =	vld.idx.msk [tilespmem:v40+s16+$0x0], $0xffff;
	v61 =	vor.u32 s1, v43;
	v40 =	vmul.f32 v12, v7;
	v31 =	vmul.f32 v42, v44  }
0x65: {  	v6 =	vld.idx.msk [tilespmem:v6+s16+$0x0], $0xffff;
	v20 =	vor.u32 $0x40, v35;
	v60 =	vmul.f32 v50, v44;
	v42 =	vmul.f32 v30, v7  }
0x66: {  	v35 =	vor.u32 v18, v2;
	v30 =	vld.idx.msk [tilespmem:v53+s16+$0x0], $0xffff;
	v10 =	vmul.f32 v10, v26;
	v11 =	vmul.f32 v11, v26  }
0x67: {  	v7 =	vld.idx.msk [tilespmem:v25+s16+$0x0], $0xffff;
	v25 =	vor.u32 v17, v13;
	v31 =	vadd.f32 v31, v1;
	v12 =	vadd.f32 v60, v1  }
0x68: {  	v62 =	vld.idx.msk [tilespmem:v34+s16+$0x0], $0xffff;
	v21 =	vor.u32 v14, v20;
	v27 =	vor.u32 v18, v20;
	v23 =	vmul.f32 v23, v33  }
0x69: {  	v8 =	vmul.f32 v8, v44;
	v10 =	vadd.f32 v10, v31;
	v11 =	vadd.f32 v11, v12;
	v12 =	vld.idx.msk [tilespmem:v46+s16+$0x0], $0xffff  }
0x6a: {  	v37 =	vor.u32 v16, v13;
	v36 =	vmul.f32 v36, v26;
	v9 =	vmul.f32 v9, v33;
	v46 =	vld.idx.msk [tilespmem:v47+s13+$0x0], $0xffff  }
0x6b: {  	v24 =	vmul.f32 v24, v33;
	v6 =	vmul.f32 v6, v26;
	v10 =	vadd.f32 v23, v10;
	v23 =	vld.idx.msk [tilespmem:v41+s13+$0x0], $0xffff  }
0x6c: {  	v50 =	vor.u32 v18, v13;
	v31 =	vmul.f32 v28, v44;
	v28 =	vmul.f32 v30, v44;
	v41 =	vld.idx.msk [tilespmem:v25+s16+$0x0], $0xffff  }
0x6d: {  	v8 =	vadd.f32 v8, v1;
	v60 =	vor.u32 v17, v20;
	v25 =	vld.idx.msk [tilespmem:v61+s13+$0x0], $0xffff;
	v61 =	vor.u32 v19, v2  }
0x6e: {  	v30 =	vmul.f32 v59, v44;
	v57 =	vadd.f32 v28, v1;
	v12 =	vmul.f32 v12, v26  }
0x6f: {  	v4 =	vld.idx.msk [tilespmem:v4+s16+$0x0], $0xffff;
	v59 =	vadd.f32 v36, v8;
	v8 =	vadd.f32 v9, v11;
	v9 =	vmul.f32 v45, v46  }
0x70: {  	s30 =	simm.s32 $0x7;
	v39 =	vld.idx.msk [tilespmem:v39+s16+$0x0], $0xffff;
	v31 =	vadd.f32 v31, v1;
	v34 =	vmul.f32 v56, v46;
	v11 =	vadd.f32 v12, v57  }
0x71: {  	v12 =	vmul.f32 v62, v26;
	v62 =	vld.idx.msk [tilespmem:v48+s16+$0x0], $0xffff;
	v8 =	vadd.f32 v9, v8;
	v9 =	vor.u32 s30, v43  }
0x72: {  	v7 =	vmul.f32 v7, v44;
	v36 =	vor.u32 v43, v20;
	v2 =	vmul.f32 v5, v33;
	v45 =	vld.idx.msk [tilespmem:v61+s16+$0x0], $0xffff  }
0x73: {  	v48 =	vor.u32 v14, v13;
	v31 =	vadd.f32 v12, v31;
	v12 =	vadd.f32 v34, v10;
	v10 =	vld.idx.msk [tilespmem:v51+s16+$0x0], $0xffff  }
0x74: {  	v28 =	vor.u32 v19, v20;
	v51 =	vadd.f32 v30, v1;
	v1 =	vadd.f32 v7, v1;
	v7 =	vld.idx.msk [tilespmem:v60+s16+$0x0], $0xffff  }
0x75: {  	v44 =	vadd.f32 v24, v59;
	v59 =	vor.u32 v3, v13;
	v57 =	vor.u32 v16, v20;
	v60 =	vld.idx.msk [tilespmem:v52+s16+$0x0], $0xffff  }
0x76: {  	v30 =	vor.u32 v3, v20;
	v53 =	vadd.f32 v2, v31;
	v2 =	vmov s30;
	v24 =	vld.idx.msk [tilespmem:v9+s13+$0x0], $0xffff  }
0x77: {  	v5 =	vmul.f32 v62, v26;
	v26 =	vld.idx.msk [tilespmem:v37+s16+$0x0], $0xffff;
	v9 =	vmul.f32 v39, v33;
	v15 =	vor.u32 $0x40, v2  }
0x78: {  	v2 =	vmul.f32 v41, v23;
	v47 =	vld.idx.msk [tilespmem:v48+s16+$0x0], $0xffff;
	v48 =	vmul.f32 v54, v46;
	v37 =	vor.u32 v16, v15  }
0x79: {  	v39 =	vor.u32 v17, v15;
	v31 =	vor.u32 v43, v15;
	v9 =	vadd.f32 v9, v11;
	v11 =	vld.idx.msk [tilespmem:v55+s16+$0x0], $0xffff  }
0x7a: {  	v13 =	vld.idx.msk [tilespmem:v49+s14+$0x0], $0xffff;
	v49 =	vor.u32 v14, v15;
	v20 =	vor.u32 v18, v15;
	v10 =	vmul.f32 v10, v46  }
0x7b: {  	v41 =	vld.idx.msk [tilespmem:v35+s16+$0x0], $0xffff;
	v5 =	vadd.f32 v5, v1;
	v32 =	vmul.f32 v7, v25;
	v1 =	vmul.f32 v4, v46  }
0x7c: {  	v4 =	vmul.f32 v45, v33;
	v45 =	vld.idx.msk [tilespmem:v59+s16+$0x0], $0xffff;
	v52 =	vadd.f32 v10, v44;
	v44 =	vadd.f32 v6, v51  }
0x7d: {  	v7 =	vld.idx.msk [tilespmem:v0+s16+$0x0], $0xffff;
	v53 =	vadd.f32 v1, v53;
	v10 =	vmul.f32 v60, v46;
	v51 =	vor.u32 v3, v15  }
0x7e: {  	s31 =	simm.s32 $0x8;
	s23 =	sshll.u32 s22, $0x4;
	v6 =	vld.idx.msk [tilespmem:v50+s16+$0x0], $0xffff;
	v1 =	vor.u32 v19, v15;
	v50 =	vmul.f32 v11, v46;
	v11 =	vmul.f32 v26, v23  }
.LBB2_3:
0x7f: {  	v18 =	vadd.f32 v42, v12;
	v12 =	vld.idx.msk [tilespmem:v57+s16+$0x0], $0xffff  }
0x80: {  	v36 =	vld.idx.msk [tilespmem:v36+s14+$0x0], $0xffff  }
0x81: {  	v17 =	vld [tilespmem:$0x1FEB0]  }
0x82: {  	v19 =	vld [tilespmem:$0x1FED0]  }
0x83: {  	v37 =	vld.idx.msk [tilespmem:v37+s16+$0x0], $0xffff  }
0x84: {  	v3 =	vld [tilespmem:$0x1FEC0]  }
0x85: {  	v14 =	vld [tilespmem:$0x1FF10]  }
0x86: {  	s1 =	sadd.s32 $0x1, s31;
	v8 =	vadd.f32 v22, v8;
	v22 =	vld.idx.msk [tilespmem:v51+s16+$0x0], $0xffff  }
0x87: {  	v60 =	vmov s1;
	v35 =	vld.idx.msk [tilespmem:v28+s16+$0x0], $0xffff  }
0x88: {  	v46 =	vmul.f32 v41, v33;
	v33 =	vadd.f32 v38, v52;
	v41 =	vor.u32 $0x40, v60;
	v28 =	vld.idx.msk [tilespmem:v21+s16+$0x0], $0xffff  }
0x89: {  	s30 =	sadd.s32 $0x3, s31;
	v59 =	vmul.f32 v13, v23;
	v40 =	vadd.f32 v40, v53;
	v62 =	vor.u32 v43, v41;
	v34 =	vld.idx.msk [tilespmem:v30+s16+$0x0], $0xffff  }
0x8a: {  	s25 =	smov.u32 s31;
	v15 =	vmul.f32 v6, v23;
	v61 =	vmov s30;
	v4 =	vadd.f32 v4, v44;
	v13 =	vld.idx.msk [tilespmem:v27+s16+$0x0], $0xffff  }
0x8b: {  	v16 =	vor.u32 s1, v43;
	s1 =	sadd.s32 $0x2, s25;
	v9 =	vadd.f32 v10, v9;
	v55 =	vadd.f32 v2, v40;
	v21 =	vld [tilespmem:$0x1FEF0]  }
0x8c: {  	v42 =	vor.u32 $0x40, v61;
	v30 =	vmov s1;
	v56 =	vmul.f32 v12, v25;
	v12 =	vld.idx.msk [tilespmem:v39+s16+$0x0], $0xffff  }
0x8d: {  	v57 =	vmul.f32 v47, v23;
	v47 =	vor.u32 $0x40, v30;
	v6 =	vadd.f32 v32, v55;
	v32 =	vld.idx.msk [tilespmem:v20+s16+$0x0], $0xffff  }
0x8e: {  	v10 =	vor.u32 v3, v47;
	v0 =	vld.idx.msk [tilespmem:v62+s14+$0x0], $0xffff;
	v60 =	vmul.f32 v35, v25;
	v35 =	vadd.f32 v11, v8  }
0x8f: {  	v44 =	vor.u32 v17, v47;
	v8 =	vadd.f32 v48, v4;
	v48 =	vadd.f32 v63, v9;
	v9 =	vld.idx.msk [tilespmem:v49+s16+$0x0], $0xffff  }
0x90: {  	v53 =	vor.u32 v17, v41;
	v61 =	vmul.f32 v36, v25;
	v62 =	vmul.f32 v28, v25;
	v28 =	vld.idx.msk [tilespmem:v31+s14+$0x0], $0xffff  }
0x91: {  	v39 =	vor.u32 v43, v42;
	v63 =	vmul.f32 v34, v25;
	v31 =	vld.idx.msk [tilespmem:v1+s16+$0x0], $0xffff;
	v1 =	vor.u32 v14, v42  }
0x92: {  	v20 =	vld [tilespmem:$0x1FEE0];
	v34 =	vor.u32 v14, v47;
	v4 =	vmul.f32 v13, v25;
	v25 =	vmul.f32 v12, v24;
	[tilespmem:$0x1FD70] =	vst v1  }
0x93: {  	s29 =	sadd.s32 $0x4, s31;
	v1 =	vor.u32 v19, v42;
	v26 =	vadd.f32 v58, v8;
	v52 =	vld.idx.msk [tilespmem:v10+s16+$0x0], $0xffff;
	v58 =	vor.u32 v17, v42  }
0x94: {  	v29 =	vmov s29;
	v45 =	vmul.f32 v45, v23;
	v30 =	vor.u32 v21, v42;
	v13 =	vld.idx.msk [tilespmem:v44+s16+$0x0], $0xffff;
	[tilespmem:$0x1FD90] =	vst v1  }
0x95: {  	v38 =	vor.u32 $0x40, v29;
	v54 =	vor.u32 v43, v47;
	v1 =	vadd.f32 v25, v6;
	[tilespmem:$0x1FD30] =	vst v0;
	v0 =	vld.idx.msk [tilespmem:v53+s16+$0x0], $0xffff  }
0x96: {  	s28 =	sadd.s32 $0x5, s25;
	v7 =	vmul.f32 v7, v23;
	v23 =	vor.u32 s30, v43;
	v29 =	vor.u32 v19, v38;
	v6 =	vld.idx.msk [tilespmem:v39+s14+$0x0], $0xffff  }
0x97: {  	v36 =	vor.u32 s28, v43;
	v37 =	vmul.f32 v37, v24;
	v8 =	vld.idx.msk [tilespmem:v34+s16+$0x0], $0xffff;
	[tilespmem:$0x1FDA0] =	vst v1;
	v1 =	vor.u32 v20, v42  }
0x98: {  	v11 =	vor.u32 v3, v41;
	v10 =	vor.u32 v3, v42;
	[tilespmem:$0x1FDB0] =	vst v1;
	v1 =	vld.idx.msk [tilespmem:v58+s16+$0x0], $0xffff  }
0x99: {  	v35 =	vadd.f32 v56, v35;
	v56 =	vmul.f32 v32, v24;
	v34 =	vadd.f32 v46, v5;
	v5 =	vld.idx.msk [tilespmem:v30+s16+$0x0], $0xffff  }
0x9a: {  	v25 =	vor.u32 v17, v38;
	v39 =	vor.u32 v20, v38;
	[tilespmem:$0x1FD40] =	vst v0;
	v0 =	vld.idx.msk [tilespmem:v54+s14+$0x0], $0xffff  }
0x9b: {  	v26 =	vadd.f32 v7, v26;
	v30 =	vmov s28;
	v46 =	vld.idx.msk [tilespmem:v23+s13+$0x0], $0xffff;
	v31 =	vmul.f32 v31, v24  }
0x9c: {  	v42 =	vmul.f32 v28, v24;
	v28 =	vor.u32 v21, v38;
	v23 =	vld.idx.msk [tilespmem:v36+s13+$0x0], $0xffff;
	v55 =	vor.u32 $0x40, v30  }
0x9d: {  	v7 =	vor.u32 s29, v43;
	v11 =	vld.idx.msk [tilespmem:v11+s16+$0x0], $0xffff;
	v26 =	vadd.f32 v60, v26;
	[tilespmem:$0x1FD80] =	vst v1;
	v1 =	vor.u32 v43, v55  }
0x9e: {  	v12 =	vld.idx.msk [tilespmem:v10+s16+$0x0], $0xffff;
	v10 =	vor.u32 v43, v38;
	v30 =	vor.u32 v3, v55;
	[tilespmem:$0x1FDD0] =	vst v1  }
0x9f: {  	v2 =	vor.u32 s1, v43;
	v32 =	vadd.f32 v50, v34;
	v50 =	vld.idx.msk [tilespmem:v29+s16+$0x0], $0xffff;
	[tilespmem:$0x1FD20] =	vst v0;
	v0 =	vor.u32 v19, v47  }
0xa0: {  	s26 =	sadd.s32 $0x6, s25;
	v34 =	vadd.f32 v59, v18;
	v29 =	vadd.f32 v45, v48;
	[tilespmem:$0x1FD60] =	vst v0;
	v0 =	vor.u32 v20, v41  }
0xa1: {  	v49 =	vmov s26;
	v59 =	vld.idx.msk [tilespmem:v39+s16+$0x0], $0xffff;
	v1 =	vor.u32 v20, v55;
	[tilespmem:$0x1FD50] =	vst v0;
	v0 =	vmul.f32 v9, v24  }
0xa2: {  	v7 =	vld.idx.msk [tilespmem:v7+s13+$0x0], $0xffff;
	v9 =	vadd.f32 v37, v35;
	v37 =	vor.u32 v14, v38;
	v38 =	vor.u32 v3, v38  }
0xa3: {  	v27 =	vor.u32 $0x40, v49;
	v28 =	vld.idx.msk [tilespmem:v28+s16+$0x0], $0xffff;
	[tilespmem:$0x1FE00] =	vst v1;
	v1 =	vor.u32 v21, v55;
	v35 =	vadd.f32 v57, v33  }
0xa4: {  	s30 =	sadd.s32 $0x7, s25;
	v58 =	vadd.f32 v61, v34;
	[tilespmem:$0x1FE20] =	vst v1;
	v1 =	vor.u32 v21, v27;
	v57 =	vld.idx.msk [tilespmem:v25+s16+$0x0], $0xffff;
	v25 =	vor.u32 s26, v43  }
0xa5: {  	v49 =	vld.idx.msk [tilespmem:v30+s16+$0x0], $0xffff;
	[tilespmem:$0x1FDE0] =	vst v1;
	v1 =	vor.u32 v19, v27;
	v30 =	vadd.f32 v62, v35;
	v35 =	vmov s30  }
0xa6: {  	v54 =	vld.idx.msk [tilespmem:v10+s14+$0x0], $0xffff;
	v33 =	vor.u32 v3, v27;
	[tilespmem:$0x1FDC0] =	vst v1;
	v1 =	vor.u32 v20, v27;
	v61 =	vor.u32 $0x40, v35  }
0xa7: {  	v48 =	vmov s25;
	v26 =	vadd.f32 v31, v26;
	[tilespmem:$0x1FDF0] =	vst v1;
	v1 =	vor.u32 v43, v61;
	v31 =	vld.idx.msk [tilespmem:v38+s16+$0x0], $0xffff  }
0xa8: {  	v40 =	vor.u32 v14, v41;
	[tilespmem:$0x1FE10] =	vst v1;
	v1 =	vld [tilespmem:$0x1FE30];
	v38 =	vor.u32 $0x40, v48  }
0xa9: {  	v29 =	vadd.f32 v63, v29;
	v62 =	vadd.f32 v0, v30;
	v30 =	vld.idx.msk [tilespmem:v37+s16+$0x0], $0xffff;
	v63 =	vor.u32 v43, v38  }
0xaa: {  	v22 =	vmul.f32 v22, v24;
	v25 =	vld.idx.msk [tilespmem:v25+s13+$0x0], $0xffff  }
0xab: {  	v24 =	vld.idx.msk [tilespmem:v33+s16+$0x0], $0xffff;
	v48 =	vor.u32 s25, v43  }
0xac: {  	v22 =	vadd.f32 v22, v29;
	v33 =	vld.idx.msk [tilespmem:v2+s13+$0x0], $0xffff;
	v34 =	vor.u32 v17, v38  }
0xad: {  	v53 =	vor.u32 v14, v27;
	v18 =	vadd.f32 v42, v58;
	v32 =	vadd.f32 v1, v32;
	v1 =	vld.idx.msk [tilespmem:v40+s16+$0x0], $0xffff  }
0xae: {  	v58 =	vmul.f32 v28, v7;
	v39 =	vor.u32 v3, v61;
	v40 =	vor.u32 v14, v38;
	v28 =	vld.idx.msk [tilespmem:v63+s14+$0x0], $0xffff  }
0xaf: {  	v2 =	vmul.f32 v49, v23;
	v15 =	vadd.f32 v15, v32;
	v32 =	vor.u32 v3, v38;
	v3 =	vld.idx.msk [tilespmem:v16+s13+$0x0], $0xffff  }
0xb0: {  	v45 =	vor.u32 v19, v38;
	v29 =	vor.u32 v21, v38;
	v35 =	vmul.f32 v24, v25;
	v16 =	vld.idx.msk [tilespmem:v48+s13+$0x0], $0xffff  }
0xb1: {  	v24 =	vmul.f32 v59, v7;
	v59 =	vor.u32 v20, v38;
	v38 =	vmul.f32 v30, v7;
	v30 =	vld.idx.msk [tilespmem:v34+s16+$0x0], $0xffff  }
0xb2: {  	v49 =	vor.u32 v14, v61;
	v63 =	vmul.f32 v50, v7;
	v50 =	vor.u32 v14, v55;
	v14 =	vld [tilespmem:$0x1FD40]  }
0xb3: {  	v42 =	vmul.f32 v54, v7;
	v48 =	vmul.f32 v5, v46;
	v5 =	vld.idx.msk [tilespmem:v40+s16+$0x0], $0xffff  }
0xb4: {  	v0 =	vor.u32 v21, v47;
	v10 =	vmul.f32 v57, v7;
	v40 =	vmul.f32 v31, v7;
	v7 =	vld.idx.msk [tilespmem:v32+s16+$0x0], $0xffff  }
0xb5: {  	v32 =	vmul.f32 v11, v3;
	v11 =	vmul.f32 v13, v33;
	v13 =	vld [tilespmem:$0x1FD20]  }
0xb6: {  	v30 =	vmul.f32 v30, v16;
	_ =	sdelay $0x1  }
0xb7: {  	v9 =	vadd.f32 v30, v9;
	v30 =	vmul.f32 v14, v3;
	v14 =	vld [tilespmem:$0x1FD50]  }
0xb8: {  	v51 =	vor.u32 v17, v55;
	v0 =	vld.idx.msk [tilespmem:v0+s16+$0x0], $0xffff  }
0xb9: {  	v37 =	vor.u32 v17, v61;
	v57 =	vor.u32 v17, v27;
	v17 =	vmul.f32 v13, v33;
	v13 =	vld [tilespmem:$0x1FD30];
	_ =	sdelay $0x1  }
0xba: {  	v44 =	vor.u32 v19, v41;
	v36 =	vor.u32 v43, v27  }
0xbb: {  	v15 =	vadd.f32 v4, v15;
	v27 =	vmul.f32 v1, v3;
	v1 =	vmul.f32 v28, v16  }
0xbc: {  	v4 =	vmul.f32 v0, v33;
	v0 =	vmul.f32 v8, v33;
	v8 =	vor.u32 v21, v41  }
0xbd: {  	v41 =	vld.idx.msk [tilespmem:v59+s16+$0x0], $0xffff;
	v15 =	vadd.f32 v56, v15;
	v1 =	vadd.f32 v1, v18;
	v56 =	vmul.f32 v13, v3  }
0xbe: {  	v60 =	vor.u32 s30, v43;
	v59 =	vld.idx.msk [tilespmem:v14+s16+$0x0], $0xffff  }
0xbf: {  	v34 =	vmul.f32 v52, v33;
	v52 =	vadd.f32 v56, v1;
	v1 =	vld [tilespmem:$0x1FD60]  }
0xc0: {  	v14 =	vld [tilespmem:$0x1FD70];
	_ =	sdelay $0x1  }
0xc1: {  	v29 =	vld.idx.msk [tilespmem:v29+s16+$0x0], $0xffff  }
0xc2: {  	[tilespmem:$0x1FE30] =	vst v24;
	v24 =	vld.idx.msk [tilespmem:v60+s13+$0x0], $0xffff;
	v9 =	vadd.f32 v30, v9  }
0xc3: {  	v31 =	vmul.f32 v12, v46;
	v28 =	vld.idx.msk [tilespmem:v45+s16+$0x0], $0xffff  }
0xc4: {  	v12 =	vor.u32 v20, v47;
	v5 =	vmul.f32 v5, v16;
	v9 =	vadd.f32 v11, v9;
	v11 =	vld [tilespmem:$0x1FD90]  }
0xc5: {  	v60 =	vld.idx.msk [tilespmem:v51+s16+$0x0], $0xffff  }
0xc6: {  	v5 =	vadd.f32 v5, v62;
	v30 =	vld.idx.msk [tilespmem:v1+s16+$0x0], $0xffff  }
0xc7: {  	v51 =	vor.u32 v19, v61;
	v20 =	vor.u32 v20, v61;
	v1 =	vor.u32 v21, v61;
	v61 =	vld.idx.msk [tilespmem:v14+s16+$0x0], $0xffff  }
0xc8: {  	v29 =	vmul.f32 v29, v16;
	v7 =	vmul.f32 v7, v16;
	v5 =	vadd.f32 v27, v5  }
0xc9: {  	v28 =	vmul.f32 v28, v16;
	v16 =	vmul.f32 v41, v16;
	v41 =	vld.idx.msk [tilespmem:v12+s16+$0x0], $0xffff  }
0xca: {  	v6 =	vmul.f32 v6, v46;
	v0 =	vadd.f32 v0, v5;
	v5 =	vld [tilespmem:$0x1FDD0];
	v47 =	vadd.f32 v17, v52  }
0xcb: {  	v13 =	vld.idx.msk [tilespmem:v44+s16+$0x0], $0xffff  }
0xcc: {  	v27 =	vld.idx.msk [tilespmem:v11+s16+$0x0], $0xffff;
	v12 =	vadd.f32 v6, v47;
	v6 =	vadd.f32 v16, v15;
	v15 =	vmul.f32 v61, v46  }
0xcd: {  	v11 =	vld [tilespmem:$0x1FDA0]  }
0xce: {  	v52 =	vadd.f32 v15, v0;
	v0 =	vld [tilespmem:$0x1FE00];
	_ =	sdelay $0x3  }
0xcf: {  	v7 =	vadd.f32 v7, v11;
	v11 =	vld [tilespmem:$0x1FDB0]  }
0xd0: {  	v45 =	vor.u32 v19, v55;
	v62 =	vld.idx.msk [tilespmem:v8+s16+$0x0], $0xffff;
	v22 =	vadd.f32 v28, v22;
	v13 =	vmul.f32 v13, v3  }
0xd1: {  	v8 =	vld [tilespmem:$0x1FD80];
	v28 =	vmul.f32 v59, v3  }
0xd2: {  	v14 =	vadd.f32 v13, v22;
	v13 =	vld.idx.msk [tilespmem:v5+s14+$0x0], $0xffff  }
0xd3: {  	v5 =	vadd.f32 v28, v6;
	v6 =	vld.idx.msk [tilespmem:v0+s16+$0x0], $0xffff  }
0xd4: {  	v0 =	vld [tilespmem:$0x1FE20]  }
0xd5: {  	v45 =	vld.idx.msk [tilespmem:v45+s16+$0x0], $0xffff  }
0xd6: {  	v47 =	vld.idx.msk [tilespmem:v50+s16+$0x0], $0xffff  }
0xd7: {  	p0 =	slt.u32 s31, $0x38;
	v26 =	vadd.f32 v29, v26;
	v7 =	vadd.f32 v32, v7;
	v29 =	vld.idx.msk [tilespmem:v11+s16+$0x0], $0xffff  }
.Ltmp0:
0xd8: {  	v8 =	vmul.f32 v8, v46;
	v28 =	vld [tilespmem:$0x1FDE0];
	(pc) =	sbr.rel @p0 .LBB2_3-.Ltmp0, $4  }
0xd9: {  	v3 =	vmul.f32 v62, v3;
	v22 =	vmovc v10;
	v10 =	vmul.f32 v27, v46;
	v27 =	vld [tilespmem:$0x1FDF0];
	v7 =	vadd.f32 v34, v7  }
0xda: {  	v8 =	vadd.f32 v8, v9;
	v9 =	vmul.f32 v30, v33;
	v30 =	vld [tilespmem:$0x1FDC0]  }
0xdb: {  	s24 =	sadd.s32 $0x8, s31;
	v44 =	vadd.f32 v3, v26;
	v21 =	vmovc v53;
	v32 =	vmov v35;
	v53 =	vadd.f32 v31, v7;
	v31 =	vld [tilespmem:$0x1FE10]  }
0xdc: {  	s31 =	smov.u32 s24;
	v11 =	vmul.f32 v60, v23;
	v9 =	vadd.f32 v9, v14;
	v50 =	vmul.f32 v29, v46;
	v7 =	vld.idx.msk [tilespmem:v0+s16+$0x0], $0xffff  }
0xdd: {  	_ =	sdelay $0x3  }
0xde: {  	v0 =	vld.idx.msk [tilespmem:v57+s16+$0x0], $0xffff;
	v17 =	vadd.f32 v40, v53  }
0xdf: {  	v18 =	vld.idx.msk [tilespmem:v21+s16+$0x0], $0xffff  }
0xe0: {  	v4 =	vadd.f32 v4, v44;
	v2 =	vadd.f32 v2, v17;
	v17 =	vld.idx.msk [tilespmem:v39+s16+$0x0], $0xffff  }
0xe1: {  	v8 =	vadd.f32 v22, v8;
	v9 =	vadd.f32 v10, v9;
	v10 =	vld.idx.msk [tilespmem:v27+s16+$0x0], $0xffff  }
0xe2: {  	v26 =	vld.idx.msk [tilespmem:v37+s16+$0x0], $0xffff;
	v4 =	vadd.f32 v48, v4  }
0xe3: {  	v19 =	vadd.f32 v38, v52;
	v14 =	vmul.f32 v47, v23;
	v8 =	vadd.f32 v11, v8  }
0xe4: {  	v4 =	vadd.f32 v58, v4;
	v7 =	vmul.f32 v7, v23;
	v0 =	vmul.f32 v0, v25  }
0xe5: {  	v2 =	vadd.f32 v32, v2;
	v11 =	vmul.f32 v18, v25;
	v17 =	vmul.f32 v17, v24  }
0xe6: {  	v18 =	vld.idx.msk [tilespmem:v49+s16+$0x0], $0xffff;
	v4 =	vadd.f32 v7, v4;
	v7 =	vmul.f32 v10, v25;
	v10 =	vadd.f32 v14, v19  }
0xe7: {  	v15 =	vld.idx.msk [tilespmem:v28+s16+$0x0], $0xffff;
	v26 =	vmul.f32 v26, v24;
	v0 =	vadd.f32 v0, v8;
	v2 =	vadd.f32 v17, v2  }
0xe8: {  	v16 =	vmul.f32 v41, v33;
	v1 =	vld.idx.msk [tilespmem:v1+s16+$0x0], $0xffff  }
0xe9: {  	v0 =	vadd.f32 v26, v0;
	[tilespmem:$0x1FCB0] =	vst v2;
	v2 =	vadd.f32 v11, v10;
	v10 =	vld [tilespmem:$0x1FE30]  }
0xea: {  	v21 =	vld.idx.msk [tilespmem:v30+s16+$0x0], $0xffff;
	v5 =	vadd.f32 v16, v5  }
0xeb: {  	v3 =	vld.idx.msk [tilespmem:v36+s14+$0x0], $0xffff;
	v12 =	vadd.f32 v42, v12;
	[tilespmem:$0x1FCC0] =	vst v0;
	v0 =	vmul.f32 v18, v24  }
0xec: {  	v22 =	vmul.f32 v45, v23;
	v5 =	vadd.f32 v50, v5;
	v15 =	vmul.f32 v15, v25;
	v8 =	vld.idx.msk [tilespmem:v51+s16+$0x0], $0xffff  }
0xed: {  	v6 =	vmul.f32 v6, v23;
	v9 =	vadd.f32 v63, v9;
	v19 =	vld.idx.msk [tilespmem:v20+s16+$0x0], $0xffff;
	v0 =	vadd.f32 v0, v2  }
0xee: {  	v16 =	vld.idx.msk [tilespmem:v31+s14+$0x0], $0xffff;
	v1 =	vmul.f32 v1, v24;
	v2 =	vadd.f32 v15, v4;
	v5 =	vadd.f32 v10, v5  }
0xef: {  	v13 =	vmul.f32 v13, v23;
	v9 =	vadd.f32 v22, v9;
	v21 =	vmul.f32 v21, v25  }
0xf0: {  	v3 =	vmul.f32 v3, v25;
	[tilespmem:$0x1FCD0] =	vst v0;
	v1 =	vadd.f32 v1, v2;
	v0 =	vadd.f32 v6, v5  }
0xf1: {  	v4 =	vmul.f32 v8, v24;
	v10 =	vadd.f32 v13, v12;
	v5 =	vadd.f32 v21, v9  }
0xf2: {  	v6 =	vmul.f32 v19, v24;
	v0 =	vadd.f32 v7, v0  }
0xf3: {  	v11 =	vmul.f32 v16, v24;
	[tilespmem:$0x1FCE0] =	vst v1;
	v3 =	vadd.f32 v3, v10;
	v1 =	vadd.f32 v4, v5  }
0xf4: {  	v0 =	vadd.f32 v6, v0  }
0xf5: {  	[tilespmem:$0x1FCF0] =	vst v1;
	v1 =	vadd.f32 v11, v3  }
0xf6: {  	[tilespmem:$0x1FD10] =	vst v0;
	v0 =	vld [tilespmem:$0x1FF80]  }
0xf7: {  	[tilespmem:$0x1FD00] =	vst v1;
	v1 =	vld [tilespmem:$0x1FF00];
	_ =	sdelay $0x4  }
0xf8: {  	v0 =	vadd.s32 v0, v1  }
0xf9: {  	[tilespmem:$0x1FE40] =	vst v0;
	v0 =	vld [tilespmem:$0x1FF90];
	_ =	sdelay $0x4  }
0xfa: {  	v0 =	vadd.s32 v0, v1  }
0xfb: {  	[tilespmem:$0x1FE50] =	vst v0;
	v0 =	vld [tilespmem:$0x1FFA0];
	_ =	sdelay $0x4  }
0xfc: {  	v0 =	vadd.s32 v0, v1  }
0xfd: {  	[tilespmem:$0x1FE60] =	vst v0;
	v0 =	vld [tilespmem:$0x1FFB0];
	_ =	sdelay $0x1  }
0xfe: {  	s25 =	simm.s32 $0x2  }
0xff: {  	v57 =	vmov v43;
	s26 =	simm.s32 $0x3;
	v34 =	vor.u32 s25, v43  }
0x100: {  	s1 =	simm.s32 $0x1;
	v47 =	vor.u32 s26, v57;
	v23 =	vld [tilespmem:$0x1FE40]  }
0x101: {  	v63 =	vor.u32 s1, v43;
	v0 =	vadd.s32 v0, v1  }
0x102: {  	[tilespmem:$0x1FE70] =	vst v0;
	v0 =	vld [tilespmem:$0x1FFC0]  }
0x103: {  	s24 =	simm.s32 $0x0;
	s28 =	simm.s32 $0x4;
	v2 =	vmov s25;
	v25 =	vld [tilespmem:$0x1FE60]  }
0x104: {  	v22 =	vor.u32 s24, v43;
	v41 =	vld.idx.msk [tilespmem:v34+s13+$0x0], $0xffff;
	v2 =	vor.u32 $0x40, v2;
	v11 =	vmov s28  }
0x105: {  	v55 =	vld.idx.msk [tilespmem:v47+s13+$0x0], $0xffff;
	v11 =	vor.u32 $0x40, v11;
	v5 =	vor.u32 v23, v2  }
0x106: {  	v54 =	vld.idx.msk [tilespmem:v63+s13+$0x0], $0xffff;
	v15 =	vor.u32 v23, v11  }
0x107: {  	v24 =	vld [tilespmem:$0x1FE50];
	v0 =	vadd.s32 v0, v1  }
0x108: {  	v6 =	vor.u32 v25, v2;
	[tilespmem:$0x1FE80] =	vst v0;
	v0 =	vld [tilespmem:$0x1FFD0]  }
0x109: {  	v22 =	vld.idx.msk [tilespmem:v22+s13+$0x0], $0xffff;
	v21 =	vmov s24  }
0x10a: {  	v21 =	vor.u32 $0x40, v21;
	v13 =	vld.idx.msk [tilespmem:v5+s16+$0x0], $0xffff  }
0x10b: {  	v30 =	vor.u32 v23, v21;
	v15 =	vld.idx.msk [tilespmem:v15+s16+$0x0], $0xffff  }
0x10c: {  	v8 =	vor.u32 v24, v2;
	v26 =	vld [tilespmem:$0x1FE70]  }
0x10d: {  	v17 =	vor.u32 v24, v11;
	v5 =	vld.idx.msk [tilespmem:v6+s16+$0x0], $0xffff;
	v0 =	vadd.s32 v0, v1  }
0x10e: {  	[tilespmem:$0x1FE90] =	vst v0;
	v0 =	vld [tilespmem:$0x1FFF0]  }
0x10f: {  	v6 =	vor.u32 s28, v43;
	v28 =	vld [tilespmem:$0x1FE90]  }
0x110: {  	v46 =	vld.idx.msk [tilespmem:v30+s16+$0x0], $0xffff  }
0x111: {  	v31 =	vor.u32 v24, v21;
	v8 =	vld.idx.msk [tilespmem:v8+s16+$0x0], $0xffff  }
0x112: {  	v7 =	vmov s26;
	v17 =	vld.idx.msk [tilespmem:v17+s16+$0x0], $0xffff;
	v18 =	vor.u32 v26, v11  }
0x113: {  	v7 =	vor.u32 $0x40, v7;
	v39 =	vor.u32 v26, v2;
	v27 =	vld [tilespmem:$0x1FE80];
	v0 =	vadd.s32 v0, v1  }
0x114: {  	v6 =	vld.idx.msk [tilespmem:v6+s13+$0x0], $0xffff;
	[tilespmem:$0x1FEA0] =	vst v0;
	v0 =	vmov s1;
	v12 =	vor.u32 v28, v7  }
0x115: {  	v58 =	vor.u32 v26, v21;
	v0 =	vor.u32 $0x40, v0;
	v14 =	vld [tilespmem:$0x1FEA0]  }
0x116: {  	v31 =	vld.idx.msk [tilespmem:v31+s16+$0x0], $0xffff;
	v3 =	vor.u32 v23, v0  }
0x117: {  	s29 =	simm.s32 $0x5;
	v18 =	vld.idx.msk [tilespmem:v18+s16+$0x0], $0xffff;
	v20 =	vor.u32 v28, v11  }
0x118: {  	v37 =	vor.u32 s29, v43;
	v59 =	vmov s29;
	v39 =	vld.idx.msk [tilespmem:v39+s16+$0x0], $0xffff;
	v4 =	vor.u32 v24, v0  }
0x119: {  	v42 =	vor.u32 v23, v7;
	v13 =	vmul.f32 v13, v41;
	v56 =	vld.idx.msk [tilespmem:v12+s16+$0x0], $0xffff;
	v12 =	vor.u32 v27, v11  }
0x11a: {  	v45 =	vor.u32 v25, v21;
	v50 =	vmul.f32 v15, v6;
	v15 =	vld.idx.msk [tilespmem:v58+s16+$0x0], $0xffff;
	v19 =	vor.u32 v14, v11  }
0x11b: {  	v31 =	vmul.f32 v31, v22;
	v8 =	vmul.f32 v8, v41;
	s28 =	simm.s32 $0x6;
	v11 =	vor.u32 v25, v11;
	v9 =	vld.idx.msk [tilespmem:v3+s16+$0x0], $0xffff  }
0x11c: {  	v43 =	vor.u32 v24, v7;
	v36 =	vmov s28;
	v20 =	vld.idx.msk [tilespmem:v20+s16+$0x0], $0xffff;
	v3 =	vor.u32 v14, v2  }
0x11d: {  	v60 =	vmul.f32 v17, v6;
	v17 =	vor.u32 v27, v21;
	v44 =	vor.u32 v26, v0;
	v10 =	vld.idx.msk [tilespmem:v4+s16+$0x0], $0xffff  }
0x11e: {  	v48 =	vor.u32 v28, v21;
	v35 =	vor.u32 v14, v21;
	v21 =	vmul.f32 v46, v22;
	v12 =	vld.idx.msk [tilespmem:v12+s16+$0x0], $0xffff  }
0x11f: {  	v52 =	vor.u32 v26, v7;
	v58 =	vor.u32 $0x40, v36;
	v1 =	vimm.f32 $0.0e+00;
	v19 =	vld.idx.msk [tilespmem:v19+s16+$0x0], $0xffff  }
0x120: {  	v15 =	vmul.f32 v15, v22;
	v21 =	vadd.f32 v21, v1;
	v11 =	vld.idx.msk [tilespmem:v11+s16+$0x0], $0xffff;
	v9 =	vmul.f32 v9, v54  }
0x121: {  	v40 =	vor.u32 s28, v57;
	v29 =	vor.u32 v26, v58;
	v33 =	vor.u32 v25, v0;
	v16 =	vld.idx.msk [tilespmem:v3+s16+$0x0], $0xffff  }
0x122: {  	v49 =	vor.u32 v27, v0;
	v15 =	vadd.f32 v15, v1;
	v9 =	vadd.f32 v9, v21;
	v21 =	vld.idx.msk [tilespmem:v44+s16+$0x0], $0xffff  }
0x123: {  	v38 =	vor.u32 v14, v0;
	v51 =	vor.u32 v14, v7;
	v3 =	vmul.f32 v12, v6;
	v12 =	vld.idx.msk [tilespmem:v35+s16+$0x0], $0xffff  }
0x124: {  	v0 =	vor.u32 v28, v0;
	v34 =	vor.u32 v14, v58;
	v35 =	vmul.f32 v18, v6;
	v18 =	vld.idx.msk [tilespmem:v45+s16+$0x0], $0xffff  }
0x125: {  	v4 =	vor.u32 v25, v7;
	v7 =	vor.u32 v27, v7;
	v46 =	vmul.f32 v19, v6;
	v19 =	vld.idx.msk [tilespmem:v48+s16+$0x0], $0xffff  }
0x126: {  	v61 =	vmul.f32 v20, v6;
	v20 =	vor.u32 $0x40, v59;
	v48 =	vmul.f32 v11, v6;
	v6 =	vld.idx.msk [tilespmem:v17+s16+$0x0], $0xffff  }
0x127: {  	v10 =	vmul.f32 v10, v54;
	v11 =	vadd.f32 v31, v1;
	v9 =	vadd.f32 v13, v9;
	v13 =	vld.idx.msk [tilespmem:v43+s16+$0x0], $0xffff  }
0x128: {  	v59 =	vor.u32 v25, v58;
	v56 =	vmul.f32 v56, v55;
	v62 =	vor.u32 v28, v20;
	v31 =	vld.idx.msk [tilespmem:v38+s16+$0x0], $0xffff  }
0x129: {  	v0 =	vld.idx.msk [tilespmem:v0+s16+$0x0], $0xffff;
	v17 =	vor.u32 v25, v20;
	v10 =	vadd.f32 v10, v11;
	v21 =	vmul.f32 v21, v54  }
0x12a: {  	v63 =	vor.u32 v26, v20;
	v43 =	vld.idx.msk [tilespmem:v42+s16+$0x0], $0xffff;
	v12 =	vmul.f32 v12, v22;
	v18 =	vmul.f32 v18, v22  }
0x12b: {  	v8 =	vadd.f32 v8, v10;
	v19 =	vmul.f32 v19, v22;
	v6 =	vmul.f32 v6, v22;
	v22 =	vld.idx.msk [tilespmem:v33+s16+$0x0], $0xffff  }
0x12c: {  	v4 =	vld.idx.msk [tilespmem:v4+s16+$0x0], $0xffff;
	v10 =	vmul.f32 v13, v55;
	v13 =	vadd.f32 v21, v15;
	v15 =	vor.u32 v28, v2  }
0x12d: {  	v44 =	vor.u32 v23, v58;
	v53 =	vmul.f32 v31, v54;
	v31 =	vld.idx.msk [tilespmem:v37+s13+$0x0], $0xffff;
	v12 =	vadd.f32 v12, v1  }
0x12e: {  	v45 =	vor.u32 v24, v20;
	v42 =	vor.u32 v28, v58;
	v17 =	vld.idx.msk [tilespmem:v17+s16+$0x0], $0xffff;
	v18 =	vadd.f32 v18, v1  }
0x12f: {  	s30 =	simm.s32 $0x7;
	v16 =	vmul.f32 v16, v41;
	v21 =	vld.idx.msk [tilespmem:v49+s16+$0x0], $0xffff;
	v8 =	vadd.f32 v10, v8;
	v30 =	vadd.f32 v53, v12  }
0x130: {  	v33 =	vld.idx.msk [tilespmem:v40+s13+$0x0], $0xffff;
	v10 =	vor.u32 s30, v57;
	v12 =	vmul.f32 v22, v54;
	v22 =	vmul.f32 v43, v55  }
0x131: {  	v38 =	vor.u32 v27, v58;
	v0 =	vmul.f32 v0, v54;
	v16 =	vadd.f32 v16, v30;
	v15 =	vld.idx.msk [tilespmem:v15+s16+$0x0], $0xffff  }
0x132: {  	[tilespmem:$0x1FC30] =	vst v3;
	v30 =	vld.idx.msk [tilespmem:v52+s16+$0x0], $0xffff;
	v18 =	vadd.f32 v12, v18;
	v12 =	vadd.f32 v22, v9  }
0x133: {  	v9 =	vld.idx.msk [tilespmem:v51+s16+$0x0], $0xffff;
	v22 =	vadd.f32 v19, v1;
	v19 =	vor.u32 v27, v2;
	v2 =	vmul.f32 v5, v41  }
0x134: {  	v3 =	vor.u32 v23, v20;
	v1 =	vadd.f32 v6, v1;
	v6 =	vld.idx.msk [tilespmem:v59+s16+$0x0], $0xffff;
	v5 =	vmul.f32 v21, v54  }
0x135: {  	v11 =	vor.u32 v27, v20;
	v32 =	vld.idx.msk [tilespmem:v10+s13+$0x0], $0xffff;
	v10 =	vor.u32 v14, v20;
	v49 =	vadd.f32 v2, v18  }
0x136: {  	v54 =	vld.idx.msk [tilespmem:v45+s16+$0x0], $0xffff;
	v2 =	vmov s30;
	v18 =	vmul.f32 v39, v41;
	v5 =	vadd.f32 v5, v1  }
0x137: {  	v7 =	vld.idx.msk [tilespmem:v7+s16+$0x0], $0xffff;
	v1 =	vmul.f32 v4, v55;
	v36 =	vor.u32 $0x40, v2;
	v2 =	vmul.f32 v17, v31  }
0x138: {  	v4 =	vmul.f32 v15, v41;
	v17 =	vld.idx.msk [tilespmem:v63+s16+$0x0], $0xffff;
	v45 =	vor.u32 v24, v36;
	v47 =	vor.u32 v25, v36  }
0x139: {  	v39 =	vor.u32 v23, v36;
	v20 =	vmul.f32 v9, v55;
	v9 =	vadd.f32 v18, v13;
	v18 =	vld.idx.msk [tilespmem:v19+s16+$0x0], $0xffff  }
0x13a: {  	v40 =	vor.u32 v14, v36;
	v51 =	vor.u32 v27, v36;
	v52 =	vmul.f32 v6, v33;
	v19 =	vld.idx.msk [tilespmem:v10+s16+$0x0], $0xffff  }
0x13b: {  	v59 =	vor.u32 v26, v36;
	v10 =	vmul.f32 v30, v55;
	v6 =	vld.idx.msk [tilespmem:v11+s16+$0x0], $0xffff;
	v11 =	vmul.f32 v54, v31  }
0x13c: {  	v13 =	vld.idx.msk [tilespmem:v3+s16+$0x0], $0xffff;
	v21 =	vadd.f32 v20, v16;
	v16 =	vadd.f32 v0, v22;
	v20 =	vor.u32 v24, v58  }
0x13d: {  	s31 =	simm.s32 $0x8;
	v22 =	vadd.f32 v1, v49;
	v58 =	vmul.f32 v7, v55;
	v1 =	vor.u32 v28, v36;
	v7 =	vld.idx.msk [tilespmem:v62+s16+$0x0], $0xffff  }
.LBB2_5:
0x13e: {  	v3 =	vld [tilespmem:$0x1FE40]  }
0x13f: {  	v25 =	vld [tilespmem:$0x1FE50]  }
0x140: {  	v27 =	vld [tilespmem:$0x1FE70]  }
0x141: {  	v24 =	vld [tilespmem:$0x1FE60]  }
0x142: {  	v39 =	vld.idx.msk [tilespmem:v39+s16+$0x0], $0xffff  }
0x143: {  	v30 =	vmul.f32 v6, v31;
	v6 =	vld.idx.msk [tilespmem:v59+s16+$0x0], $0xffff  }
0x144: {  	v28 =	vld [tilespmem:$0x1FE80]  }
0x145: {  	v23 =	vld [tilespmem:$0x1FC30]  }
0x146: {  	v4 =	vadd.f32 v4, v16;
	v16 =	vld.idx.msk [tilespmem:v45+s16+$0x0], $0xffff  }
0x147: {  	s1 =	sadd.s32 $0x1, s31;
	v62 =	vmul.f32 v13, v31;
	v0 =	vmul.f32 v18, v41;
	v18 =	vadd.f32 v50, v12;
	v12 =	vld.idx.msk [tilespmem:v20+s16+$0x0], $0xffff  }
0x148: {  	s29 =	sadd.s32 $0x4, s31;
	v37 =	vadd.f32 v46, v21;
	v15 =	vmov s1;
	v22 =	vadd.f32 v48, v22;
	v41 =	vld.idx.msk [tilespmem:v44+s16+$0x0], $0xffff  }
0x149: {  	s30 =	sadd.s32 $0x3, s31;
	s25 =	smov.u32 s31;
	v26 =	vor.u32 s1, v57;
	v49 =	vor.u32 $0x40, v15;
	v15 =	vmov s29;
	v43 =	vld.idx.msk [tilespmem:v42+s16+$0x0], $0xffff  }
0x14a: {  	s1 =	sadd.s32 $0x2, s25;
	v21 =	vor.u32 $0x40, v15;
	v20 =	vmov s30;
	v15 =	vmul.f32 v19, v31;
	v19 =	vld.idx.msk [tilespmem:v34+s16+$0x0], $0xffff  }
0x14b: {  	v42 =	vld.idx.msk [tilespmem:v29+s16+$0x0], $0xffff;
	v36 =	vor.u32 v25, v49;
	v50 =	vor.u32 $0x40, v20;
	v20 =	vmov s1  }
0x14c: {  	v48 =	vadd.f32 v2, v22;
	v13 =	vld.idx.msk [tilespmem:v38+s16+$0x0], $0xffff;
	v44 =	vor.u32 v3, v49;
	v55 =	vor.u32 $0x40, v20  }
0x14d: {  	v9 =	vadd.f32 v10, v9;
	v2 =	vmul.f32 v17, v31;
	v29 =	vld [tilespmem:$0x1FE90];
	v17 =	vor.u32 v3, v55  }
0x14e: {  	v8 =	vadd.f32 v60, v8;
	v59 =	vadd.f32 v52, v48;
	v48 =	vld.idx.msk [tilespmem:v51+s16+$0x0], $0xffff;
	v63 =	vor.u32 v25, v55  }
0x14f: {  	v35 =	vadd.f32 v35, v9;
	v7 =	vmul.f32 v7, v31;
	v38 =	vmul.f32 v12, v33;
	v12 =	vld.idx.msk [tilespmem:v47+s16+$0x0], $0xffff  }
0x150: {  	v46 =	vor.u32 v27, v21;
	v10 =	vld.idx.msk [tilespmem:v36+s16+$0x0], $0xffff;
	v36 =	vadd.f32 v11, v8;
	v8 =	vadd.f32 v56, v4  }
0x151: {  	v60 =	vor.u32 v3, v21;
	v6 =	vmul.f32 v6, v32;
	v0 =	vadd.f32 v0, v5;
	v14 =	vld.idx.msk [tilespmem:v44+s16+$0x0], $0xffff  }
0x152: {  	v5 =	vor.u32 v27, v50;
	v56 =	vmul.f32 v19, v33;
	v19 =	vadd.f32 v61, v8;
	v8 =	vld.idx.msk [tilespmem:v17+s16+$0x0], $0xffff  }
0x153: {  	v37 =	vadd.f32 v15, v37;
	v18 =	vadd.f32 v62, v18;
	v17 =	vld.idx.msk [tilespmem:v63+s16+$0x0], $0xffff;
	v63 =	vor.u32 v25, v50  }
0x154: {  	v2 =	vadd.f32 v2, v35;
	v0 =	vadd.f32 v58, v0;
	v34 =	vmul.f32 v42, v33;
	v42 =	vld.idx.msk [tilespmem:v1+s16+$0x0], $0xffff  }
0x155: {  	v47 =	vor.u32 v29, v50;
	v45 =	vmul.f32 v43, v33;
	[tilespmem:$0x1FB60] =	vst v10;
	v10 =	vor.u32 v24, v55  }
0x156: {  	v9 =	vld.idx.msk [tilespmem:v40+s16+$0x0], $0xffff;
	[tilespmem:$0x1FBA0] =	vst v5;
	v41 =	vmul.f32 v41, v33;
	v1 =	vor.u32 s1, v57;
	v20 =	vmul.f32 v13, v33  }
0x157: {  	v52 =	vor.u32 v29, v21;
	v4 =	vor.u32 v24, v49;
	v11 =	vor.u32 v28, v50;
	[tilespmem:$0x1FB50] =	vst v14;
	v14 =	vld [tilespmem:$0x1FEA0]  }
0x158: {  	v48 =	vmul.f32 v48, v32;
	v0 =	vadd.f32 v23, v0;
	[tilespmem:$0x1FBD0] =	vst v11;
	v11 =	vld.idx.msk [tilespmem:v63+s16+$0x0], $0xffff  }
0x159: {  	v23 =	vld.idx.msk [tilespmem:v26+s13+$0x0], $0xffff;
	v18 =	vadd.f32 v41, v18;
	v40 =	vmul.f32 v42, v32;
	v42 =	vor.u32 v28, v21  }
0x15a: {  	v61 =	vmul.f32 v16, v32;
	[tilespmem:$0x1FB40] =	vst v8;
	v8 =	vld.idx.msk [tilespmem:v10+s16+$0x0], $0xffff;
	v10 =	vor.u32 v24, v50  }
0x15b: {  	v16 =	vor.u32 v3, v50;
	v36 =	vadd.f32 v38, v36;
	v33 =	vmul.f32 v12, v32;
	v5 =	vld.idx.msk [tilespmem:v47+s16+$0x0], $0xffff  }
0x15c: {  	v7 =	vadd.f32 v7, v19;
	v19 =	vmul.f32 v9, v32;
	v41 =	vld.idx.msk [tilespmem:v1+s13+$0x0], $0xffff;
	v54 =	vor.u32 v14, v55  }
0x15d: {  	s28 =	sadd.s32 $0x5, s25;
	v31 =	vor.u32 s30, v57;
	v9 =	vor.u32 v14, v50;
	[tilespmem:$0x1FB90] =	vst v11;
	v11 =	vadd.f32 v61, v36;
	v36 =	vld.idx.msk [tilespmem:v60+s16+$0x0], $0xffff  }
0x15e: {  	v43 =	vor.u32 s28, v57;
	[tilespmem:$0x1FB80] =	vst v9;
	v9 =	vadd.f32 v33, v59;
	v60 =	vadd.f32 v56, v37;
	v56 =	vld.idx.msk [tilespmem:v42+s16+$0x0], $0xffff  }
0x15f: {  	s26 =	sadd.s32 $0x6, s25;
	v2 =	vadd.f32 v34, v2;
	v0 =	vadd.f32 v30, v0;
	v51 =	vld.idx.msk [tilespmem:v10+s16+$0x0], $0xffff;
	v10 =	vor.u32 s29, v57  }
0x160: {  	v44 =	vmov s26;
	v7 =	vadd.f32 v45, v7;
	v33 =	vor.u32 v25, v21;
	v37 =	vld.idx.msk [tilespmem:v52+s16+$0x0], $0xffff;
	[tilespmem:$0x1FBB0] =	vst v9  }
0x161: {  	v61 =	vor.u32 $0x40, v44;
	v9 =	vld.idx.msk [tilespmem:v16+s16+$0x0], $0xffff;
	v16 =	vmov s28;
	[tilespmem:$0x1FB30] =	vst v8;
	v8 =	vor.u32 v27, v55  }
0x162: {  	v6 =	vadd.f32 v6, v2;
	v53 =	vor.u32 v24, v61;
	v59 =	vor.u32 $0x40, v16;
	[tilespmem:$0x1FB70] =	vst v8;
	v8 =	vld.idx.msk [tilespmem:v54+s16+$0x0], $0xffff  }
0x163: {  	v7 =	vadd.f32 v40, v7;
	v50 =	vmul.f32 v39, v32;
	v38 =	vor.u32 v24, v59;
	v54 =	vld.idx.msk [tilespmem:v31+s13+$0x0], $0xffff  }
0x164: {  	v47 =	vor.u32 v14, v21;
	v44 =	vor.u32 v3, v61;
	v39 =	vld.idx.msk [tilespmem:v10+s13+$0x0], $0xffff;
	v10 =	vor.u32 v3, v59  }
0x165: {  	v19 =	vadd.f32 v19, v60;
	v63 =	vld.idx.msk [tilespmem:v33+s16+$0x0], $0xffff;
	[tilespmem:$0x1FBF0] =	vst v10;
	v10 =	vor.u32 v28, v59  }
0x166: {  	v40 =	vor.u32 s25, v57;
	v60 =	vor.u32 v29, v55;
	v31 =	vld.idx.msk [tilespmem:v43+s13+$0x0], $0xffff;
	[tilespmem:$0x1FC00] =	vst v10;
	v10 =	vor.u32 v29, v59  }
0x167: {  	s30 =	sadd.s32 $0x7, s25;
	v33 =	vor.u32 s26, v57;
	v32 =	vld.idx.msk [tilespmem:v53+s16+$0x0], $0xffff;
	v53 =	vmov s25;
	[tilespmem:$0x1FC20] =	vst v10;
	v10 =	vor.u32 v14, v61  }
0x168: {  	v43 =	vmov s30;
	v35 =	vor.u32 $0x40, v53;
	v58 =	vld.idx.msk [tilespmem:v38+s16+$0x0], $0xffff;
	[tilespmem:$0x1FC10] =	vst v10;
	v10 =	vor.u32 v29, v61  }
0x169: {  	v62 =	vld.idx.msk [tilespmem:v47+s16+$0x0], $0xffff;
	v52 =	vor.u32 $0x40, v43;
	v34 =	vor.u32 v3, v35;
	[tilespmem:$0x1FBE0] =	vst v10;
	v10 =	vor.u32 v28, v61  }
0x16a: {  	[tilespmem:$0x1FBC0] =	vst v10;
	v10 =	vor.u32 v3, v52;
	v3 =	vld.idx.msk [tilespmem:v4+s16+$0x0], $0xffff;
	v4 =	vmul.f32 v56, v39  }
0x16b: {  	v0 =	vadd.f32 v20, v0;
	v56 =	vmul.f32 v5, v54;
	v5 =	vmul.f32 v9, v54;
	v9 =	vld [tilespmem:$0x1FB40]  }
0x16c: {  	v22 =	vor.u32 v14, v49;
	v21 =	vor.u32 v24, v21;
	v20 =	vor.u32 v25, v61;
	v33 =	vld.idx.msk [tilespmem:v33+s13+$0x0], $0xffff  }
0x16d: {  	v16 =	vor.u32 v25, v59;
	v38 =	vor.u32 s30, v57;
	v2 =	vmul.f32 v58, v31;
	v58 =	vld.idx.msk [tilespmem:v40+s13+$0x0], $0xffff  }
0x16e: {  	v45 =	vor.u32 v25, v52;
	v47 =	vor.u32 v24, v52;
	v42 =	vor.u32 v29, v35;
	v34 =	vld.idx.msk [tilespmem:v34+s16+$0x0], $0xffff  }
0x16f: {  	v53 =	vld.idx.msk [tilespmem:v60+s16+$0x0], $0xffff;
	v60 =	vor.u32 v25, v35;
	v30 =	vor.u32 v24, v35;
	v1 =	vor.u32 v27, v35  }
0x170: {  	v24 =	vmul.f32 v63, v39;
	v63 =	vor.u32 v14, v35;
	v25 =	vmul.f32 v9, v41;
	v9 =	vld [tilespmem:$0x1FB50]  }
0x171: {  	v15 =	vor.u32 v27, v61;
	v40 =	vor.u32 v14, v52;
	v61 =	vor.u32 v14, v59;
	v14 =	vld [tilespmem:$0x1FB80]  }
0x172: {  	v26 =	vmul.f32 v32, v33;
	v32 =	vld.idx.msk [tilespmem:v38+s13+$0x0], $0xffff  }
0x173: {  	v18 =	vadd.f32 v50, v18;
	v38 =	vld.idx.msk [tilespmem:v42+s16+$0x0], $0xffff;
	v34 =	vmul.f32 v34, v58  }
0x174: {  	v42 =	vld.idx.msk [tilespmem:v1+s16+$0x0], $0xffff;
	[tilespmem:$0x1FC30] =	vst v4;
	v4 =	vmul.f32 v53, v41  }
0x175: {  	v53 =	vmul.f32 v8, v41;
	v8 =	vld.idx.msk [tilespmem:v63+s16+$0x0], $0xffff;
	v18 =	vadd.f32 v34, v18;
	v63 =	vmul.f32 v9, v23  }
0x176: {  	v21 =	vld.idx.msk [tilespmem:v21+s16+$0x0], $0xffff  }
0x177: {  	v60 =	vld.idx.msk [tilespmem:v60+s16+$0x0], $0xffff;
	v18 =	vadd.f32 v63, v18  }
0x178: {  	v1 =	vld [tilespmem:$0x1FB30]  }
0x179: {  	v34 =	vmul.f32 v42, v58;
	v42 =	vadd.f32 v25, v18;
	v25 =	vld.idx.msk [tilespmem:v14+s16+$0x0], $0xffff  }
0x17a: {  	v14 =	vld [tilespmem:$0x1FBA0]  }
0x17b: {  	v12 =	vor.u32 v28, v49;
	_ =	sdelay $0x2  }
0x17c: {  	v13 =	vor.u32 v27, v49;
	v0 =	vadd.f32 v48, v0;
	v48 =	vmul.f32 v21, v39;
	v21 =	vld.idx.msk [tilespmem:v30+s16+$0x0], $0xffff  }
0x17d: {  	v30 =	vor.u32 v29, v49;
	v49 =	vmul.f32 v1, v41;
	v1 =	vmul.f32 v60, v58;
	v9 =	vld [tilespmem:$0x1FB60]  }
0x17e: {  	v12 =	vld.idx.msk [tilespmem:v12+s16+$0x0], $0xffff  }
0x17f: {  	v1 =	vadd.f32 v1, v11;
	v11 =	vld.idx.msk [tilespmem:v16+s16+$0x0], $0xffff  }
0x180: {  	v16 =	vld.idx.msk [tilespmem:v14+s16+$0x0], $0xffff  }
0x181: {  	v14 =	vld [tilespmem:$0x1FBB0]  }
0x182: {  	v9 =	vmul.f32 v9, v23  }
0x183: {  	v17 =	vmul.f32 v17, v41;
	v43 =	vmul.f32 v37, v39  }
0x184: {  	v37 =	vor.u32 v28, v35;
	v21 =	vmul.f32 v21, v58;
	v9 =	vadd.f32 v9, v1;
	_ =	sdelay $0x1  }
0x185: {  	v9 =	vadd.f32 v17, v9;
	v17 =	vadd.f32 v21, v14;
	v21 =	vmul.f32 v12, v23;
	v12 =	vld [tilespmem:$0x1FBD0];
	_ =	sdelay $0x2  }
0x186: {  	v37 =	vld.idx.msk [tilespmem:v37+s16+$0x0], $0xffff;
	_ =	sdelay $0x3  }
0x187: {  	v22 =	vld.idx.msk [tilespmem:v22+s16+$0x0], $0xffff;
	v38 =	vmul.f32 v38, v58  }
0x188: {  	v8 =	vmul.f32 v8, v58;
	v37 =	vmul.f32 v37, v58;
	v58 =	vld.idx.msk [tilespmem:v12+s16+$0x0], $0xffff  }
0x189: {  	v12 =	vadd.f32 v5, v42;
	v5 =	vld [tilespmem:$0x1FBF0]  }
0x18a: {  	v13 =	vld.idx.msk [tilespmem:v13+s16+$0x0], $0xffff  }
0x18b: {  	v1 =	vld [tilespmem:$0x1FB70];
	_ =	sdelay $0x2  }
0x18c: {  	v22 =	vmul.f32 v22, v23;
	v8 =	vadd.f32 v8, v19  }
0x18d: {  	v13 =	vmul.f32 v13, v23;
	v6 =	vadd.f32 v34, v6  }
0x18e: {  	v0 =	vadd.f32 v37, v0;
	v22 =	vadd.f32 v22, v8;
	v8 =	vld [tilespmem:$0x1FB90]  }
0x18f: {  	v6 =	vadd.f32 v13, v6;
	v13 =	vld.idx.msk [tilespmem:v5+s16+$0x0], $0xffff  }
0x190: {  	v5 =	vadd.f32 v21, v0;
	v0 =	vld [tilespmem:$0x1FC00]  }
0x191: {  	v19 =	vld.idx.msk [tilespmem:v1+s16+$0x0], $0xffff  }
0x192: {  	v46 =	vld.idx.msk [tilespmem:v46+s16+$0x0], $0xffff;
	_ =	sdelay $0x1  }
0x193: {  	v8 =	vmul.f32 v8, v54;
	_ =	sdelay $0x1  }
0x194: {  	v8 =	vadd.f32 v8, v9;
	v9 =	vmul.f32 v19, v41  }
0x195: {  	v35 =	vmul.f32 v46, v39;
	v46 =	vmul.f32 v62, v39;
	v30 =	vld.idx.msk [tilespmem:v30+s16+$0x0], $0xffff  }
0x196: {  	v50 =	vmul.f32 v36, v39;
	v39 =	vor.u32 v28, v55;
	v9 =	vadd.f32 v9, v6;
	v6 =	vld.idx.msk [tilespmem:v0+s16+$0x0], $0xffff  }
0x197: {  	v55 =	vor.u32 v27, v59;
	v0 =	vld [tilespmem:$0x1FC20];
	_ =	sdelay $0x1  }
0x198: {  	v3 =	vmul.f32 v3, v23;
	v7 =	vadd.f32 v38, v7;
	v38 =	vld [tilespmem:$0x1FBC0]  }
0x199: {  	p0 =	slt.u32 s31, $0x38;
	v36 =	vmul.f32 v51, v54;
	v51 =	vor.u32 v28, v52;
	v34 =	vld [tilespmem:$0x1FC10]  }
.Ltmp1:
0x19a: {  	v59 =	vor.u32 v27, v52;
	v11 =	vmul.f32 v11, v31;
	v18 =	vld.idx.msk [tilespmem:v39+s16+$0x0], $0xffff;
	v3 =	vadd.f32 v3, v17;
	(pc) =	sbr.rel @p0 .LBB2_5-.Ltmp1, $4  }
0x19b: {  	v60 =	vmovc v24;
	v39 =	vmov v10;
	v22 =	vadd.f32 v53, v22;
	v23 =	vmul.f32 v30, v23;
	v17 =	vld.idx.msk [tilespmem:v55+s16+$0x0], $0xffff  }
0x19c: {  	v63 =	vmul.f32 v25, v54;
	v1 =	vor.u32 v29, v52;
	v19 =	vld.idx.msk [tilespmem:v61+s16+$0x0], $0xffff;
	v3 =	vadd.f32 v49, v3  }
0x19d: {  	s24 =	sadd.s32 $0x8, s31;
	v29 =	vmovc v15;
	v52 =	vmovc v26;
	v10 =	vmul.f32 v16, v54;
	v16 =	vadd.f32 v23, v7;
	v61 =	vmov v43;
	v42 =	vld [tilespmem:$0x1FBE0]  }
0x19e: {  	s31 =	smov.u32 s24;
	v58 =	vmul.f32 v58, v54;
	v21 =	vadd.f32 v63, v22;
	v22 =	vadd.f32 v36, v3;
	v7 =	vld.idx.msk [tilespmem:v0+s16+$0x0], $0xffff  }
0x19f: {  	_ =	sdelay $0x3  }
0x1a0: {  	v0 =	vld.idx.msk [tilespmem:v20+s16+$0x0], $0xffff;
	v20 =	vadd.f32 v48, v22  }
0x1a1: {  	v22 =	vld.idx.msk [tilespmem:v34+s16+$0x0], $0xffff  }
0x1a2: {  	v4 =	vadd.f32 v4, v16;
	v2 =	vadd.f32 v2, v20;
	v20 =	vld.idx.msk [tilespmem:v47+s16+$0x0], $0xffff  }
0x1a3: {  	v8 =	vadd.f32 v60, v8;
	v9 =	vadd.f32 v10, v9;
	v10 =	vld.idx.msk [tilespmem:v38+s16+$0x0], $0xffff  }
0x1a4: {  	v16 =	vmul.f32 v17, v31;
	v17 =	vld.idx.msk [tilespmem:v45+s16+$0x0], $0xffff;
	v4 =	vadd.f32 v56, v4  }
0x1a5: {  	v21 =	vadd.f32 v46, v21;
	v19 =	vmul.f32 v19, v31;
	v8 =	vadd.f32 v11, v8  }
0x1a6: {  	v4 =	vadd.f32 v61, v4;
	v7 =	vmul.f32 v7, v31;
	v0 =	vmul.f32 v0, v33  }
0x1a7: {  	v15 =	vld.idx.msk [tilespmem:v42+s16+$0x0], $0xffff;
	v2 =	vadd.f32 v52, v2;
	v11 =	vmul.f32 v22, v33;
	v20 =	vmul.f32 v20, v32  }
0x1a8: {  	v22 =	vld.idx.msk [tilespmem:v40+s16+$0x0], $0xffff;
	v4 =	vadd.f32 v7, v4;
	v7 =	vmul.f32 v10, v33;
	v10 =	vadd.f32 v19, v21  }
0x1a9: {  	v23 =	vld.idx.msk [tilespmem:v29+s16+$0x0], $0xffff;
	v17 =	vmul.f32 v17, v32;
	v0 =	vadd.f32 v0, v8;
	v2 =	vadd.f32 v20, v2  }
0x1aa: {  	v18 =	vmul.f32 v18, v41;
	v1 =	vld.idx.msk [tilespmem:v1+s16+$0x0], $0xffff  }
0x1ab: {  	v0 =	vadd.f32 v17, v0;
	[tilespmem:$0x1FAC0] =	vst v2;
	v2 =	vadd.f32 v11, v10;
	v10 =	vld [tilespmem:$0x1FC30]  }
0x1ac: {  	v3 =	vld.idx.msk [tilespmem:v44+s16+$0x0], $0xffff;
	v12 =	vadd.f32 v50, v12;
	v13 =	vmul.f32 v13, v31;
	v5 =	vadd.f32 v18, v5  }
0x1ad: {  	v8 =	vld.idx.msk [tilespmem:v59+s16+$0x0], $0xffff;
	v15 =	vmul.f32 v15, v33;
	[tilespmem:$0x1FAD0] =	vst v0;
	v0 =	vmul.f32 v22, v32  }
0x1ae: {  	v6 =	vmul.f32 v6, v31;
	v9 =	vadd.f32 v35, v9;
	v5 =	vadd.f32 v58, v5  }
0x1af: {  	v18 =	vld.idx.msk [tilespmem:v39+s16+$0x0], $0xffff;
	v1 =	vmul.f32 v1, v32;
	v0 =	vadd.f32 v0, v2;
	v2 =	vadd.f32 v15, v4  }
0x1b0: {  	v9 =	vadd.f32 v16, v9;
	v23 =	vmul.f32 v23, v33;
	v5 =	vadd.f32 v10, v5  }
0x1b1: {  	v3 =	vmul.f32 v3, v33;
	v19 =	vld.idx.msk [tilespmem:v51+s16+$0x0], $0xffff;
	v1 =	vadd.f32 v1, v2;
	v10 =	vadd.f32 v13, v12  }
0x1b2: {  	v4 =	vmul.f32 v8, v32;
	[tilespmem:$0x1FAE0] =	vst v0;
	v0 =	vadd.f32 v6, v5;
	v5 =	vadd.f32 v23, v9;
	_ =	sdelay $0x1  }
0x1b3: {  	v11 =	vmul.f32 v18, v32;
	[tilespmem:$0x1FAF0] =	vst v1;
	v3 =	vadd.f32 v3, v10;
	v1 =	vadd.f32 v4, v5  }
0x1b4: {  	v2 =	vld [tilespmem:$0x1FFE0]  }
0x1b5: {  	v6 =	vmul.f32 v19, v32;
	v0 =	vadd.f32 v7, v0;
	[tilespmem:$0x1FB00] =	vst v1;
	v1 =	vadd.f32 v11, v3;
	v3 =	vld [tilespmem:$0x1FF00]  }
0x1b6: {  	s1 =	simm.s32 $0x1  }
0x1b7: {  	v63 =	vor.u32 s1, v57;
	v0 =	vadd.f32 v6, v0  }
0x1b8: {  	s26 =	simm.s32 $0x3  }
0x1b9: {  	s25 =	simm.s32 $0x2;
	v54 =	vor.u32 s26, v57;
	[tilespmem:$0x1FB20] =	vst v0;
	v0 =	vadd.s32 $0x680, v2  }
0x1ba: {  	v35 =	vor.u32 s25, v57;
	v0 =	vadd.s32 v0, v3  }
0x1bb: {  	s24 =	simm.s32 $0x0;
	[tilespmem:$0x1FC40] =	vst v0;
	v0 =	vadd.s32 $0x700, v2  }
0x1bc: {  	v60 =	vld.idx.msk [tilespmem:v63+s13+$0x0], $0xffff;
	v23 =	vor.u32 s24, v57;
	v0 =	vadd.s32 v0, v3  }
0x1bd: {  	v29 =	vld [tilespmem:$0x1FC40];
	[tilespmem:$0x1FC50] =	vst v0;
	v0 =	vadd.s32 $0x780, v2  }
0x1be: {  	s28 =	simm.s32 $0x4;
	v28 =	vld.idx.msk [tilespmem:v54+s13+$0x0], $0xffff;
	[tilespmem:$0x1FB10] =	vst v1;
	v1 =	vadd.s32 $0x800, v2;
	v0 =	vadd.s32 v0, v3  }
0x1bf: {  	v16 =	vmov s28;
	v44 =	vld.idx.msk [tilespmem:v35+s13+$0x0], $0xffff;
	[tilespmem:$0x1FC60] =	vst v0;
	v0 =	vadd.s32 v1, v3  }
0x1c0: {  	v16 =	vor.u32 $0x40, v16;
	v22 =	vmov s24;
	v30 =	vld [tilespmem:$0x1FC50];
	[tilespmem:$0x1FC70] =	vst v0;
	v0 =	vadd.s32 $0x880, v2  }
0x1c1: {  	v22 =	vor.u32 $0x40, v22;
	v7 =	vmov s26;
	v23 =	vld.idx.msk [tilespmem:v23+s13+$0x0], $0xffff;
	v0 =	vadd.s32 v0, v3  }
0x1c2: {  	v7 =	vor.u32 $0x40, v7;
	v31 =	vld [tilespmem:$0x1FC60];
	v17 =	vor.u32 v29, v16;
	[tilespmem:$0x1FC80] =	vst v0;
	v0 =	vadd.s32 $0x900, v2  }
0x1c3: {  	v1 =	vadd.s32 $0x980, v2;
	v32 =	vld [tilespmem:$0x1FC70];
	v36 =	vor.u32 v29, v22;
	v0 =	vadd.s32 v0, v3  }
0x1c4: {  	v48 =	vor.u32 v29, v7;
	v33 =	vld [tilespmem:$0x1FC80];
	[tilespmem:$0x1FC90] =	vst v0;
	v0 =	vadd.s32 v1, v3  }
0x1c5: {  	v19 =	vor.u32 v30, v16;
	v3 =	vmov s25;
	[tilespmem:$0x1FCA0] =	vst v0;
	v15 =	vld [tilespmem:$0x1FC90]  }
0x1c6: {  	v37 =	vor.u32 v30, v22;
	v4 =	vor.u32 $0x40, v3;
	v34 =	vld [tilespmem:$0x1FCA0]  }
0x1c7: {  	v0 =	vmov s1;
	v3 =	vor.u32 v29, v4;
	v17 =	vld.idx.msk [tilespmem:v17+s16+$0x0], $0xffff  }
0x1c8: {  	v0 =	vor.u32 $0x40, v0;
	v6 =	vor.u32 v31, v4;
	v59 =	vld.idx.msk [tilespmem:v36+s16+$0x0], $0xffff  }
0x1c9: {  	v48 =	vld.idx.msk [tilespmem:v48+s16+$0x0], $0xffff;
	v2 =	vor.u32 v29, v0  }
0x1ca: {  	v8 =	vor.u32 v30, v4;
	v19 =	vld.idx.msk [tilespmem:v19+s16+$0x0], $0xffff  }
0x1cb: {  	v11 =	vor.u32 v31, v7;
	v37 =	vld.idx.msk [tilespmem:v37+s16+$0x0], $0xffff  }
0x1cc: {  	v20 =	vor.u32 v32, v16;
	v13 =	vld.idx.msk [tilespmem:v3+s16+$0x0], $0xffff  }
0x1cd: {  	v5 =	vld.idx.msk [tilespmem:v6+s16+$0x0], $0xffff;
	v6 =	vor.u32 s28, v57  }
0x1ce: {  	v9 =	vld.idx.msk [tilespmem:v2+s16+$0x0], $0xffff;
	v2 =	vor.u32 v34, v4  }
0x1cf: {  	v12 =	vor.u32 v15, v7;
	v8 =	vld.idx.msk [tilespmem:v8+s16+$0x0], $0xffff  }
0x1d0: {  	v3 =	vld.idx.msk [tilespmem:v11+s16+$0x0], $0xffff;
	v11 =	vor.u32 v33, v16  }
0x1d1: {  	v10 =	vor.u32 v30, v0;
	v20 =	vld.idx.msk [tilespmem:v20+s16+$0x0], $0xffff  }
0x1d2: {  	v39 =	vor.u32 v31, v0;
	v50 =	vor.u32 v32, v0;
	v21 =	vor.u32 v15, v16;
	v6 =	vld.idx.msk [tilespmem:v6+s13+$0x0], $0xffff  }
0x1d3: {  	s29 =	simm.s32 $0x5;
	v55 =	vor.u32 v33, v0;
	v45 =	vor.u32 v34, v0;
	v0 =	vor.u32 v15, v0;
	v18 =	vld.idx.msk [tilespmem:v2+s16+$0x0], $0xffff  }
0x1d4: {  	v47 =	vor.u32 s29, v57;
	v63 =	vmov s29;
	v2 =	vld.idx.msk [tilespmem:v12+s16+$0x0], $0xffff;
	v12 =	vor.u32 v34, v16  }
0x1d5: {  	v49 =	vor.u32 v30, v7;
	v1 =	vimm.f32 $0.0e+00;
	v11 =	vld.idx.msk [tilespmem:v11+s16+$0x0], $0xffff;
	v16 =	vor.u32 v31, v16  }
0x1d6: {  	v58 =	vor.u32 v31, v22;
	v46 =	vor.u32 v32, v4;
	v26 =	vor.u32 v32, v7;
	v10 =	vld.idx.msk [tilespmem:v10+s16+$0x0], $0xffff  }
0x1d7: {  	v24 =	vor.u32 v32, v22;
	v53 =	vor.u32 v15, v22;
	v25 =	vor.u32 v34, v22;
	v21 =	vld.idx.msk [tilespmem:v21+s16+$0x0], $0xffff  }
0x1d8: {  	s28 =	simm.s32 $0x6;
	v14 =	vor.u32 v34, v7;
	v7 =	vor.u32 v33, v7;
	v37 =	vmul.f32 v37, v23;
	v0 =	vld.idx.msk [tilespmem:v0+s16+$0x0], $0xffff  }
0x1d9: {  	v42 =	vmov s28;
	v13 =	vmul.f32 v13, v44;
	v8 =	vmul.f32 v8, v44;
	v12 =	vld.idx.msk [tilespmem:v12+s16+$0x0], $0xffff  }
0x1da: {  	v43 =	vmul.f32 v19, v6;
	v19 =	vor.u32 v33, v22;
	v11 =	vmul.f32 v11, v6;
	v16 =	vld.idx.msk [tilespmem:v16+s16+$0x0], $0xffff  }
0x1db: {  	v62 =	vor.u32 $0x40, v42;
	v36 =	vmul.f32 v20, v6;
	v20 =	vld.idx.msk [tilespmem:v58+s16+$0x0], $0xffff;
	v22 =	vmul.f32 v59, v23  }
0x1dc: {  	v40 =	vor.u32 v34, v62;
	v9 =	vmul.f32 v9, v60;
	v56 =	vmul.f32 v17, v6;
	v17 =	vld.idx.msk [tilespmem:v24+s16+$0x0], $0xffff  }
0x1dd: {  	v54 =	vor.u32 s28, v57;
	v10 =	vmul.f32 v10, v60;
	[tilespmem:$0x1FAB0] =	vst v11;
	v11 =	vld.idx.msk [tilespmem:v25+s16+$0x0], $0xffff;
	v22 =	vadd.f32 v22, v1  }
0x1de: {  	v42 =	vor.u32 v32, v62;
	v35 =	vmul.f32 v21, v6;
	v52 =	vmul.f32 v12, v6;
	v12 =	vld.idx.msk [tilespmem:v53+s16+$0x0], $0xffff  }
0x1df: {  	v21 =	vor.u32 $0x40, v63;
	v9 =	vadd.f32 v9, v22;
	v53 =	vmul.f32 v16, v6;
	v6 =	vld.idx.msk [tilespmem:v19+s16+$0x0], $0xffff  }
0x1e0: {  	v24 =	vld.idx.msk [tilespmem:v45+s16+$0x0], $0xffff;
	v59 =	vor.u32 v31, v62;
	v45 =	vor.u32 v33, v62;
	v0 =	vmul.f32 v0, v60  }
0x1e1: {  	v51 =	vor.u32 v30, v21;
	v61 =	vor.u32 v15, v21;
	v9 =	vadd.f32 v13, v9;
	v13 =	vld.idx.msk [tilespmem:v49+s16+$0x0], $0xffff  }
0x1e2: {  	v41 =	vor.u32 v32, v21;
	v25 =	vld.idx.msk [tilespmem:v50+s16+$0x0], $0xffff;
	v20 =	vmul.f32 v20, v23;
	v16 =	vadd.f32 v37, v1  }
0x1e3: {  	v46 =	vld.idx.msk [tilespmem:v46+s16+$0x0], $0xffff;
	v17 =	vmul.f32 v17, v23;
	v19 =	vor.u32 v31, v21;
	v11 =	vmul.f32 v11, v23  }
0x1e4: {  	v10 =	vadd.f32 v10, v16;
	v12 =	vmul.f32 v12, v23;
	v6 =	vmul.f32 v6, v23;
	v23 =	vld.idx.msk [tilespmem:v39+s16+$0x0], $0xffff  }
0x1e5: {  	v22 =	vor.u32 v29, v21;
	v58 =	vmul.f32 v24, v60;
	v37 =	vld.idx.msk [tilespmem:v47+s13+$0x0], $0xffff;
	v47 =	vor.u32 v15, v62  }
0x1e6: {  	v27 =	vld.idx.msk [tilespmem:v26+s16+$0x0], $0xffff;
	v17 =	vadd.f32 v17, v1;
	v8 =	vadd.f32 v8, v10;
	v10 =	vmul.f32 v13, v28  }
0x1e7: {  	s30 =	simm.s32 $0x7;
	v63 =	vld.idx.msk [tilespmem:v55+s16+$0x0], $0xffff;
	v38 =	vmul.f32 v25, v60;
	v20 =	vadd.f32 v20, v1;
	v25 =	vmul.f32 v48, v28  }
0x1e8: {  	v50 =	vld.idx.msk [tilespmem:v7+s16+$0x0], $0xffff;
	v11 =	vadd.f32 v11, v1;
	v10 =	vadd.f32 v10, v8;
	v8 =	vor.u32 s30, v57  }
0x1e9: {  	v19 =	vld.idx.msk [tilespmem:v19+s16+$0x0], $0xffff;
	v13 =	vadd.f32 v38, v17;
	v17 =	vor.u32 v15, v4;
	v23 =	vmul.f32 v23, v60  }
0x1ea: {  	v48 =	vor.u32 v29, v62;
	v11 =	vadd.f32 v58, v11;
	v39 =	vld.idx.msk [tilespmem:v54+s13+$0x0], $0xffff;
	v4 =	vor.u32 v33, v4  }
0x1eb: {  	v20 =	vadd.f32 v23, v20;
	v23 =	vmul.f32 v18, v44;
	v18 =	vadd.f32 v25, v9;
	v9 =	vld.idx.msk [tilespmem:v14+s16+$0x0], $0xffff  }
0x1ec: {  	v14 =	vadd.f32 v12, v1;
	v1 =	vadd.f32 v6, v1;
	v6 =	vld.idx.msk [tilespmem:v59+s16+$0x0], $0xffff;
	v12 =	vmul.f32 v5, v44  }
0x1ed: {  	v16 =	vor.u32 v33, v21;
	v38 =	vld.idx.msk [tilespmem:v8+s13+$0x0], $0xffff;
	v8 =	vmul.f32 v63, v60;
	v60 =	vmul.f32 v50, v28  }
0x1ee: {  	v11 =	vadd.f32 v23, v11;
	v23 =	vld.idx.msk [tilespmem:v17+s16+$0x0], $0xffff;
	v17 =	vor.u32 v34, v21;
	v5 =	vadd.f32 v12, v20  }
0x1ef: {  	v24 =	vld.idx.msk [tilespmem:v51+s16+$0x0], $0xffff;
	v20 =	vmul.f32 v46, v44;
	v7 =	vadd.f32 v8, v1;
	v1 =	vmul.f32 v19, v37  }
0x1f0: {  	v12 =	vmov s30;
	v21 =	vld.idx.msk [tilespmem:v4+s16+$0x0], $0xffff;
	v4 =	vmul.f32 v3, v28;
	v3 =	vmul.f32 v2, v28  }
0x1f1: {  	v19 =	vmul.f32 v27, v28;
	v25 =	vor.u32 $0x40, v12;
	v12 =	vadd.f32 v20, v13  }
0x1f2: {  	v8 =	vld.idx.msk [tilespmem:v61+s16+$0x0], $0xffff;
	v51 =	vor.u32 v30, v25;
	v54 =	vor.u32 v31, v25;
	v29 =	vor.u32 v29, v25  }
0x1f3: {  	v20 =	vadd.f32 v0, v14;
	v9 =	vmul.f32 v9, v28;
	v46 =	vmul.f32 v6, v39;
	v6 =	vld.idx.msk [tilespmem:v16+s16+$0x0], $0xffff  }
0x1f4: {  	v63 =	vor.u32 v34, v25;
	v58 =	vor.u32 v33, v25;
	v2 =	vor.u32 v15, v25;
	v17 =	vld.idx.msk [tilespmem:v17+s16+$0x0], $0xffff  }
0x1f5: {  	v16 =	vmul.f32 v24, v37;
	v55 =	vadd.f32 v9, v11;
	v13 =	vmul.f32 v23, v44;
	v11 =	vld.idx.msk [tilespmem:v22+s16+$0x0], $0xffff  }
0x1f6: {  	s31 =	simm.s32 $0x8;
	v23 =	vor.u32 v30, v62;
	v9 =	vld.idx.msk [tilespmem:v41+s16+$0x0], $0xffff;
	v22 =	vadd.f32 v4, v5;
	v4 =	vor.u32 v32, v25  }
.LBB2_7:
0x1f7: {  	v31 =	vld [tilespmem:$0x1FC40];
	_ =	sdelay $0x1  }
0x1f8: {  	s1 =	sadd.s32 $0x1, s31  }
0x1f9: {  	v0 =	vmul.f32 v21, v44;
	v21 =	vmov s1  }
0x1fa: {  	v41 =	vadd.f32 v52, v55;
	v55 =	vor.u32 $0x40, v21  }
0x1fb: {  	v34 =	vld [tilespmem:$0x1FC50];
	v26 =	vor.u32 v31, v55;
	_ =	sdelay $0x1  }
0x1fc: {  	v5 =	vadd.f32 v56, v18;
	v18 =	vld.idx.msk [tilespmem:v23+s16+$0x0], $0xffff  }
0x1fd: {  	s29 =	sadd.s32 $0x4, s31;
	v24 =	vld.idx.msk [tilespmem:v48+s16+$0x0], $0xffff;
	v22 =	vadd.f32 v53, v22  }
0x1fe: {  	v25 =	vld.idx.msk [tilespmem:v47+s16+$0x0], $0xffff;
	v21 =	vmov s29  }
0x1ff: {  	v22 =	vadd.f32 v1, v22;
	v52 =	vor.u32 $0x40, v21;
	v21 =	vor.u32 v34, v55;
	v1 =	vld.idx.msk [tilespmem:v26+s16+$0x0], $0xffff  }
0x200: {  	v48 =	vld [tilespmem:$0x1FC70]  }
0x201: {  	s25 =	smov.u32 s31;
	v15 =	vld [tilespmem:$0x1FC90]  }
0x202: {  	v32 =	vld [tilespmem:$0x1FC60];
	v14 =	vor.u32 s1, v57;
	s1 =	sadd.s32 $0x2, s25  }
0x203: {  	v50 =	vld [tilespmem:$0x1FCA0];
	v56 =	vmov s1  }
0x204: {  	v62 =	vor.u32 $0x40, v56;
	[tilespmem:$0x1F9C0] =	vst v1;
	v1 =	vld.idx.msk [tilespmem:v21+s16+$0x0], $0xffff  }
0x205: {  	v53 =	vld.idx.msk [tilespmem:v54+s16+$0x0], $0xffff;
	v44 =	vmul.f32 v9, v37;
	v9 =	vadd.f32 v13, v20;
	v13 =	vor.u32 v31, v62  }
0x206: {  	v49 =	vmul.f32 v17, v37;
	v17 =	vld.idx.msk [tilespmem:v40+s16+$0x0], $0xffff  }
0x207: {  	v42 =	vld.idx.msk [tilespmem:v42+s16+$0x0], $0xffff  }
0x208: {  	v10 =	vadd.f32 v43, v10;
	v33 =	vmul.f32 v11, v37;
	v11 =	vld.idx.msk [tilespmem:v45+s16+$0x0], $0xffff  }
0x209: {  	s30 =	sadd.s32 $0x3, s31;
	v12 =	vadd.f32 v19, v12;
	v20 =	vld.idx.msk [tilespmem:v51+s16+$0x0], $0xffff;
	[tilespmem:$0x1F9D0] =	vst v1;
	v1 =	vor.u32 v32, v55  }
0x20a: {  	v23 =	vmov s30;
	v10 =	vadd.f32 v16, v10;
	v19 =	vor.u32 v32, v62;
	[tilespmem:$0x1F990] =	vst v1;
	v1 =	vld.idx.msk [tilespmem:v13+s16+$0x0], $0xffff  }
0x20b: {  	v23 =	vor.u32 $0x40, v23;
	v49 =	vadd.f32 v49, v41;
	v47 =	vld.idx.msk [tilespmem:v29+s16+$0x0], $0xffff;
	v9 =	vadd.f32 v3, v9  }
0x20c: {  	v8 =	vmul.f32 v8, v37;
	v29 =	vmul.f32 v6, v37;
	v37 =	vld.idx.msk [tilespmem:v58+s16+$0x0], $0xffff;
	v28 =	vor.u32 v34, v23  }
0x20d: {  	s28 =	sadd.s32 $0x5, s25;
	v18 =	vmul.f32 v18, v39;
	v45 =	vor.u32 v15, v23;
	v40 =	vadd.f32 v35, v9;
	v35 =	vld [tilespmem:$0x1FC80]  }
0x20e: {  	v59 =	vmul.f32 v53, v38;
	v53 =	vor.u32 s28, v57;
	v56 =	vmul.f32 v42, v39;
	v42 =	vld.idx.msk [tilespmem:v2+s16+$0x0], $0xffff  }
0x20f: {  	v25 =	vmul.f32 v25, v39;
	v21 =	vor.u32 v34, v62;
	[tilespmem:$0x1F9B0] =	vst v1;
	v1 =	vld.idx.msk [tilespmem:v19+s16+$0x0], $0xffff  }
0x210: {  	v0 =	vadd.f32 v0, v7;
	v61 =	vor.u32 v50, v62;
	v26 =	vadd.f32 v36, v12;
	v12 =	vld.idx.msk [tilespmem:v63+s16+$0x0], $0xffff  }
0x211: {  	v24 =	vmul.f32 v24, v39;
	v22 =	vadd.f32 v46, v22;
	v30 =	vadd.f32 v18, v10;
	v18 =	vld.idx.msk [tilespmem:v28+s16+$0x0], $0xffff  }
0x212: {  	v43 =	vor.u32 v48, v52;
	v0 =	vadd.f32 v60, v0;
	v54 =	vmul.f32 v17, v39;
	v36 =	vld.idx.msk [tilespmem:v4+s16+$0x0], $0xffff  }
0x213: {  	v41 =	vmul.f32 v37, v38;
	v40 =	vadd.f32 v8, v40;
	v8 =	vor.u32 s29, v57;
	v37 =	vld.idx.msk [tilespmem:v53+s13+$0x0], $0xffff  }
0x214: {  	v27 =	vmul.f32 v20, v38;
	v19 =	vld.idx.msk [tilespmem:v21+s16+$0x0], $0xffff;
	v21 =	vor.u32 s30, v57;
	[tilespmem:$0x1F9A0] =	vst v1;
	v1 =	vor.u32 v48, v62  }
0x215: {  	v3 =	vld.idx.msk [tilespmem:v61+s16+$0x0], $0xffff;
	v46 =	vmul.f32 v12, v38;
	[tilespmem:$0x1F9F0] =	vst v1;
	v1 =	vor.u32 v35, v55  }
0x216: {  	v12 =	vld.idx.msk [tilespmem:v45+s16+$0x0], $0xffff;
	v45 =	vor.u32 v31, v52;
	[tilespmem:$0x1F9E0] =	vst v1;
	v1 =	vor.u32 v50, v23  }
0x217: {  	v20 =	vor.u32 v31, v23;
	v63 =	vor.u32 s1, v57;
	v60 =	vld.idx.msk [tilespmem:v43+s16+$0x0], $0xffff;
	[tilespmem:$0x1FA00] =	vst v1;
	v1 =	vor.u32 v48, v23  }
0x218: {  	v8 =	vld.idx.msk [tilespmem:v8+s13+$0x0], $0xffff;
	v13 =	vmul.f32 v11, v39;
	[tilespmem:$0x1FA10] =	vst v1;
	v1 =	vadd.f32 v59, v22;
	v22 =	vmov s28  }
0x219: {  	v11 =	vor.u32 v32, v23;
	v39 =	vor.u32 v34, v52;
	v61 =	vld.idx.msk [tilespmem:v21+s13+$0x0], $0xffff;
	v21 =	vor.u32 $0x40, v22  }
0x21a: {  	[tilespmem:$0x1FA20] =	vst v1;
	v1 =	vor.u32 v35, v23;
	v23 =	vmul.f32 v42, v38;
	v42 =	vor.u32 v32, v21  }
0x21b: {  	[tilespmem:$0x1F980] =	vst v5;
	v2 =	vld.idx.msk [tilespmem:v45+s16+$0x0], $0xffff;
	v45 =	vor.u32 v50, v52;
	v59 =	vor.u32 v15, v52  }
0x21c: {  	s26 =	sadd.s32 $0x6, s25;
	v6 =	vld [tilespmem:$0x1F980];
	[tilespmem:$0x1FA30] =	vst v1;
	v1 =	vmul.f32 v47, v38;
	v47 =	vor.u32 v35, v52;
	v52 =	vor.u32 v32, v52  }
0x21d: {  	v51 =	vmov s26;
	v26 =	vadd.f32 v44, v26;
	v44 =	vld.idx.msk [tilespmem:v63+s13+$0x0], $0xffff  }
0x21e: {  	v5 =	vor.u32 $0x40, v51;
	v58 =	vld.idx.msk [tilespmem:v39+s16+$0x0], $0xffff;
	s30 =	sadd.s32 $0x7, s25  }
0x21f: {  	v51 =	vor.u32 v32, v5;
	v54 =	vadd.f32 v54, v49;
	v49 =	vmov s30;
	v53 =	vld.idx.msk [tilespmem:v42+s16+$0x0], $0xffff  }
0x220: {  	v7 =	vor.u32 v35, v5;
	v39 =	vor.u32 s26, v57;
	v42 =	vld.idx.msk [tilespmem:v59+s16+$0x0], $0xffff;
	v59 =	vor.u32 $0x40, v49  }
0x221: {  	v25 =	vadd.f32 v25, v40;
	[tilespmem:$0x1FA60] =	vst v7;
	v40 =	vld.idx.msk [tilespmem:v52+s16+$0x0], $0xffff;
	v7 =	vor.u32 v31, v59  }
0x222: {  	v33 =	vadd.f32 v33, v6;
	v6 =	vor.u32 v48, v5;
	[tilespmem:$0x1FA40] =	vst v7;
	v7 =	vld [tilespmem:$0x1F990]  }
0x223: {  	[tilespmem:$0x1FA80] =	vst v6;
	v6 =	vadd.f32 v46, v54;
	v46 =	vor.u32 v15, v62;
	v52 =	vld [tilespmem:$0x1FAB0]  }
0x224: {  	v9 =	vld.idx.msk [tilespmem:v11+s16+$0x0], $0xffff  }
0x225: {  	v39 =	vld.idx.msk [tilespmem:v39+s13+$0x0], $0xffff  }
0x226: {  	v10 =	vor.u32 v31, v5;
	v36 =	vmul.f32 v36, v38;
	v28 =	vor.u32 s30, v57;
	v38 =	vld.idx.msk [tilespmem:v51+s16+$0x0], $0xffff  }
0x227: {  	v22 =	vadd.f32 v27, v30;
	v27 =	vld.idx.msk [tilespmem:v45+s16+$0x0], $0xffff;
	v25 =	vadd.f32 v23, v25;
	v23 =	vmov s25  }
0x228: {  	v45 =	vld.idx.msk [tilespmem:v46+s16+$0x0], $0xffff;
	v23 =	vor.u32 $0x40, v23;
	v0 =	vadd.f32 v52, v0;
	v52 =	vor.u32 s25, v57  }
0x229: {  	v26 =	vadd.f32 v56, v26;
	v4 =	vor.u32 v31, v21;
	v46 =	vor.u32 v34, v23;
	v30 =	vld.idx.msk [tilespmem:v47+s16+$0x0], $0xffff  }
0x22a: {  	[tilespmem:$0x1FA70] =	vst v4;
	v4 =	vor.u32 v35, v21;
	v56 =	vor.u32 v31, v23;
	v31 =	vld.idx.msk [tilespmem:v7+s16+$0x0], $0xffff  }
0x22b: {  	[tilespmem:$0x1FA90] =	vst v4;
	v4 =	vor.u32 v15, v21;
	v7 =	vmul.f32 v38, v39;
	v38 =	vld.idx.msk [tilespmem:v28+s13+$0x0], $0xffff  }
0x22c: {  	v24 =	vadd.f32 v24, v33;
	[tilespmem:$0x1FAA0] =	vst v4;
	v28 =	vmul.f32 v9, v61;
	v9 =	vld [tilespmem:$0x1F9A0]  }
0x22d: {  	v4 =	vor.u32 v50, v5;
	v49 =	vmul.f32 v58, v8;
	v58 =	vor.u32 v50, v23;
	v33 =	vld.idx.msk [tilespmem:v52+s13+$0x0], $0xffff  }
0x22e: {  	[tilespmem:$0x1FA50] =	vst v4;
	v4 =	vor.u32 v15, v5;
	v52 =	vmul.f32 v27, v8;
	v27 =	vld.idx.msk [tilespmem:v46+s16+$0x0], $0xffff  }
0x22f: {  	v47 =	vmov v4;
	v4 =	vld [tilespmem:$0x1F9D0];
	v0 =	vadd.f32 v29, v0  }
0x230: {  	v54 =	vor.u32 v32, v59;
	v29 =	vor.u32 v32, v23;
	v32 =	vld.idx.msk [tilespmem:v14+s13+$0x0], $0xffff  }
0x231: {  	v14 =	vmul.f32 v42, v8;
	v42 =	vld.idx.msk [tilespmem:v56+s16+$0x0], $0xffff;
	v0 =	vadd.f32 v13, v0  }
0x232: {  	v56 =	vmul.f32 v2, v8;
	v2 =	vld.idx.msk [tilespmem:v58+s16+$0x0], $0xffff  }
0x233: {  	v0 =	vadd.f32 v41, v0;
	v41 =	vmul.f32 v9, v44;
	v9 =	vld [tilespmem:$0x1F9B0];
	v27 =	vmul.f32 v27, v33;
	_ =	sdelay $0x1  }
0x234: {  	v16 =	vor.u32 v50, v55;
	v22 =	vadd.f32 v27, v22;
	v27 =	vmul.f32 v4, v32;
	v4 =	vld [tilespmem:$0x1F9E0]  }
0x235: {  	v60 =	vmul.f32 v60, v8;
	v24 =	vadd.f32 v1, v24;
	v1 =	vmul.f32 v53, v37  }
0x236: {  	v17 =	vor.u32 v48, v55;
	v30 =	vmul.f32 v30, v8;
	v2 =	vmul.f32 v2, v33  }
0x237: {  	v53 =	vmul.f32 v40, v8;
	v8 =	vor.u32 v15, v55;
	v55 =	vmul.f32 v9, v44;
	v9 =	vld [tilespmem:$0x1F9C0]  }
0x238: {  	v6 =	vadd.f32 v2, v6;
	v2 =	vld [tilespmem:$0x1F9F0];
	_ =	sdelay $0x1  }
0x239: {  	v26 =	vadd.f32 v36, v26;
	v43 =	vor.u32 v48, v23;
	v36 =	vor.u32 v15, v23  }
0x23a: {  	[tilespmem:$0x1FAB0] =	vst v30;
	v30 =	vor.u32 v35, v23;
	v23 =	vor.u32 v34, v5;
	v5 =	vld.idx.msk [tilespmem:v29+s16+$0x0], $0xffff  }
0x23b: {  	v29 =	vmul.f32 v31, v32;
	v31 =	vor.u32 v35, v62;
	v62 =	vmul.f32 v9, v32;
	v9 =	vld.idx.msk [tilespmem:v4+s16+$0x0], $0xffff  }
0x23c: {  	v16 =	vld.idx.msk [tilespmem:v16+s16+$0x0], $0xffff  }
0x23d: {  	v20 =	vld.idx.msk [tilespmem:v20+s16+$0x0], $0xffff  }
0x23e: {  	v51 =	vor.u32 v34, v59;
	v40 =	vld.idx.msk [tilespmem:v43+s16+$0x0], $0xffff  }
0x23f: {  	v63 =	vor.u32 v50, v59;
	v58 =	vor.u32 v35, v59;
	v22 =	vadd.f32 v27, v22;
	v27 =	vld.idx.msk [tilespmem:v2+s16+$0x0], $0xffff  }
0x240: {  	v4 =	vor.u32 v48, v59;
	v2 =	vor.u32 v15, v59;
	v59 =	vmul.f32 v9, v32;
	v9 =	vld [tilespmem:$0x1FA30]  }
0x241: {  	v17 =	vld.idx.msk [tilespmem:v17+s16+$0x0], $0xffff;
	_ =	sdelay $0x1  }
0x242: {  	v11 =	vor.u32 v34, v21;
	v13 =	vmul.f32 v45, v44;
	v45 =	vmul.f32 v3, v44  }
0x243: {  	v3 =	vmul.f32 v12, v61;
	v46 =	vor.u32 v50, v21;
	v16 =	vmul.f32 v16, v32;
	v35 =	vmovc v14  }
0x244: {  	v34 =	vmul.f32 v42, v33;
	v42 =	vor.u32 v48, v21;
	v14 =	vmul.f32 v40, v33;
	v48 =	vmovc v10;
	v10 =	vld [tilespmem:$0x1FA00]  }
0x245: {  	v12 =	vmul.f32 v20, v61;
	v20 =	vld.idx.msk [tilespmem:v36+s16+$0x0], $0xffff;
	v17 =	vmul.f32 v17, v32  }
0x246: {  	v30 =	vld.idx.msk [tilespmem:v30+s16+$0x0], $0xffff;
	v6 =	vadd.f32 v16, v6;
	v16 =	vmul.f32 v18, v61;
	v18 =	vadd.f32 v14, v26  }
0x247: {  	v36 =	vmov v60;
	v60 =	vld.idx.msk [tilespmem:v9+s16+$0x0], $0xffff  }
0x248: {  	v9 =	vadd.f32 v17, v18;
	v17 =	vld.idx.msk [tilespmem:v46+s16+$0x0], $0xffff  }
0x249: {  	v46 =	vmov v7;
	v7 =	vld [tilespmem:$0x1FA70];
	_ =	sdelay $0x1  }
0x24a: {  	v21 =	vadd.f32 v34, v24;
	v34 =	vld.idx.msk [tilespmem:v11+s16+$0x0], $0xffff  }
0x24b: {  	v11 =	vld.idx.msk [tilespmem:v10+s16+$0x0], $0xffff;
	_ =	sdelay $0x1  }
0x24c: {  	v30 =	vmul.f32 v30, v33  }
0x24d: {  	v10 =	vld [tilespmem:$0x1FA10]  }
0x24e: {  	v0 =	vadd.f32 v30, v0  }
0x24f: {  	v21 =	vadd.f32 v62, v21;
	v62 =	vmul.f32 v11, v61;
	v11 =	vld.idx.msk [tilespmem:v7+s16+$0x0], $0xffff  }
0x250: {  	v7 =	vadd.f32 v59, v0;
	v0 =	vld [tilespmem:$0x1FA90];
	_ =	sdelay $0x2  }
0x251: {  	v19 =	vmul.f32 v19, v44;
	_ =	sdelay $0x1  }
0x252: {  	v19 =	vadd.f32 v19, v22;
	v22 =	vld.idx.msk [tilespmem:v10+s16+$0x0], $0xffff  }
0x253: {  	v6 =	vadd.f32 v45, v6;
	v55 =	vadd.f32 v55, v21;
	v10 =	vld [tilespmem:$0x1FA20]  }
0x254: {  	v8 =	vld.idx.msk [tilespmem:v8+s16+$0x0], $0xffff  }
0x255: {  	v18 =	vadd.f32 v12, v55;
	v55 =	vadd.f32 v62, v6;
	v6 =	vld.idx.msk [tilespmem:v0+s16+$0x0], $0xffff  }
0x256: {  	v5 =	vmul.f32 v5, v33;
	v0 =	vld [tilespmem:$0x1FAA0];
	_ =	sdelay $0x1  }
0x257: {  	v40 =	vld [tilespmem:$0x1FA50];
	v5 =	vadd.f32 v5, v10  }
0x258: {  	p0 =	slt.u32 s31, $0x38;
	v20 =	vmul.f32 v20, v33;
	v45 =	vld [tilespmem:$0x1FA60]  }
.Ltmp2:
0x259: {  	v21 =	vld.idx.msk [tilespmem:v31+s16+$0x0], $0xffff;
	v10 =	vadd.f32 v16, v19;
	v19 =	vmul.f32 v27, v44;
	v5 =	vadd.f32 v29, v5;
	(pc) =	sbr.rel @p0 .LBB2_7-.Ltmp2, $4  }
0x25a: {  	v20 =	vadd.f32 v20, v25;
	v8 =	vmul.f32 v8, v32;
	v29 =	vld [tilespmem:$0x1FA40]  }
0x25b: {  	v12 =	vadd.f32 v19, v9;
	v9 =	vld.idx.msk [tilespmem:v42+s16+$0x0], $0xffff;
	v5 =	vadd.f32 v41, v5  }
0x25c: {  	s24 =	sadd.s32 $0x8, s31;
	v43 =	vmov v49;
	v20 =	vadd.f32 v8, v20;
	v60 =	vmul.f32 v60, v61;
	v42 =	vld [tilespmem:$0x1FA80]  }
0x25d: {  	s31 =	smov.u32 s24;
	v16 =	vmul.f32 v34, v37;
	v19 =	vmul.f32 v22, v61;
	v22 =	vadd.f32 v28, v5;
	v8 =	vld.idx.msk [tilespmem:v0+s16+$0x0], $0xffff  }
0x25e: {  	_ =	sdelay $0x3  }
0x25f: {  	v0 =	vld.idx.msk [tilespmem:v23+s16+$0x0], $0xffff  }
0x260: {  	v5 =	vld.idx.msk [tilespmem:v48+s16+$0x0], $0xffff  }
0x261: {  	v14 =	vld.idx.msk [tilespmem:v47+s16+$0x0], $0xffff  }
0x262: {  	v15 =	vld.idx.msk [tilespmem:v40+s16+$0x0], $0xffff  }
0x263: {  	v24 =	vld.idx.msk [tilespmem:v54+s16+$0x0], $0xffff  }
0x264: {  	v25 =	vld.idx.msk [tilespmem:v51+s16+$0x0], $0xffff  }
0x265: {  	v28 =	vld.idx.msk [tilespmem:v45+s16+$0x0], $0xffff  }
0x266: {  	v30 =	vld.idx.msk [tilespmem:v63+s16+$0x0], $0xffff  }
0x267: {  	v2 =	vld.idx.msk [tilespmem:v2+s16+$0x0], $0xffff  }
0x268: {  	v4 =	vld.idx.msk [tilespmem:v4+s16+$0x0], $0xffff  }
0x269: {  	v40 =	vld [tilespmem:$0x1FD00]  }
0x26a: {  	v41 =	vld [tilespmem:$0x1FCB0]  }
0x26b: {  	v10 =	vadd.f32 v43, v10;
	v43 =	vld [tilespmem:$0x1FD10]  }
0x26c: {  	v13 =	vadd.f32 v13, v20;
	v27 =	vmul.f32 v21, v44;
	v44 =	vld [tilespmem:$0x1FCE0]  }
0x26d: {  	v18 =	vadd.f32 v56, v18;
	v62 =	vadd.f32 v52, v55;
	v45 =	vld [tilespmem:$0x1FCD0]  }
0x26e: {  	v47 =	vld [tilespmem:$0x1FAD0];
	v22 =	vadd.f32 v53, v22;
	v12 =	vadd.f32 v19, v12  }
0x26f: {  	v48 =	vld [tilespmem:$0x1FAB0];
	v3 =	vadd.f32 v3, v13;
	v10 =	vadd.f32 v16, v10  }
0x270: {  	v11 =	vmul.f32 v11, v37;
	v7 =	vadd.f32 v27, v7;
	v12 =	vadd.f32 v36, v12;
	v36 =	vld [tilespmem:$0x1FCC0]  }
0x271: {  	v31 =	vld.idx.msk [tilespmem:v29+s16+$0x0], $0xffff;
	v1 =	vadd.f32 v1, v22;
	v3 =	vadd.f32 v35, v3;
	v8 =	vmul.f32 v8, v37  }
0x272: {  	s1 =	sshll.u32 s22, $0x7;
	v11 =	vadd.f32 v11, v18;
	v61 =	vld.idx.msk [tilespmem:v42+s16+$0x0], $0xffff;
	v7 =	vadd.f32 v60, v7;
	v0 =	vmul.f32 v0, v39  }
0x273: {  	s31 =	sand.u32 $0x70, s23;
	v34 =	vmul.f32 v17, v37;
	s24 =	sand.u32 $0xC00, s1;
	v42 =	vld [tilespmem:$0x1FCF0];
	v1 =	vadd.f32 v46, v1;
	v3 =	vadd.f32 v8, v3  }
0x274: {  	s22 =	sor.u32 s31, s24;
	v9 =	vmul.f32 v9, v37;
	v35 =	vld.idx.msk [tilespmem:v58+s16+$0x0], $0xffff;
	v8 =	vsub.f32 $0.0e+00, v41;
	v0 =	vadd.f32 v0, v10  }
0x275: {  	s24 =	sadd.s32 $0x18C00, s22;
	[tilespmem:s22+$0x18C00] =	vst v40;
	v15 =	vmul.f32 v15, v39;
	v46 =	vld [tilespmem:$0x1FB10];
	v10 =	vadd.f32 v34, v62;
	v17 =	vsub.f32 $0.0e+00, v36  }
0x276: {  	v49 =	vld [tilespmem:$0x1FAC0];
	v9 =	vadd.f32 v9, v12;
	[tilespmem:s24+$0x100] =	vst v8;
	v8 =	vsub.f32 $0.0e+00, v43  }
0x277: {  	v5 =	vmul.f32 v5, v39;
	v10 =	vadd.f32 v15, v10;
	v15 =	vsub.f32 $0.0e+00, v44;
	[tilespmem:s24+$0x80] =	vst v17  }
0x278: {  	v53 =	vld [tilespmem:$0x1FB20];
	v14 =	vmul.f32 v14, v39;
	v7 =	vadd.f32 v48, v7;
	v17 =	vsub.f32 $0.0e+00, v42;
	[tilespmem:s24+$0x200] =	vst v8  }
0x279: {  	v6 =	vmul.f32 v6, v37;
	v5 =	vadd.f32 v5, v11;
	v8 =	vsub.f32 $0.0e+00, v45;
	[tilespmem:s24+$0x280] =	vst v15  }
0x27a: {  	s1 =	sor.u32 s1, s23;
	v50 =	vmul.f32 v31, v38;
	v3 =	vadd.f32 v14, v3;
	v14 =	vsub.f32 $0.0e+00, v46;
	[tilespmem:s24+$0x180] =	vst v17  }
0x27b: {  	s1 =	sor.u32 $0x380, s1;
	v33 =	vmul.f32 v25, v38;
	v11 =	vsub.f32 $0.0e+00, v49;
	[tilespmem:s24+$0x300] =	vst v8;
	v8 =	vsub.f32 $0.0e+00, v47  }
0x27c: {  	v32 =	vmul.f32 v24, v38;
	v6 =	vadd.f32 v6, v7;
	v5 =	vadd.f32 v50, v5;
	[tilespmem:s1+$0x18C00] =	vst v14  }
0x27d: {  	v2 =	vmul.f32 v2, v38;
	v7 =	vsub.f32 $0.0e+00, v53;
	v0 =	vadd.f32 v33, v0;
	[tilespmem:s22+$0x19C00] =	vst v8  }
0x27e: {  	v51 =	vld [tilespmem:$0x1FB00];
	v58 =	vmul.f32 v30, v38;
	v1 =	vadd.f32 v32, v1;
	v5 =	vsub.f32 $0.0e+00, v5;
	[tilespmem:s22+$0x19C80] =	vst v11  }
0x27f: {  	v56 =	vld [tilespmem:$0x1FAE0];
	v52 =	vmul.f32 v61, v39;
	v2 =	vadd.f32 v2, v3;
	v0 =	vsub.f32 $0.0e+00, v0;
	[tilespmem:s22+$0x19D80] =	vst v7  }
0x280: {  	v54 =	vmul.f32 v28, v39;
	v1 =	vsub.f32 $0.0e+00, v1;
	v60 =	vadd.f32 v58, v10;
	[tilespmem:s22+$0x19F00] =	vst v5  }
0x281: {  	v4 =	vmul.f32 v4, v38;
	v9 =	vadd.f32 v52, v9;
	v62 =	vsub.f32 $0.0e+00, v2;
	[tilespmem:s22+$0x19F80] =	vst v0  }
0x282: {  	v55 =	vld [tilespmem:$0x1FAF0];
	v57 =	vmul.f32 v35, v38;
	v6 =	vadd.f32 v54, v6;
	v63 =	vsub.f32 $0.0e+00, v60;
	[tilespmem:s22+$0x1AC00] =	vst v1  }
0x283: {  	v4 =	vadd.f32 v4, v9;
	v8 =	vsub.f32 $0.0e+00, v51;
	[tilespmem:s22+$0x1AD80] =	vst v62  }
0x284: {  	p0 =	sne.s32 s21, $0x20;
	v6 =	vadd.f32 v57, v6;
	v7 =	vsub.f32 $0.0e+00, v56;
	[tilespmem:s22+$0x1AE00] =	vst v63  }
.Ltmp3:
0x285: {  	v59 =	vsub.f32 $0.0e+00, v4;
	[tilespmem:s22+$0x19D00] =	vst v8;
	(pc) =	sbr.rel @p0 .LBB2_2-.Ltmp3, $4  }
0x286: {  	v61 =	vsub.f32 $0.0e+00, v6;
	[tilespmem:s22+$0x19E80] =	vst v7  }
0x287: {  	v8 =	vsub.f32 $0.0e+00, v55;
	[tilespmem:s22+$0x1AC80] =	vst v59  }
0x288: {  	[tilespmem:s22+$0x1AD00] =	vst v61  }
0x289: {  	[tilespmem:s22+$0x19E00] =	vst v8;
	s22 =	smov.u32 s21  }
0x28a: {  	s20 =	sadd.s32 $0x1, s20  }
0x28b: {  	p0 =	sne.s32 s20, s8  }
.Ltmp4:
0x28c: {  	_ = 	snop;
	(pc) =	sbr.rel @p0 .LBB2_1-.Ltmp4, $4  }
0x28d: {  	[hbm4b:s7+s2] =	stream.linear.scatter [tilespmem:s18], [sflag:$0x3], $0x3000, $0x38;
	[tilespmem:$0x1BC00] =	vst v63  }
0x28e: {  	_ =	swait.ge [sflag:s19], $0x3000  }
0x28f: {  	[sflag:s19] =	ssyncset.done $0x0  }
0x290: {  	[sflag:s19] =	ssyncadd.s32 $0xFFFFD000  }
0x291: {  	_ =	sfence.sel $0x180000  }
0x292: {  	[bflag:$0x0] =	sbarrier.arrive $0xFFFF  }
0x293: {  	_ =	strace $0x90000047  }
0x294: {  	[bflag:$0x2] =	sbarrier.arrive $0xFFFF  }
0x295: {  	p0 =	sne.s32 s0, $0x0;
	s0 =	rddreg [dreg:$0x3]  }
0x296: {  	s0 =	sadd.s32 @!p0 $0x100000, s0  }
0x297: {  	[sflag:s0] =	ssyncadd.tile.s32 @!p0 $0x1;
	_ =	shalt  }
.Lfunc_end2:
_tile_overlayer_lowered:
.L_overlay_start_2:
0x298: {  	(tag) =	ssettag $0x2  }
0x299: {  	s0 =	rddreg [dreg:$0x0];
	s2 =	stileid.u32  }
0x29a: {  	s1 =	rddreg [dreg:$0x1];
	p0 =	sne.s32 s2, $0x0  }
0x29b: {  	s3 =	rddreg [dreg:$0x2];
	[bflag:$0x3] =	sbarrier.arrive $0xFFFF;
	s2 =	simm.s32 @!p0 $0x1C03  }
0x29c: {  	[timem:s3], [sflag:s2] =	dma.local @!p0 [hbm:s0], s1  }
0x29d: {  	s0 =	simm.s32 @!p0 $0x3  }
0x29e: {  	_ =	swait.ge @!p0 [sflag:s0], s1  }
0x29f: {  	s1 =	ssub.s32 @!p0 $0x0, s1;
	[sflag:s0] =	ssyncset.done @!p0 $0x0  }
0x2a0: {  	[sflag:s0] =	ssyncadd.s32 @!p0 s1  }
0x2a1: {  	[bflag:$0x3] =	sbarrier.arrive $0xFFFF  }
0x2a2: {  	_ =	shalt  }

</sc_bundles>
